<compile_context>
chip_gen: v7x
topology: tpu7x:2x2x1
jax: 0.10.2.dev20260603
libtpu: 0.0.44.dev20260713+nightly
codegen_flags: <defaults>
</compile_context>

<pallas_src>
import jax
import jax.numpy as jnp
from jax import lax
from jax.experimental import pallas as pl
from jax.experimental.pallas import tpu as pltpu
from jax.experimental.pallas import tpu_sc as plsc

B = 128
N = 32768
K = 256
NW = 32
R_PER = B // NW
NB = 1024
SEG = 768
CAP = 2 * SEG
NVREG = CAP // 16
NEG_INF = float("-inf")
BIG = 2 ** 30


def _key16(v):
    xi = lax.bitcast_convert_type(v, jnp.int32)
    s = lax.shift_right_arithmetic(xi, 31)
    ku = xi ^ (s | jnp.int32(-2147483648))
    return lax.shift_right_logical(ku, 16)


def _suffix_scan2(ha, hb):
    def step(i, carry):
        runa, ba, runb, bb = carry
        d = NB - 1 - i
        cnta = jnp.sum(ha[pl.ds(d * 16, 16)])
        cntb = jnp.sum(hb[pl.ds(d * 16, 16)])
        nruna = runa + cnta
        nrunb = runb + cntb
        ba = jnp.where((runa < K) & (nruna >= K), d, ba)
        bb = jnp.where((runb < K) & (nrunb >= K), d, bb)
        return (nruna, ba, nrunb, bb)
    z = jnp.int32(0)
    _, ba, _, bb = lax.fori_loop(
        0, NB, step, (z, z, z, z), unroll=4)
    return ba, bb


def _body(x_hbm, mask_hbm, idx_hbm,
          row_a, row_b, cva, cvb, cia, cib,
          h1a, h1b, pva, pvb, oia, oib, sem1, sem2, sem3, sem4):
    cid = lax.axis_index("c")
    sid = lax.axis_index("s")
    wid = sid * 2 + cid
    lanes = lax.iota(jnp.int32, 16)
    ones = jnp.ones((16,), jnp.int32)
    zeros_i = jnp.zeros((16,), jnp.int32)
    zeros_f = jnp.zeros((16,), jnp.float32)
    ones_f = jnp.ones((16,), jnp.float32)
    ninf_v = jnp.full((16,), NEG_INF, jnp.float32)
    lane0 = lanes == 0
    z32 = jnp.int32(0)

    def pair_loop(pp, _):
        ra = wid * R_PER + pp * 2
        rb = ra + 1
        cpa = pltpu.async_copy(x_hbm.at[pl.ds(ra * N, N)], row_a, sem1)
        cpb = pltpu.async_copy(x_hbm.at[pl.ds(rb * N, N)], row_b, sem2)
        cpa.wait()
        cpb.wait()

        def zh(i, _):
            h1a[pl.ds(i * 16, 16)] = zeros_i
            h1b[pl.ds(i * 16, 16)] = zeros_i
            return 0
        lax.fori_loop(0, NB, zh, 0, unroll=4)

        def hist1(i, _):
            ka = _key16(row_a[pl.ds(i * 16, 16)])
            kb = _key16(row_b[pl.ds(i * 16, 16)])
            d1a = lax.shift_right_logical(ka, 6)
            d1b = lax.shift_right_logical(kb, 6)
            plsc.addupdate_scatter(h1a, [d1a * 16 + lanes], ones)
            plsc.addupdate_scatter(h1b, [d1b * 16 + lanes], ones)
            return 0
        lax.fori_loop(0, N // 16, hist1, 0, unroll=4)

        b1a, b1b = _suffix_scan2(h1a, h1b)
        tha = b1a * 64
        thb = b1b * 64

        def pf(i, _):
            cva[pl.ds(i * 16, 16)] = ninf_v
            cvb[pl.ds(i * 16, 16)] = ninf_v
            return 0
        lax.fori_loop(0, NVREG, pf, 0, unroll=4)

        H = N // 32
        def comp(i, offs):
            oa1, oa2, ob1, ob2 = offs
            va1 = row_a[pl.ds(i * 16, 16)]
            va2 = row_a[pl.ds((H + i) * 16, 16)]
            vb1 = row_b[pl.ds(i * 16, 16)]
            vb2 = row_b[pl.ds((H + i) * 16, 16)]
            ma1 = _key16(va1) >= tha
            ma2 = _key16(va2) >= tha
            mb1 = _key16(vb1) >= thb
            mb2 = _key16(vb2) >= thb
            iv1 = i * 16 + lanes
            iv2 = (H + i) * 16 + lanes
            plsc.store_compressed(cva.at[pl.ds(oa1, 16)], va1, mask=ma1)
            plsc.store_compressed(cia.at[pl.ds(oa1, 16)], iv1, mask=ma1)
            plsc.store_compressed(cva.at[pl.ds(oa2, 16)], va2, mask=ma2)
            plsc.store_compressed(cia.at[pl.ds(oa2, 16)], iv2, mask=ma2)
            plsc.store_compressed(cvb.at[pl.ds(ob1, 16)], vb1, mask=mb1)
            plsc.store_compressed(cib.at[pl.ds(ob1, 16)], iv1, mask=mb1)
            plsc.store_compressed(cvb.at[pl.ds(ob2, 16)], vb2, mask=mb2)
            plsc.store_compressed(cib.at[pl.ds(ob2, 16)], iv2, mask=mb2)
            pa1 = plsc.all_reduce_population_count(ma1)[0]
            pa2 = plsc.all_reduce_population_count(ma2)[0]
            pb1 = plsc.all_reduce_population_count(mb1)[0]
            pb2 = plsc.all_reduce_population_count(mb2)[0]
            return (jnp.minimum(oa1 + pa1, SEG - 16),
                    jnp.minimum(oa2 + pa2, CAP - 16),
                    jnp.minimum(ob1 + pb1, SEG - 16),
                    jnp.minimum(ob2 + pb2, CAP - 16))
        lax.fori_loop(0, H, comp,
                      (z32, jnp.int32(SEG), z32, jnp.int32(SEG)),
                      unroll=4)

        def pvi(i, _):
            mxa = jnp.max(cva[pl.ds(i * 16, 16)])
            mxb = jnp.max(cvb[pl.ds(i * 16, 16)])
            iv = jnp.broadcast_to(i, (16,))
            plsc.store_scatter(pva, [iv], jnp.broadcast_to(mxa, (16,)),
                               mask=lane0)
            plsc.store_scatter(pvb, [iv], jnp.broadcast_to(mxb, (16,)),
                               mask=lane0)
            return 0
        lax.fori_loop(0, NVREG, pvi, 0, unroll=4)

        def zm(i, _):
            row_a[pl.ds(i * 16, 16)] = zeros_f
            row_b[pl.ds(i * 16, 16)] = zeros_f
            return 0
        lax.fori_loop(0, N // 16, zm, 0, unroll=8)

        def ext1(pv, cv, ci, oi, k):
            ps = [pv[pl.ds(16 * t, 16)] for t in range(NVREG // 16)]
            mx = ps[0]
            for p in ps[1:]:
                mx = jnp.maximum(mx, p)
            best = jnp.max(mx)
            bestv = jnp.broadcast_to(best, (16,))
            qs = [jnp.where(p == bestv, lanes + 16 * t, BIG)
                  for t, p in enumerate(ps)]
            mn = qs[0]
            for q in qs[1:]:
                mn = jnp.minimum(mn, q)
            j = jnp.min(mn)
            vv = cv[pl.ds(j * 16, 16)]
            pos = jnp.min(jnp.where(vv == bestv, j * 16 + lanes, BIG))
            posv = jnp.broadcast_to(pos, (16,))
            idxv = plsc.load_gather(ci, [posv])
            plsc.store_scatter(oi, [jnp.broadcast_to(k, (16,))], idxv,
                               mask=lane0)
            plsc.store_scatter(cv, [posv], ninf_v, mask=lane0)
            vv2 = jnp.where(lanes == pos - j * 16, ninf_v, vv)
            plsc.store_scatter(pv, [jnp.broadcast_to(j, (16,))],
                               jnp.broadcast_to(jnp.max(vv2), (16,)),
                               mask=lane0)

        def ext(k, _):
            ext1(pva, cva, cia, oia, k)
            ext1(pvb, cvb, cib, oib, k)
            return 0
        lax.fori_loop(0, K, ext, 0)

        def msc(j, _):
            plsc.store_scatter(row_a, [oia[pl.ds(j * 16, 16)]], ones_f)
            plsc.store_scatter(row_b, [oib[pl.ds(j * 16, 16)]], ones_f)
            return 0
        lax.fori_loop(0, K // 16, msc, 0, unroll=4)

        o1 = pltpu.async_copy(row_a, mask_hbm.at[pl.ds(ra * N, N)], sem1)
        o2 = pltpu.async_copy(row_b, mask_hbm.at[pl.ds(rb * N, N)], sem2)
        o3 = pltpu.async_copy(oia, idx_hbm.at[pl.ds(ra * K, K)], sem3)
        o4 = pltpu.async_copy(oib, idx_hbm.at[pl.ds(rb * K, K)], sem4)
        o1.wait()
        o2.wait()
        o3.wait()
        o4.wait()
        return 0

    lax.fori_loop(0, R_PER // 2, pair_loop, 0)


@jax.jit
def kernel(logits):
    xf = logits.reshape(-1)
    mesh = plsc.VectorSubcoreMesh(core_axis_name="c", subcore_axis_name="s")
    run = pl.kernel(
        _body, mesh=mesh,
        compiler_params=pltpu.CompilerParams(needs_layout_passes=False),
        out_type=[jax.ShapeDtypeStruct((B * N,), jnp.float32),
                  jax.ShapeDtypeStruct((B * K,), jnp.int32)],
        scratch_types=[
            pltpu.VMEM((N,), jnp.float32),
            pltpu.VMEM((N,), jnp.float32),
            pltpu.VMEM((CAP,), jnp.float32),
            pltpu.VMEM((CAP,), jnp.float32),
            pltpu.VMEM((CAP,), jnp.int32),
            pltpu.VMEM((CAP,), jnp.int32),
            pltpu.VMEM((NB * 16,), jnp.int32),
            pltpu.VMEM((NB * 16,), jnp.int32),
            pltpu.VMEM((NVREG,), jnp.float32),
            pltpu.VMEM((NVREG,), jnp.float32),
            pltpu.VMEM((K,), jnp.int32),
            pltpu.VMEM((K,), jnp.int32),
            pltpu.SemaphoreType.DMA,
            pltpu.SemaphoreType.DMA,
            pltpu.SemaphoreType.DMA,
            pltpu.SemaphoreType.DMA,
        ])
    mask_f, idx_f = run(xf)
    return mask_f.reshape(B, N), idx_f.reshape(B, K)

# --- scband reference (transcript-rebuilt; emitter-appended) ---
"""Pipeline reference for scband-top-kgumbel-selector-14508399526677 (READ-ONLY COPY).

The authoritative reference and input builder live on the scoring server;
editing this copy changes nothing except your own understanding.
"""

import jax, jax.numpy as jnp
import numpy as np

K = 256
TEMP = 1.0

def setup_inputs(seed: int = 0) -> dict:
    key = jax.random.key(seed)
    logits = jax.random.normal(key, (128, 32768), dtype=jnp.float32)
    return {"logits": logits}

def reference(logits):
    # Eval-mode path of TopKGumbelSelector.forward (self.training == False):
    # no Gumbel noise is added; topk is taken on raw logits.
    B, N = logits.shape
    topk_logits = logits
    _, topk_indices = jax.lax.top_k(topk_logits, K)  # (B, K)
    # mask_hard = zeros.scatter_(1, topk_indices, 1.0)
    row_idx = jnp.arange(B)[:, None]
    mask_hard = jnp.zeros_like(logits).at[row_idx, topk_indices].set(1.0)
    # mask_soft = softmax(logits / temp)
    mask_soft = jax.nn.softmax(logits / TEMP, axis=1)
    # STE: (mask_hard - mask_soft).detach() + mask_soft
    mask = jax.lax.stop_gradient(mask_hard - mask_soft) + mask_soft
    return (mask, topk_indices)

if __name__ == "__main__":
    import jax
    _d = setup_inputs()
    print(jax.jit(kernel)(*tuple(_d.values())))

</pallas_src>

<mosaic_0001>
#map = affine_map<(d0, d1) -> (0)>
module attributes {stable_mosaic.version = 14 : i64} {
  func.func @_body(%arg0: i32, %arg1: i32, %arg2: memref<4194304xf32, #tpu.memory_space<hbm>>, %arg3: memref<4194304xf32, #tpu.memory_space<hbm>>, %arg4: memref<32768xi32, #tpu.memory_space<hbm>>, %arg5: memref<32768xf32, #tpu.memory_space<vmem>>, %arg6: memref<32768xf32, #tpu.memory_space<vmem>>, %arg7: memref<1536xf32, #tpu.memory_space<vmem>>, %arg8: memref<1536xf32, #tpu.memory_space<vmem>>, %arg9: memref<1536xi32, #tpu.memory_space<vmem>>, %arg10: memref<1536xi32, #tpu.memory_space<vmem>>, %arg11: memref<16384xi32, #tpu.memory_space<vmem>>, %arg12: memref<16384xi32, #tpu.memory_space<vmem>>, %arg13: memref<96xf32, #tpu.memory_space<vmem>>, %arg14: memref<96xf32, #tpu.memory_space<vmem>>, %arg15: memref<256xi32, #tpu.memory_space<vmem>>, %arg16: memref<256xi32, #tpu.memory_space<vmem>>, %arg17: memref<!tpu.dma_semaphore, #tpu.memory_space<semaphore_mem>>, %arg18: memref<!tpu.dma_semaphore, #tpu.memory_space<semaphore_mem>>, %arg19: memref<!tpu.dma_semaphore, #tpu.memory_space<semaphore_mem>>, %arg20: memref<!tpu.dma_semaphore, #tpu.memory_space<semaphore_mem>>) attributes {dimension_semantics = [#tpu.dimension_semantics<core_parallel>, #tpu.dimension_semantics<subcore_parallel>], iteration_bounds = array<i64: 2, 16>, scalar_prefetch = 0 : i64, scratch_operands = 16 : i64, tpu.core_type = #tpu.core_type<sc_vector_subcore>, window_params = [{transform_indices = #map}, {transform_indices = #map}, {transform_indices = #map}]} {
    %mul3A = arith.constant 2 : i32
    %mul3A_0 = arith.muli %arg1, %mul3A : i32
    %add3A = arith.addi %mul3A_0, %arg0 : i32
    %iota3A = tpu.iota {dimensions = array<i32: 0>} : vector<16xi32>
    %broadcast_in_dim3A = arith.constant 1 : i32
    %broadcast_in_dim3A_1 = vector.broadcast %broadcast_in_dim3A : i32 to vector<16xi32>
    %broadcast_in_dim3A_2 = arith.constant 0 : i32
    %broadcast_in_dim3A_3 = vector.broadcast %broadcast_in_dim3A_2 : i32 to vector<16xi32>
    %broadcast_in_dim3A_4 = arith.constant 0.000000e+00 : f32
    %broadcast_in_dim3A_5 = vector.broadcast %broadcast_in_dim3A_4 : f32 to vector<16xf32>
    %broadcast_in_dim3A_6 = arith.constant 1.000000e+00 : f32
    %broadcast_in_dim3A_7 = vector.broadcast %broadcast_in_dim3A_6 : f32 to vector<16xf32>
    %broadcast_in_dim3A_8 = arith.constant 0xFF800000 : f32
    %broadcast_in_dim3A_9 = vector.broadcast %broadcast_in_dim3A_8 : f32 to vector<16xf32>
    %eq3A = arith.constant 0 : i32
    %eq3A_10 = vector.broadcast %eq3A : i32 to vector<16xi32>
    %eq3A_11 = arith.cmpi eq, %iota3A, %eq3A_10 : vector<16xi32>
    %scan3A = arith.constant 0 : i32
    %scan3A_12 = arith.constant 0 : i32
    %scan3A_13 = arith.constant 0 : i32
    %scan3A_14 = arith.constant 2 : i32
    %scan3A_15 = arith.addi %scan3A_13, %scan3A_14 : i32
    %scan3A_16 = arith.constant 1 : i32
    %scan3A_17 = scf.for %scan3A_19 = %scan3A_13 to %scan3A_15 step %scan3A_16 iter_args(%scan3A_20 = %scan3A_12) -> (i32)  : i32 {
      %mul3A_21 = arith.constant 4 : i32
      %mul3A_22 = arith.muli %add3A, %mul3A_21 : i32
      %mul3A_23 = arith.constant 2 : i32
      %mul3A_24 = arith.muli %scan3A_19, %mul3A_23 : i32
      %add3A_25 = arith.addi %mul3A_22, %mul3A_24 : i32
      %add3A_26 = arith.constant 1 : i32
      %add3A_27 = arith.addi %add3A_25, %add3A_26 : i32
      %mul3A_28 = arith.constant 32768 : i32
      %mul3A_29 = arith.muli %add3A_25, %mul3A_28 : i32
      %dma_start3A = tpu.memref_slice %arg2[%mul3A_29] : memref<4194304xf32, #tpu.memory_space<hbm>> -> memref<32768xf32, #tpu.memory_space<hbm>>
      %dma_start3A_30 = tpu.memref_slice %arg2[%mul3A_29] : memref<4194304xf32, #tpu.memory_space<hbm>> -> memref<32768xf32, #tpu.memory_space<hbm>>
      tpu.enqueue_dma source(%dma_start3A_30 : memref<32768xf32, #tpu.memory_space<hbm>>) target(%arg5 : memref<32768xf32, #tpu.memory_space<vmem>>) target_semaphore(%arg17 : memref<!tpu.dma_semaphore, #tpu.memory_space<semaphore_mem>>)
      %mul3A_31 = arith.constant 32768 : i32
      %mul3A_32 = arith.muli %add3A_27, %mul3A_31 : i32
      %dma_start3A_33 = tpu.memref_slice %arg2[%mul3A_32] : memref<4194304xf32, #tpu.memory_space<hbm>> -> memref<32768xf32, #tpu.memory_space<hbm>>
      %dma_start3A_34 = tpu.memref_slice %arg2[%mul3A_32] : memref<4194304xf32, #tpu.memory_space<hbm>> -> memref<32768xf32, #tpu.memory_space<hbm>>
      tpu.enqueue_dma source(%dma_start3A_34 : memref<32768xf32, #tpu.memory_space<hbm>>) target(%arg6 : memref<32768xf32, #tpu.memory_space<vmem>>) target_semaphore(%arg18 : memref<!tpu.dma_semaphore, #tpu.memory_space<semaphore_mem>>)
      %dma_wait3A = tpu.memref_slice %arg2[%mul3A_29] : memref<4194304xf32, #tpu.memory_space<hbm>> -> memref<32768xf32, #tpu.memory_space<hbm>>
      %dma_wait3A_35 = tpu.memref_slice %arg2[%mul3A_29] : memref<4194304xf32, #tpu.memory_space<hbm>> -> memref<32768xf32, #tpu.memory_space<hbm>>
      tpu.wait_dma2 semaphore(%arg17 : memref<!tpu.dma_semaphore, #tpu.memory_space<semaphore_mem>>) src(%dma_wait3A_35 : memref<32768xf32, #tpu.memory_space<hbm>>) dst(%arg5 : memref<32768xf32, #tpu.memory_space<vmem>>)
      %dma_wait3A_36 = tpu.memref_slice %arg2[%mul3A_32] : memref<4194304xf32, #tpu.memory_space<hbm>> -> memref<32768xf32, #tpu.memory_space<hbm>>
      %dma_wait3A_37 = tpu.memref_slice %arg2[%mul3A_32] : memref<4194304xf32, #tpu.memory_space<hbm>> -> memref<32768xf32, #tpu.memory_space<hbm>>
      tpu.wait_dma2 semaphore(%arg18 : memref<!tpu.dma_semaphore, #tpu.memory_space<semaphore_mem>>) src(%dma_wait3A_37 : memref<32768xf32, #tpu.memory_space<hbm>>) dst(%arg6 : memref<32768xf32, #tpu.memory_space<vmem>>)
      %scan3A_38 = arith.constant 0 : i32
      %scan3A_39 = arith.constant 0 : i32
      %scan3A_40 = arith.constant 1024 : i32
      %scan3A_41 = arith.addi %scan3A_39, %scan3A_40 : i32
      %scan3A_42 = arith.constant 4 : i32
      %scan3A_43 = scf.for %scan3A_134 = %scan3A_39 to %scan3A_41 step %scan3A_42 iter_args(%scan3A_135 = %scan3A_38) -> (i32)  : i32 {
        %mul3A_136 = arith.constant 16 : i32
        %mul3A_137 = arith.muli %scan3A_134, %mul3A_136 : i32
        %swap3A = arith.index_cast %mul3A_137 : i32 to index
        %swap3A_138 = tpu.vector_load %arg11[%swap3A] {strides = array<i32>} : memref<16384xi32, #tpu.memory_space<vmem>>, vector<16xi32>,
        tpu.vector_store %arg11[%swap3A], %broadcast_in_dim3A_3 {strides = array<i32>} : memref<16384xi32, #tpu.memory_space<vmem>>, vector<16xi32>,
        %mul3A_139 = arith.constant 16 : i32
        %mul3A_140 = arith.muli %scan3A_134, %mul3A_139 : i32
        %swap3A_141 = arith.index_cast %mul3A_140 : i32 to index
        %swap3A_142 = tpu.vector_load %arg12[%swap3A_141] {strides = array<i32>} : memref<16384xi32, #tpu.memory_space<vmem>>, vector<16xi32>,
        tpu.vector_store %arg12[%swap3A_141], %broadcast_in_dim3A_3 {strides = array<i32>} : memref<16384xi32, #tpu.memory_space<vmem>>, vector<16xi32>,
        %scan3A_143 = arith.constant 0 : i32
        %scan3A_144 = arith.constant 1 : i32
        %scan3A_145 = arith.addi %scan3A_134, %scan3A_144 : i32
        %mul3A_146 = arith.constant 16 : i32
        %mul3A_147 = arith.muli %scan3A_145, %mul3A_146 : i32
        %swap3A_148 = arith.index_cast %mul3A_147 : i32 to index
        %swap3A_149 = tpu.vector_load %arg11[%swap3A_148] {strides = array<i32>} : memref<16384xi32, #tpu.memory_space<vmem>>, vector<16xi32>,
        tpu.vector_store %arg11[%swap3A_148], %broadcast_in_dim3A_3 {strides = array<i32>} : memref<16384xi32, #tpu.memory_space<vmem>>, vector<16xi32>,
        %mul3A_150 = arith.constant 16 : i32
        %mul3A_151 = arith.muli %scan3A_145, %mul3A_150 : i32
        %swap3A_152 = arith.index_cast %mul3A_151 : i32 to index
        %swap3A_153 = tpu.vector_load %arg12[%swap3A_152] {strides = array<i32>} : memref<16384xi32, #tpu.memory_space<vmem>>, vector<16xi32>,
        tpu.vector_store %arg12[%swap3A_152], %broadcast_in_dim3A_3 {strides = array<i32>} : memref<16384xi32, #tpu.memory_space<vmem>>, vector<16xi32>,
        %scan3A_154 = arith.constant 0 : i32
        %scan3A_155 = arith.constant 2 : i32
        %scan3A_156 = arith.addi %scan3A_134, %scan3A_155 : i32
        %mul3A_157 = arith.constant 16 : i32
        %mul3A_158 = arith.muli %scan3A_156, %mul3A_157 : i32
        %swap3A_159 = arith.index_cast %mul3A_158 : i32 to index
        %swap3A_160 = tpu.vector_load %arg11[%swap3A_159] {strides = array<i32>} : memref<16384xi32, #tpu.memory_space<vmem>>, vector<16xi32>,
        tpu.vector_store %arg11[%swap3A_159], %broadcast_in_dim3A_3 {strides = array<i32>} : memref<16384xi32, #tpu.memory_space<vmem>>, vector<16xi32>,
        %mul3A_161 = arith.constant 16 : i32
        %mul3A_162 = arith.muli %scan3A_156, %mul3A_161 : i32
        %swap3A_163 = arith.index_cast %mul3A_162 : i32 to index
        %swap3A_164 = tpu.vector_load %arg12[%swap3A_163] {strides = array<i32>} : memref<16384xi32, #tpu.memory_space<vmem>>, vector<16xi32>,
        tpu.vector_store %arg12[%swap3A_163], %broadcast_in_dim3A_3 {strides = array<i32>} : memref<16384xi32, #tpu.memory_space<vmem>>, vector<16xi32>,
        %scan3A_165 = arith.constant 0 : i32
        %scan3A_166 = arith.constant 3 : i32
        %scan3A_167 = arith.addi %scan3A_134, %scan3A_166 : i32
        %mul3A_168 = arith.constant 16 : i32
        %mul3A_169 = arith.muli %scan3A_167, %mul3A_168 : i32
        %swap3A_170 = arith.index_cast %mul3A_169 : i32 to index
        %swap3A_171 = tpu.vector_load %arg11[%swap3A_170] {strides = array<i32>} : memref<16384xi32, #tpu.memory_space<vmem>>, vector<16xi32>,
        tpu.vector_store %arg11[%swap3A_170], %broadcast_in_dim3A_3 {strides = array<i32>} : memref<16384xi32, #tpu.memory_space<vmem>>, vector<16xi32>,
        %mul3A_172 = arith.constant 16 : i32
        %mul3A_173 = arith.muli %scan3A_167, %mul3A_172 : i32
        %swap3A_174 = arith.index_cast %mul3A_173 : i32 to index
        %swap3A_175 = tpu.vector_load %arg12[%swap3A_174] {strides = array<i32>} : memref<16384xi32, #tpu.memory_space<vmem>>, vector<16xi32>,
        tpu.vector_store %arg12[%swap3A_174], %broadcast_in_dim3A_3 {strides = array<i32>} : memref<16384xi32, #tpu.memory_space<vmem>>, vector<16xi32>,
        %scan3A_176 = arith.constant 0 : i32
        scf.yield %scan3A_176 : i32
      }
      %scan3A_44 = arith.constant 1024 : i32
      %scan3A_45 = arith.constant 0 : i32
      %scan3A_46 = arith.constant 0 : i32
      %scan3A_47 = arith.constant 2048 : i32
      %scan3A_48 = arith.addi %scan3A_46, %scan3A_47 : i32
      %scan3A_49 = arith.constant 4 : i32
      %scan3A_50 = scf.for %scan3A_134 = %scan3A_46 to %scan3A_48 step %scan3A_49 iter_args(%scan3A_135 = %scan3A_45) -> (i32)  : i32 {
        %mul3A_136 = arith.constant 16 : i32
        %mul3A_137 = arith.muli %scan3A_134, %mul3A_136 : i32
        %get3A = arith.index_cast %mul3A_137 : i32 to index
        %get3A_138 = tpu.vector_load %arg5[%get3A] {strides = array<i32>} : memref<32768xf32, #tpu.memory_space<vmem>>, vector<16xf32>,
        %bitcast_convert_type3A = tpu.bitcast %get3A_138 : vector<16xf32> -> vector<16xi32>
        %shift_right_arithmetic3A = arith.constant 31 : i32
        %shift_right_arithmetic3A_139 = vector.broadcast %shift_right_arithmetic3A : i32 to vector<16xi32>
        %shift_right_arithmetic3A_140 = arith.shrsi %bitcast_convert_type3A, %shift_right_arithmetic3A_139 : vector<16xi32>
        %or3A = arith.constant -2147483648 : i32
        %or3A_141 = vector.broadcast %or3A : i32 to vector<16xi32>
        %or3A_142 = arith.ori %shift_right_arithmetic3A_140, %or3A_141 : vector<16xi32>
        %xor3A = arith.xori %bitcast_convert_type3A, %or3A_142 : vector<16xi32>
        %shift_right_logical3A = arith.constant 16 : i32
        %shift_right_logical3A_143 = vector.broadcast %shift_right_logical3A : i32 to vector<16xi32>
        %shift_right_logical3A_144 = arith.shrui %xor3A, %shift_right_logical3A_143 : vector<16xi32>
        %mul3A_145 = arith.constant 16 : i32
        %mul3A_146 = arith.muli %scan3A_134, %mul3A_145 : i32
        %get3A_147 = arith.index_cast %mul3A_146 : i32 to index
        %get3A_148 = tpu.vector_load %arg6[%get3A_147] {strides = array<i32>} : memref<32768xf32, #tpu.memory_space<vmem>>, vector<16xf32>,
        %bitcast_convert_type3A_149 = tpu.bitcast %get3A_148 : vector<16xf32> -> vector<16xi32>
        %shift_right_arithmetic3A_150 = arith.constant 31 : i32
        %shift_right_arithmetic3A_151 = vector.broadcast %shift_right_arithmetic3A_150 : i32 to vector<16xi32>
        %shift_right_arithmetic3A_152 = arith.shrsi %bitcast_convert_type3A_149, %shift_right_arithmetic3A_151 : vector<16xi32>
        %or3A_153 = arith.constant -2147483648 : i32
        %or3A_154 = vector.broadcast %or3A_153 : i32 to vector<16xi32>
        %or3A_155 = arith.ori %shift_right_arithmetic3A_152, %or3A_154 : vector<16xi32>
        %xor3A_156 = arith.xori %bitcast_convert_type3A_149, %or3A_155 : vector<16xi32>
        %shift_right_logical3A_157 = arith.constant 16 : i32
        %shift_right_logical3A_158 = vector.broadcast %shift_right_logical3A_157 : i32 to vector<16xi32>
        %shift_right_logical3A_159 = arith.shrui %xor3A_156, %shift_right_logical3A_158 : vector<16xi32>
        %shift_right_logical3A_160 = arith.constant 6 : i32
        %shift_right_logical3A_161 = vector.broadcast %shift_right_logical3A_160 : i32 to vector<16xi32>
        %shift_right_logical3A_162 = arith.shrui %shift_right_logical3A_144, %shift_right_logical3A_161 : vector<16xi32>
        %shift_right_logical3A_163 = arith.constant 6 : i32
        %shift_right_logical3A_164 = vector.broadcast %shift_right_logical3A_163 : i32 to vector<16xi32>
        %shift_right_logical3A_165 = arith.shrui %shift_right_logical3A_159, %shift_right_logical3A_164 : vector<16xi32>
        %mul3A_166 = arith.constant 16 : i32
        %mul3A_167 = vector.broadcast %mul3A_166 : i32 to vector<16xi32>
        %mul3A_168 = arith.muli %shift_right_logical3A_162, %mul3A_167 : vector<16xi32>
        %add3A_169 = arith.addi %mul3A_168, %iota3A : vector<16xi32>
        tpu.vector_store_idx %arg11[%add3A_169], %broadcast_in_dim3A_1 {add = true} : memref<16384xi32, #tpu.memory_space<vmem>>[vector<16xi32>], vector<16xi32>,
        %mul3A_170 = arith.constant 16 : i32
        %mul3A_171 = vector.broadcast %mul3A_170 : i32 to vector<16xi32>
        %mul3A_172 = arith.muli %shift_right_logical3A_165, %mul3A_171 : vector<16xi32>
        %add3A_173 = arith.addi %mul3A_172, %iota3A : vector<16xi32>
        tpu.vector_store_idx %arg12[%add3A_173], %broadcast_in_dim3A_1 {add = true} : memref<16384xi32, #tpu.memory_space<vmem>>[vector<16xi32>], vector<16xi32>,
        %scan3A_174 = arith.constant 0 : i32
        %scan3A_175 = arith.constant 1 : i32
        %scan3A_176 = arith.addi %scan3A_134, %scan3A_175 : i32
        %mul3A_177 = arith.constant 16 : i32
        %mul3A_178 = arith.muli %scan3A_176, %mul3A_177 : i32
        %get3A_179 = arith.index_cast %mul3A_178 : i32 to index
        %get3A_180 = tpu.vector_load %arg5[%get3A_179] {strides = array<i32>} : memref<32768xf32, #tpu.memory_space<vmem>>, vector<16xf32>,
        %bitcast_convert_type3A_181 = tpu.bitcast %get3A_180 : vector<16xf32> -> vector<16xi32>
        %shift_right_arithmetic3A_182 = arith.constant 31 : i32
        %shift_right_arithmetic3A_183 = vector.broadcast %shift_right_arithmetic3A_182 : i32 to vector<16xi32>
        %shift_right_arithmetic3A_184 = arith.shrsi %bitcast_convert_type3A_181, %shift_right_arithmetic3A_183 : vector<16xi32>
        %or3A_185 = arith.constant -2147483648 : i32
        %or3A_186 = vector.broadcast %or3A_185 : i32 to vector<16xi32>
        %or3A_187 = arith.ori %shift_right_arithmetic3A_184, %or3A_186 : vector<16xi32>
        %xor3A_188 = arith.xori %bitcast_convert_type3A_181, %or3A_187 : vector<16xi32>
        %shift_right_logical3A_189 = arith.constant 16 : i32
        %shift_right_logical3A_190 = vector.broadcast %shift_right_logical3A_189 : i32 to vector<16xi32>
        %shift_right_logical3A_191 = arith.shrui %xor3A_188, %shift_right_logical3A_190 : vector<16xi32>
        %mul3A_192 = arith.constant 16 : i32
        %mul3A_193 = arith.muli %scan3A_176, %mul3A_192 : i32
        %get3A_194 = arith.index_cast %mul3A_193 : i32 to index
        %get3A_195 = tpu.vector_load %arg6[%get3A_194] {strides = array<i32>} : memref<32768xf32, #tpu.memory_space<vmem>>, vector<16xf32>,
        %bitcast_convert_type3A_196 = tpu.bitcast %get3A_195 : vector<16xf32> -> vector<16xi32>
        %shift_right_arithmetic3A_197 = arith.constant 31 : i32
        %shift_right_arithmetic3A_198 = vector.broadcast %shift_right_arithmetic3A_197 : i32 to vector<16xi32>
        %shift_right_arithmetic3A_199 = arith.shrsi %bitcast_convert_type3A_196, %shift_right_arithmetic3A_198 : vector<16xi32>
        %or3A_200 = arith.constant -2147483648 : i32
        %or3A_201 = vector.broadcast %or3A_200 : i32 to vector<16xi32>
        %or3A_202 = arith.ori %shift_right_arithmetic3A_199, %or3A_201 : vector<16xi32>
        %xor3A_203 = arith.xori %bitcast_convert_type3A_196, %or3A_202 : vector<16xi32>
        %shift_right_logical3A_204 = arith.constant 16 : i32
        %shift_right_logical3A_205 = vector.broadcast %shift_right_logical3A_204 : i32 to vector<16xi32>
        %shift_right_logical3A_206 = arith.shrui %xor3A_203, %shift_right_logical3A_205 : vector<16xi32>
        %shift_right_logical3A_207 = arith.constant 6 : i32
        %shift_right_logical3A_208 = vector.broadcast %shift_right_logical3A_207 : i32 to vector<16xi32>
        %shift_right_logical3A_209 = arith.shrui %shift_right_logical3A_191, %shift_right_logical3A_208 : vector<16xi32>
        %shift_right_logical3A_210 = arith.constant 6 : i32
        %shift_right_logical3A_211 = vector.broadcast %shift_right_logical3A_210 : i32 to vector<16xi32>
        %shift_right_logical3A_212 = arith.shrui %shift_right_logical3A_206, %shift_right_logical3A_211 : vector<16xi32>
        %mul3A_213 = arith.constant 16 : i32
        %mul3A_214 = vector.broadcast %mul3A_213 : i32 to vector<16xi32>
        %mul3A_215 = arith.muli %shift_right_logical3A_209, %mul3A_214 : vector<16xi32>
        %add3A_216 = arith.addi %mul3A_215, %iota3A : vector<16xi32>
        tpu.vector_store_idx %arg11[%add3A_216], %broadcast_in_dim3A_1 {add = true} : memref<16384xi32, #tpu.memory_space<vmem>>[vector<16xi32>], vector<16xi32>,
        %mul3A_217 = arith.constant 16 : i32
        %mul3A_218 = vector.broadcast %mul3A_217 : i32 to vector<16xi32>
        %mul3A_219 = arith.muli %shift_right_logical3A_212, %mul3A_218 : vector<16xi32>
        %add3A_220 = arith.addi %mul3A_219, %iota3A : vector<16xi32>
        tpu.vector_store_idx %arg12[%add3A_220], %broadcast_in_dim3A_1 {add = true} : memref<16384xi32, #tpu.memory_space<vmem>>[vector<16xi32>], vector<16xi32>,
        %scan3A_221 = arith.constant 0 : i32
        %scan3A_222 = arith.constant 2 : i32
        %scan3A_223 = arith.addi %scan3A_134, %scan3A_222 : i32
        %mul3A_224 = arith.constant 16 : i32
        %mul3A_225 = arith.muli %scan3A_223, %mul3A_224 : i32
        %get3A_226 = arith.index_cast %mul3A_225 : i32 to index
        %get3A_227 = tpu.vector_load %arg5[%get3A_226] {strides = array<i32>} : memref<32768xf32, #tpu.memory_space<vmem>>, vector<16xf32>,
        %bitcast_convert_type3A_228 = tpu.bitcast %get3A_227 : vector<16xf32> -> vector<16xi32>
        %shift_right_arithmetic3A_229 = arith.constant 31 : i32
        %shift_right_arithmetic3A_230 = vector.broadcast %shift_right_arithmetic3A_229 : i32 to vector<16xi32>
        %shift_right_arithmetic3A_231 = arith.shrsi %bitcast_convert_type3A_228, %shift_right_arithmetic3A_230 : vector<16xi32>
        %or3A_232 = arith.constant -2147483648 : i32
        %or3A_233 = vector.broadcast %or3A_232 : i32 to vector<16xi32>
        %or3A_234 = arith.ori %shift_right_arithmetic3A_231, %or3A_233 : vector<16xi32>
        %xor3A_235 = arith.xori %bitcast_convert_type3A_228, %or3A_234 : vector<16xi32>
        %shift_right_logical3A_236 = arith.constant 16 : i32
        %shift_right_logical3A_237 = vector.broadcast %shift_right_logical3A_236 : i32 to vector<16xi32>
        %shift_right_logical3A_238 = arith.shrui %xor3A_235, %shift_right_logical3A_237 : vector<16xi32>
        %mul3A_239 = arith.constant 16 : i32
        %mul3A_240 = arith.muli %scan3A_223, %mul3A_239 : i32
        %get3A_241 = arith.index_cast %mul3A_240 : i32 to index
        %get3A_242 = tpu.vector_load %arg6[%get3A_241] {strides = array<i32>} : memref<32768xf32, #tpu.memory_space<vmem>>, vector<16xf32>,
        %bitcast_convert_type3A_243 = tpu.bitcast %get3A_242 : vector<16xf32> -> vector<16xi32>
        %shift_right_arithmetic3A_244 = arith.constant 31 : i32
        %shift_right_arithmetic3A_245 = vector.broadcast %shift_right_arithmetic3A_244 : i32 to vector<16xi32>
        %shift_right_arithmetic3A_246 = arith.shrsi %bitcast_convert_type3A_243, %shift_right_arithmetic3A_245 : vector<16xi32>
        %or3A_247 = arith.constant -2147483648 : i32
        %or3A_248 = vector.broadcast %or3A_247 : i32 to vector<16xi32>
        %or3A_249 = arith.ori %shift_right_arithmetic3A_246, %or3A_248 : vector<16xi32>
        %xor3A_250 = arith.xori %bitcast_convert_type3A_243, %or3A_249 : vector<16xi32>
        %shift_right_logical3A_251 = arith.constant 16 : i32
        %shift_right_logical3A_252 = vector.broadcast %shift_right_logical3A_251 : i32 to vector<16xi32>
        %shift_right_logical3A_253 = arith.shrui %xor3A_250, %shift_right_logical3A_252 : vector<16xi32>
        %shift_right_logical3A_254 = arith.constant 6 : i32
        %shift_right_logical3A_255 = vector.broadcast %shift_right_logical3A_254 : i32 to vector<16xi32>
        %shift_right_logical3A_256 = arith.shrui %shift_right_logical3A_238, %shift_right_logical3A_255 : vector<16xi32>
        %shift_right_logical3A_257 = arith.constant 6 : i32
        %shift_right_logical3A_258 = vector.broadcast %shift_right_logical3A_257 : i32 to vector<16xi32>
        %shift_right_logical3A_259 = arith.shrui %shift_right_logical3A_253, %shift_right_logical3A_258 : vector<16xi32>
        %mul3A_260 = arith.constant 16 : i32
        %mul3A_261 = vector.broadcast %mul3A_260 : i32 to vector<16xi32>
        %mul3A_262 = arith.muli %shift_right_logical3A_256, %mul3A_261 : vector<16xi32>
        %add3A_263 = arith.addi %mul3A_262, %iota3A : vector<16xi32>
        tpu.vector_store_idx %arg11[%add3A_263], %broadcast_in_dim3A_1 {add = true} : memref<16384xi32, #tpu.memory_space<vmem>>[vector<16xi32>], vector<16xi32>,
        %mul3A_264 = arith.constant 16 : i32
        %mul3A_265 = vector.broadcast %mul3A_264 : i32 to vector<16xi32>
        %mul3A_266 = arith.muli %shift_right_logical3A_259, %mul3A_265 : vector<16xi32>
        %add3A_267 = arith.addi %mul3A_266, %iota3A : vector<16xi32>
        tpu.vector_store_idx %arg12[%add3A_267], %broadcast_in_dim3A_1 {add = true} : memref<16384xi32, #tpu.memory_space<vmem>>[vector<16xi32>], vector<16xi32>,
        %scan3A_268 = arith.constant 0 : i32
        %scan3A_269 = arith.constant 3 : i32
        %scan3A_270 = arith.addi %scan3A_134, %scan3A_269 : i32
        %mul3A_271 = arith.constant 16 : i32
        %mul3A_272 = arith.muli %scan3A_270, %mul3A_271 : i32
        %get3A_273 = arith.index_cast %mul3A_272 : i32 to index
        %get3A_274 = tpu.vector_load %arg5[%get3A_273] {strides = array<i32>} : memref<32768xf32, #tpu.memory_space<vmem>>, vector<16xf32>,
        %bitcast_convert_type3A_275 = tpu.bitcast %get3A_274 : vector<16xf32> -> vector<16xi32>
        %shift_right_arithmetic3A_276 = arith.constant 31 : i32
        %shift_right_arithmetic3A_277 = vector.broadcast %shift_right_arithmetic3A_276 : i32 to vector<16xi32>
        %shift_right_arithmetic3A_278 = arith.shrsi %bitcast_convert_type3A_275, %shift_right_arithmetic3A_277 : vector<16xi32>
        %or3A_279 = arith.constant -2147483648 : i32
        %or3A_280 = vector.broadcast %or3A_279 : i32 to vector<16xi32>
        %or3A_281 = arith.ori %shift_right_arithmetic3A_278, %or3A_280 : vector<16xi32>
        %xor3A_282 = arith.xori %bitcast_convert_type3A_275, %or3A_281 : vector<16xi32>
        %shift_right_logical3A_283 = arith.constant 16 : i32
        %shift_right_logical3A_284 = vector.broadcast %shift_right_logical3A_283 : i32 to vector<16xi32>
        %shift_right_logical3A_285 = arith.shrui %xor3A_282, %shift_right_logical3A_284 : vector<16xi32>
        %mul3A_286 = arith.constant 16 : i32
        %mul3A_287 = arith.muli %scan3A_270, %mul3A_286 : i32
        %get3A_288 = arith.index_cast %mul3A_287 : i32 to index
        %get3A_289 = tpu.vector_load %arg6[%get3A_288] {strides = array<i32>} : memref<32768xf32, #tpu.memory_space<vmem>>, vector<16xf32>,
        %bitcast_convert_type3A_290 = tpu.bitcast %get3A_289 : vector<16xf32> -> vector<16xi32>
        %shift_right_arithmetic3A_291 = arith.constant 31 : i32
        %shift_right_arithmetic3A_292 = vector.broadcast %shift_right_arithmetic3A_291 : i32 to vector<16xi32>
        %shift_right_arithmetic3A_293 = arith.shrsi %bitcast_convert_type3A_290, %shift_right_arithmetic3A_292 : vector<16xi32>
        %or3A_294 = arith.constant -2147483648 : i32
        %or3A_295 = vector.broadcast %or3A_294 : i32 to vector<16xi32>
        %or3A_296 = arith.ori %shift_right_arithmetic3A_293, %or3A_295 : vector<16xi32>
        %xor3A_297 = arith.xori %bitcast_convert_type3A_290, %or3A_296 : vector<16xi32>
        %shift_right_logical3A_298 = arith.constant 16 : i32
        %shift_right_logical3A_299 = vector.broadcast %shift_right_logical3A_298 : i32 to vector<16xi32>
        %shift_right_logical3A_300 = arith.shrui %xor3A_297, %shift_right_logical3A_299 : vector<16xi32>
        %shift_right_logical3A_301 = arith.constant 6 : i32
        %shift_right_logical3A_302 = vector.broadcast %shift_right_logical3A_301 : i32 to vector<16xi32>
        %shift_right_logical3A_303 = arith.shrui %shift_right_logical3A_285, %shift_right_logical3A_302 : vector<16xi32>
        %shift_right_logical3A_304 = arith.constant 6 : i32
        %shift_right_logical3A_305 = vector.broadcast %shift_right_logical3A_304 : i32 to vector<16xi32>
        %shift_right_logical3A_306 = arith.shrui %shift_right_logical3A_300, %shift_right_logical3A_305 : vector<16xi32>
        %mul3A_307 = arith.constant 16 : i32
        %mul3A_308 = vector.broadcast %mul3A_307 : i32 to vector<16xi32>
        %mul3A_309 = arith.muli %shift_right_logical3A_303, %mul3A_308 : vector<16xi32>
        %add3A_310 = arith.addi %mul3A_309, %iota3A : vector<16xi32>
        tpu.vector_store_idx %arg11[%add3A_310], %broadcast_in_dim3A_1 {add = true} : memref<16384xi32, #tpu.memory_space<vmem>>[vector<16xi32>], vector<16xi32>,
        %mul3A_311 = arith.constant 16 : i32
        %mul3A_312 = vector.broadcast %mul3A_311 : i32 to vector<16xi32>
        %mul3A_313 = arith.muli %shift_right_logical3A_306, %mul3A_312 : vector<16xi32>
        %add3A_314 = arith.addi %mul3A_313, %iota3A : vector<16xi32>
        tpu.vector_store_idx %arg12[%add3A_314], %broadcast_in_dim3A_1 {add = true} : memref<16384xi32, #tpu.memory_space<vmem>>[vector<16xi32>], vector<16xi32>,
        %scan3A_315 = arith.constant 0 : i32
        scf.yield %scan3A_315 : i32
      }
      %scan3A_51 = arith.constant 2048 : i32
      %scan3A_52 = arith.constant 0 : i32
      %scan3A_53 = arith.constant 0 : i32
      %scan3A_54 = arith.constant 0 : i32
      %scan3A_55 = arith.constant 0 : i32
      %scan3A_56 = arith.constant 0 : i32
      %scan3A_57 = arith.constant 1024 : i32
      %scan3A_58 = arith.addi %scan3A_56, %scan3A_57 : i32
      %scan3A_59 = arith.constant 4 : i32
      %scan3A_60:4 = scf.for %scan3A_134 = %scan3A_56 to %scan3A_58 step %scan3A_59 iter_args(%scan3A_135 = %scan3A_52, %scan3A_136 = %scan3A_53, %scan3A_137 = %scan3A_54, %scan3A_138 = %scan3A_55) -> (i32, i32, i32, i32)  : i32 {
        %sub3A = arith.constant 1023 : i32
        %sub3A_139 = arith.subi %sub3A, %scan3A_134 : i32
        %mul3A_140 = arith.constant 16 : i32
        %mul3A_141 = arith.muli %sub3A_139, %mul3A_140 : i32
        %get3A = arith.index_cast %mul3A_141 : i32 to index
        %get3A_142 = tpu.vector_load %arg11[%get3A] {strides = array<i32>} : memref<16384xi32, #tpu.memory_space<vmem>>, vector<16xi32>,
        %reduce_sum3A = arith.constant true
        %reduce_sum3A_143 = vector.broadcast %reduce_sum3A : i1 to vector<16xi1>
        %reduce_sum3A_144 = tpu.scan <sum>, %get3A_142 masked %reduce_sum3A_143 : vector<16xi32>, vector<16xi1> -> vector<16xi32>
        %reduce_sum3A_145 = vector.extract %reduce_sum3A_144[15] : i32 from vector<16xi32>
        %mul3A_146 = arith.constant 16 : i32
        %mul3A_147 = arith.muli %sub3A_139, %mul3A_146 : i32
        %get3A_148 = arith.index_cast %mul3A_147 : i32 to index
        %get3A_149 = tpu.vector_load %arg12[%get3A_148] {strides = array<i32>} : memref<16384xi32, #tpu.memory_space<vmem>>, vector<16xi32>,
        %reduce_sum3A_150 = arith.constant true
        %reduce_sum3A_151 = vector.broadcast %reduce_sum3A_150 : i1 to vector<16xi1>
        %reduce_sum3A_152 = tpu.scan <sum>, %get3A_149 masked %reduce_sum3A_151 : vector<16xi32>, vector<16xi1> -> vector<16xi32>
        %reduce_sum3A_153 = vector.extract %reduce_sum3A_152[15] : i32 from vector<16xi32>
        %add3A_154 = arith.addi %scan3A_135, %reduce_sum3A_145 : i32
        %add3A_155 = arith.addi %scan3A_137, %reduce_sum3A_153 : i32
        %lt3A = arith.constant 256 : i32
        %lt3A_156 = arith.cmpi slt, %scan3A_135, %lt3A : i32
        %ge3A = arith.constant 256 : i32
        %ge3A_157 = arith.cmpi sge, %add3A_154, %ge3A : i32
        %and3A = arith.andi %lt3A_156, %ge3A_157 : i1
        %select_n3A = arith.select %and3A, %sub3A_139, %scan3A_136 : i32
        %lt3A_158 = arith.constant 256 : i32
        %lt3A_159 = arith.cmpi slt, %scan3A_137, %lt3A_158 : i32
        %ge3A_160 = arith.constant 256 : i32
        %ge3A_161 = arith.cmpi sge, %add3A_155, %ge3A_160 : i32
        %and3A_162 = arith.andi %lt3A_159, %ge3A_161 : i1
        %select_n3A_163 = arith.select %and3A_162, %sub3A_139, %scan3A_138 : i32
        %scan3A_164 = arith.constant 1 : i32
        %scan3A_165 = arith.addi %scan3A_134, %scan3A_164 : i32
        %sub3A_166 = arith.constant 1023 : i32
        %sub3A_167 = arith.subi %sub3A_166, %scan3A_165 : i32
        %mul3A_168 = arith.constant 16 : i32
        %mul3A_169 = arith.muli %sub3A_167, %mul3A_168 : i32
        %get3A_170 = arith.index_cast %mul3A_169 : i32 to index
        %get3A_171 = tpu.vector_load %arg11[%get3A_170] {strides = array<i32>} : memref<16384xi32, #tpu.memory_space<vmem>>, vector<16xi32>,
        %reduce_sum3A_172 = arith.constant true
        %reduce_sum3A_173 = vector.broadcast %reduce_sum3A_172 : i1 to vector<16xi1>
        %reduce_sum3A_174 = tpu.scan <sum>, %get3A_171 masked %reduce_sum3A_173 : vector<16xi32>, vector<16xi1> -> vector<16xi32>
        %reduce_sum3A_175 = vector.extract %reduce_sum3A_174[15] : i32 from vector<16xi32>
        %mul3A_176 = arith.constant 16 : i32
        %mul3A_177 = arith.muli %sub3A_167, %mul3A_176 : i32
        %get3A_178 = arith.index_cast %mul3A_177 : i32 to index
        %get3A_179 = tpu.vector_load %arg12[%get3A_178] {strides = array<i32>} : memref<16384xi32, #tpu.memory_space<vmem>>, vector<16xi32>,
        %reduce_sum3A_180 = arith.constant true
        %reduce_sum3A_181 = vector.broadcast %reduce_sum3A_180 : i1 to vector<16xi1>
        %reduce_sum3A_182 = tpu.scan <sum>, %get3A_179 masked %reduce_sum3A_181 : vector<16xi32>, vector<16xi1> -> vector<16xi32>
        %reduce_sum3A_183 = vector.extract %reduce_sum3A_182[15] : i32 from vector<16xi32>
        %add3A_184 = arith.addi %add3A_154, %reduce_sum3A_175 : i32
        %add3A_185 = arith.addi %add3A_155, %reduce_sum3A_183 : i32
        %lt3A_186 = arith.constant 256 : i32
        %lt3A_187 = arith.cmpi slt, %add3A_154, %lt3A_186 : i32
        %ge3A_188 = arith.constant 256 : i32
        %ge3A_189 = arith.cmpi sge, %add3A_184, %ge3A_188 : i32
        %and3A_190 = arith.andi %lt3A_187, %ge3A_189 : i1
        %select_n3A_191 = arith.select %and3A_190, %sub3A_167, %select_n3A : i32
        %lt3A_192 = arith.constant 256 : i32
        %lt3A_193 = arith.cmpi slt, %add3A_155, %lt3A_192 : i32
        %ge3A_194 = arith.constant 256 : i32
        %ge3A_195 = arith.cmpi sge, %add3A_185, %ge3A_194 : i32
        %and3A_196 = arith.andi %lt3A_193, %ge3A_195 : i1
        %select_n3A_197 = arith.select %and3A_196, %sub3A_167, %select_n3A_163 : i32
        %scan3A_198 = arith.constant 2 : i32
        %scan3A_199 = arith.addi %scan3A_134, %scan3A_198 : i32
        %sub3A_200 = arith.constant 1023 : i32
        %sub3A_201 = arith.subi %sub3A_200, %scan3A_199 : i32
        %mul3A_202 = arith.constant 16 : i32
        %mul3A_203 = arith.muli %sub3A_201, %mul3A_202 : i32
        %get3A_204 = arith.index_cast %mul3A_203 : i32 to index
        %get3A_205 = tpu.vector_load %arg11[%get3A_204] {strides = array<i32>} : memref<16384xi32, #tpu.memory_space<vmem>>, vector<16xi32>,
        %reduce_sum3A_206 = arith.constant true
        %reduce_sum3A_207 = vector.broadcast %reduce_sum3A_206 : i1 to vector<16xi1>
        %reduce_sum3A_208 = tpu.scan <sum>, %get3A_205 masked %reduce_sum3A_207 : vector<16xi32>, vector<16xi1> -> vector<16xi32>
        %reduce_sum3A_209 = vector.extract %reduce_sum3A_208[15] : i32 from vector<16xi32>
        %mul3A_210 = arith.constant 16 : i32
        %mul3A_211 = arith.muli %sub3A_201, %mul3A_210 : i32
        %get3A_212 = arith.index_cast %mul3A_211 : i32 to index
        %get3A_213 = tpu.vector_load %arg12[%get3A_212] {strides = array<i32>} : memref<16384xi32, #tpu.memory_space<vmem>>, vector<16xi32>,
        %reduce_sum3A_214 = arith.constant true
        %reduce_sum3A_215 = vector.broadcast %reduce_sum3A_214 : i1 to vector<16xi1>
        %reduce_sum3A_216 = tpu.scan <sum>, %get3A_213 masked %reduce_sum3A_215 : vector<16xi32>, vector<16xi1> -> vector<16xi32>
        %reduce_sum3A_217 = vector.extract %reduce_sum3A_216[15] : i32 from vector<16xi32>
        %add3A_218 = arith.addi %add3A_184, %reduce_sum3A_209 : i32
        %add3A_219 = arith.addi %add3A_185, %reduce_sum3A_217 : i32
        %lt3A_220 = arith.constant 256 : i32
        %lt3A_221 = arith.cmpi slt, %add3A_184, %lt3A_220 : i32
        %ge3A_222 = arith.constant 256 : i32
        %ge3A_223 = arith.cmpi sge, %add3A_218, %ge3A_222 : i32
        %and3A_224 = arith.andi %lt3A_221, %ge3A_223 : i1
        %select_n3A_225 = arith.select %and3A_224, %sub3A_201, %select_n3A_191 : i32
        %lt3A_226 = arith.constant 256 : i32
        %lt3A_227 = arith.cmpi slt, %add3A_185, %lt3A_226 : i32
        %ge3A_228 = arith.constant 256 : i32
        %ge3A_229 = arith.cmpi sge, %add3A_219, %ge3A_228 : i32
        %and3A_230 = arith.andi %lt3A_227, %ge3A_229 : i1
        %select_n3A_231 = arith.select %and3A_230, %sub3A_201, %select_n3A_197 : i32
        %scan3A_232 = arith.constant 3 : i32
        %scan3A_233 = arith.addi %scan3A_134, %scan3A_232 : i32
        %sub3A_234 = arith.constant 1023 : i32
        %sub3A_235 = arith.subi %sub3A_234, %scan3A_233 : i32
        %mul3A_236 = arith.constant 16 : i32
        %mul3A_237 = arith.muli %sub3A_235, %mul3A_236 : i32
        %get3A_238 = arith.index_cast %mul3A_237 : i32 to index
        %get3A_239 = tpu.vector_load %arg11[%get3A_238] {strides = array<i32>} : memref<16384xi32, #tpu.memory_space<vmem>>, vector<16xi32>,
        %reduce_sum3A_240 = arith.constant true
        %reduce_sum3A_241 = vector.broadcast %reduce_sum3A_240 : i1 to vector<16xi1>
        %reduce_sum3A_242 = tpu.scan <sum>, %get3A_239 masked %reduce_sum3A_241 : vector<16xi32>, vector<16xi1> -> vector<16xi32>
        %reduce_sum3A_243 = vector.extract %reduce_sum3A_242[15] : i32 from vector<16xi32>
        %mul3A_244 = arith.constant 16 : i32
        %mul3A_245 = arith.muli %sub3A_235, %mul3A_244 : i32
        %get3A_246 = arith.index_cast %mul3A_245 : i32 to index
        %get3A_247 = tpu.vector_load %arg12[%get3A_246] {strides = array<i32>} : memref<16384xi32, #tpu.memory_space<vmem>>, vector<16xi32>,
        %reduce_sum3A_248 = arith.constant true
        %reduce_sum3A_249 = vector.broadcast %reduce_sum3A_248 : i1 to vector<16xi1>
        %reduce_sum3A_250 = tpu.scan <sum>, %get3A_247 masked %reduce_sum3A_249 : vector<16xi32>, vector<16xi1> -> vector<16xi32>
        %reduce_sum3A_251 = vector.extract %reduce_sum3A_250[15] : i32 from vector<16xi32>
        %add3A_252 = arith.addi %add3A_218, %reduce_sum3A_243 : i32
        %add3A_253 = arith.addi %add3A_219, %reduce_sum3A_251 : i32
        %lt3A_254 = arith.constant 256 : i32
        %lt3A_255 = arith.cmpi slt, %add3A_218, %lt3A_254 : i32
        %ge3A_256 = arith.constant 256 : i32
        %ge3A_257 = arith.cmpi sge, %add3A_252, %ge3A_256 : i32
        %and3A_258 = arith.andi %lt3A_255, %ge3A_257 : i1
        %select_n3A_259 = arith.select %and3A_258, %sub3A_235, %select_n3A_225 : i32
        %lt3A_260 = arith.constant 256 : i32
        %lt3A_261 = arith.cmpi slt, %add3A_219, %lt3A_260 : i32
        %ge3A_262 = arith.constant 256 : i32
        %ge3A_263 = arith.cmpi sge, %add3A_253, %ge3A_262 : i32
        %and3A_264 = arith.andi %lt3A_261, %ge3A_263 : i1
        %select_n3A_265 = arith.select %and3A_264, %sub3A_235, %select_n3A_231 : i32
        scf.yield %add3A_252, %select_n3A_259, %add3A_253, %select_n3A_265 : i32, i32, i32, i32
      }
      %scan3A_61 = arith.constant 1024 : i32
      %mul3A_62 = arith.constant 64 : i32
      %mul3A_63 = arith.muli %scan3A_60#1, %mul3A_62 : i32
      %mul3A_64 = arith.constant 64 : i32
      %mul3A_65 = arith.muli %scan3A_60#3, %mul3A_64 : i32
      %scan3A_66 = arith.constant 0 : i32
      %scan3A_67 = arith.constant 0 : i32
      %scan3A_68 = arith.constant 96 : i32
      %scan3A_69 = arith.addi %scan3A_67, %scan3A_68 : i32
      %scan3A_70 = arith.constant 4 : i32
      %scan3A_71 = scf.for %scan3A_134 = %scan3A_67 to %scan3A_69 step %scan3A_70 iter_args(%scan3A_135 = %scan3A_66) -> (i32)  : i32 {
        %mul3A_136 = arith.constant 16 : i32
        %mul3A_137 = arith.muli %scan3A_134, %mul3A_136 : i32
        %swap3A = arith.index_cast %mul3A_137 : i32 to index
        %swap3A_138 = tpu.vector_load %arg7[%swap3A] {strides = array<i32>} : memref<1536xf32, #tpu.memory_space<vmem>>, vector<16xf32>,
        tpu.vector_store %arg7[%swap3A], %broadcast_in_dim3A_9 {strides = array<i32>} : memref<1536xf32, #tpu.memory_space<vmem>>, vector<16xf32>,
        %mul3A_139 = arith.constant 16 : i32
        %mul3A_140 = arith.muli %scan3A_134, %mul3A_139 : i32
        %swap3A_141 = arith.index_cast %mul3A_140 : i32 to index
        %swap3A_142 = tpu.vector_load %arg8[%swap3A_141] {strides = array<i32>} : memref<1536xf32, #tpu.memory_space<vmem>>, vector<16xf32>,
        tpu.vector_store %arg8[%swap3A_141], %broadcast_in_dim3A_9 {strides = array<i32>} : memref<1536xf32, #tpu.memory_space<vmem>>, vector<16xf32>,
        %scan3A_143 = arith.constant 0 : i32
        %scan3A_144 = arith.constant 1 : i32
        %scan3A_145 = arith.addi %scan3A_134, %scan3A_144 : i32
        %mul3A_146 = arith.constant 16 : i32
        %mul3A_147 = arith.muli %scan3A_145, %mul3A_146 : i32
        %swap3A_148 = arith.index_cast %mul3A_147 : i32 to index
        %swap3A_149 = tpu.vector_load %arg7[%swap3A_148] {strides = array<i32>} : memref<1536xf32, #tpu.memory_space<vmem>>, vector<16xf32>,
        tpu.vector_store %arg7[%swap3A_148], %broadcast_in_dim3A_9 {strides = array<i32>} : memref<1536xf32, #tpu.memory_space<vmem>>, vector<16xf32>,
        %mul3A_150 = arith.constant 16 : i32
        %mul3A_151 = arith.muli %scan3A_145, %mul3A_150 : i32
        %swap3A_152 = arith.index_cast %mul3A_151 : i32 to index
        %swap3A_153 = tpu.vector_load %arg8[%swap3A_152] {strides = array<i32>} : memref<1536xf32, #tpu.memory_space<vmem>>, vector<16xf32>,
        tpu.vector_store %arg8[%swap3A_152], %broadcast_in_dim3A_9 {strides = array<i32>} : memref<1536xf32, #tpu.memory_space<vmem>>, vector<16xf32>,
        %scan3A_154 = arith.constant 0 : i32
        %scan3A_155 = arith.constant 2 : i32
        %scan3A_156 = arith.addi %scan3A_134, %scan3A_155 : i32
        %mul3A_157 = arith.constant 16 : i32
        %mul3A_158 = arith.muli %scan3A_156, %mul3A_157 : i32
        %swap3A_159 = arith.index_cast %mul3A_158 : i32 to index
        %swap3A_160 = tpu.vector_load %arg7[%swap3A_159] {strides = array<i32>} : memref<1536xf32, #tpu.memory_space<vmem>>, vector<16xf32>,
        tpu.vector_store %arg7[%swap3A_159], %broadcast_in_dim3A_9 {strides = array<i32>} : memref<1536xf32, #tpu.memory_space<vmem>>, vector<16xf32>,
        %mul3A_161 = arith.constant 16 : i32
        %mul3A_162 = arith.muli %scan3A_156, %mul3A_161 : i32
        %swap3A_163 = arith.index_cast %mul3A_162 : i32 to index
        %swap3A_164 = tpu.vector_load %arg8[%swap3A_163] {strides = array<i32>} : memref<1536xf32, #tpu.memory_space<vmem>>, vector<16xf32>,
        tpu.vector_store %arg8[%swap3A_163], %broadcast_in_dim3A_9 {strides = array<i32>} : memref<1536xf32, #tpu.memory_space<vmem>>, vector<16xf32>,
        %scan3A_165 = arith.constant 0 : i32
        %scan3A_166 = arith.constant 3 : i32
        %scan3A_167 = arith.addi %scan3A_134, %scan3A_166 : i32
        %mul3A_168 = arith.constant 16 : i32
        %mul3A_169 = arith.muli %scan3A_167, %mul3A_168 : i32
        %swap3A_170 = arith.index_cast %mul3A_169 : i32 to index
        %swap3A_171 = tpu.vector_load %arg7[%swap3A_170] {strides = array<i32>} : memref<1536xf32, #tpu.memory_space<vmem>>, vector<16xf32>,
        tpu.vector_store %arg7[%swap3A_170], %broadcast_in_dim3A_9 {strides = array<i32>} : memref<1536xf32, #tpu.memory_space<vmem>>, vector<16xf32>,
        %mul3A_172 = arith.constant 16 : i32
        %mul3A_173 = arith.muli %scan3A_167, %mul3A_172 : i32
        %swap3A_174 = arith.index_cast %mul3A_173 : i32 to index
        %swap3A_175 = tpu.vector_load %arg8[%swap3A_174] {strides = array<i32>} : memref<1536xf32, #tpu.memory_space<vmem>>, vector<16xf32>,
        tpu.vector_store %arg8[%swap3A_174], %broadcast_in_dim3A_9 {strides = array<i32>} : memref<1536xf32, #tpu.memory_space<vmem>>, vector<16xf32>,
        %scan3A_176 = arith.constant 0 : i32
        scf.yield %scan3A_176 : i32
      }
      %scan3A_72 = arith.constant 96 : i32
      %scan3A_73 = arith.constant 768 : i32
      %scan3A_74 = arith.constant 768 : i32
      %scan3A_75 = arith.constant 0 : i32
      %scan3A_76 = arith.constant 1024 : i32
      %scan3A_77 = arith.addi %scan3A_75, %scan3A_76 : i32
      %scan3A_78 = arith.constant 4 : i32
      %scan3A_79:4 = scf.for %scan3A_134 = %scan3A_75 to %scan3A_77 step %scan3A_78 iter_args(%scan3A_135 = %scan3A, %scan3A_136 = %scan3A_73, %scan3A_137 = %scan3A, %scan3A_138 = %scan3A_74) -> (i32, i32, i32, i32)  : i32 {
        %mul3A_139 = arith.constant 16 : i32
        %mul3A_140 = arith.muli %scan3A_134, %mul3A_139 : i32
        %get3A = arith.index_cast %mul3A_140 : i32 to index
        %get3A_141 = tpu.vector_load %arg5[%get3A] {strides = array<i32>} : memref<32768xf32, #tpu.memory_space<vmem>>, vector<16xf32>,
        %add3A_142 = arith.constant 1024 : i32
        %add3A_143 = arith.addi %add3A_142, %scan3A_134 : i32
        %mul3A_144 = arith.constant 16 : i32
        %mul3A_145 = arith.muli %add3A_143, %mul3A_144 : i32
        %get3A_146 = arith.index_cast %mul3A_145 : i32 to index
        %get3A_147 = tpu.vector_load %arg5[%get3A_146] {strides = array<i32>} : memref<32768xf32, #tpu.memory_space<vmem>>, vector<16xf32>,
        %mul3A_148 = arith.constant 16 : i32
        %mul3A_149 = arith.muli %scan3A_134, %mul3A_148 : i32
        %get3A_150 = arith.index_cast %mul3A_149 : i32 to index
        %get3A_151 = tpu.vector_load %arg6[%get3A_150] {strides = array<i32>} : memref<32768xf32, #tpu.memory_space<vmem>>, vector<16xf32>,
        %add3A_152 = arith.constant 1024 : i32
        %add3A_153 = arith.addi %add3A_152, %scan3A_134 : i32
        %mul3A_154 = arith.constant 16 : i32
        %mul3A_155 = arith.muli %add3A_153, %mul3A_154 : i32
        %get3A_156 = arith.index_cast %mul3A_155 : i32 to index
        %get3A_157 = tpu.vector_load %arg6[%get3A_156] {strides = array<i32>} : memref<32768xf32, #tpu.memory_space<vmem>>, vector<16xf32>,
        %bitcast_convert_type3A = tpu.bitcast %get3A_141 : vector<16xf32> -> vector<16xi32>
        %shift_right_arithmetic3A = arith.constant 31 : i32
        %shift_right_arithmetic3A_158 = vector.broadcast %shift_right_arithmetic3A : i32 to vector<16xi32>
        %shift_right_arithmetic3A_159 = arith.shrsi %bitcast_convert_type3A, %shift_right_arithmetic3A_158 : vector<16xi32>
        %or3A = arith.constant -2147483648 : i32
        %or3A_160 = vector.broadcast %or3A : i32 to vector<16xi32>
        %or3A_161 = arith.ori %shift_right_arithmetic3A_159, %or3A_160 : vector<16xi32>
        %xor3A = arith.xori %bitcast_convert_type3A, %or3A_161 : vector<16xi32>
        %shift_right_logical3A = arith.constant 16 : i32
        %shift_right_logical3A_162 = vector.broadcast %shift_right_logical3A : i32 to vector<16xi32>
        %shift_right_logical3A_163 = arith.shrui %xor3A, %shift_right_logical3A_162 : vector<16xi32>
        %ge3A = vector.broadcast %mul3A_63 : i32 to vector<16xi32>
        %ge3A_164 = arith.cmpi sge, %shift_right_logical3A_163, %ge3A : vector<16xi32>
        %bitcast_convert_type3A_165 = tpu.bitcast %get3A_147 : vector<16xf32> -> vector<16xi32>
        %shift_right_arithmetic3A_166 = arith.constant 31 : i32
        %shift_right_arithmetic3A_167 = vector.broadcast %shift_right_arithmetic3A_166 : i32 to vector<16xi32>
        %shift_right_arithmetic3A_168 = arith.shrsi %bitcast_convert_type3A_165, %shift_right_arithmetic3A_167 : vector<16xi32>
        %or3A_169 = arith.constant -2147483648 : i32
        %or3A_170 = vector.broadcast %or3A_169 : i32 to vector<16xi32>
        %or3A_171 = arith.ori %shift_right_arithmetic3A_168, %or3A_170 : vector<16xi32>
        %xor3A_172 = arith.xori %bitcast_convert_type3A_165, %or3A_171 : vector<16xi32>
        %shift_right_logical3A_173 = arith.constant 16 : i32
        %shift_right_logical3A_174 = vector.broadcast %shift_right_logical3A_173 : i32 to vector<16xi32>
        %shift_right_logical3A_175 = arith.shrui %xor3A_172, %shift_right_logical3A_174 : vector<16xi32>
        %ge3A_176 = vector.broadcast %mul3A_63 : i32 to vector<16xi32>
        %ge3A_177 = arith.cmpi sge, %shift_right_logical3A_175, %ge3A_176 : vector<16xi32>
        %bitcast_convert_type3A_178 = tpu.bitcast %get3A_151 : vector<16xf32> -> vector<16xi32>
        %shift_right_arithmetic3A_179 = arith.constant 31 : i32
        %shift_right_arithmetic3A_180 = vector.broadcast %shift_right_arithmetic3A_179 : i32 to vector<16xi32>
        %shift_right_arithmetic3A_181 = arith.shrsi %bitcast_convert_type3A_178, %shift_right_arithmetic3A_180 : vector<16xi32>
        %or3A_182 = arith.constant -2147483648 : i32
        %or3A_183 = vector.broadcast %or3A_182 : i32 to vector<16xi32>
        %or3A_184 = arith.ori %shift_right_arithmetic3A_181, %or3A_183 : vector<16xi32>
        %xor3A_185 = arith.xori %bitcast_convert_type3A_178, %or3A_184 : vector<16xi32>
        %shift_right_logical3A_186 = arith.constant 16 : i32
        %shift_right_logical3A_187 = vector.broadcast %shift_right_logical3A_186 : i32 to vector<16xi32>
        %shift_right_logical3A_188 = arith.shrui %xor3A_185, %shift_right_logical3A_187 : vector<16xi32>
        %ge3A_189 = vector.broadcast %mul3A_65 : i32 to vector<16xi32>
        %ge3A_190 = arith.cmpi sge, %shift_right_logical3A_188, %ge3A_189 : vector<16xi32>
        %bitcast_convert_type3A_191 = tpu.bitcast %get3A_157 : vector<16xf32> -> vector<16xi32>
        %shift_right_arithmetic3A_192 = arith.constant 31 : i32
        %shift_right_arithmetic3A_193 = vector.broadcast %shift_right_arithmetic3A_192 : i32 to vector<16xi32>
        %shift_right_arithmetic3A_194 = arith.shrsi %bitcast_convert_type3A_191, %shift_right_arithmetic3A_193 : vector<16xi32>
        %or3A_195 = arith.constant -2147483648 : i32
        %or3A_196 = vector.broadcast %or3A_195 : i32 to vector<16xi32>
        %or3A_197 = arith.ori %shift_right_arithmetic3A_194, %or3A_196 : vector<16xi32>
        %xor3A_198 = arith.xori %bitcast_convert_type3A_191, %or3A_197 : vector<16xi32>
        %shift_right_logical3A_199 = arith.constant 16 : i32
        %shift_right_logical3A_200 = vector.broadcast %shift_right_logical3A_199 : i32 to vector<16xi32>
        %shift_right_logical3A_201 = arith.shrui %xor3A_198, %shift_right_logical3A_200 : vector<16xi32>
        %ge3A_202 = vector.broadcast %mul3A_65 : i32 to vector<16xi32>
        %ge3A_203 = arith.cmpi sge, %shift_right_logical3A_201, %ge3A_202 : vector<16xi32>
        %mul3A_204 = arith.constant 16 : i32
        %mul3A_205 = arith.muli %scan3A_134, %mul3A_204 : i32
        %add3A_206 = vector.broadcast %mul3A_205 : i32 to vector<16xi32>
        %add3A_207 = arith.addi %add3A_206, %iota3A : vector<16xi32>
        %add3A_208 = arith.constant 1024 : i32
        %add3A_209 = arith.addi %add3A_208, %scan3A_134 : i32
        %mul3A_210 = arith.constant 16 : i32
        %mul3A_211 = arith.muli %add3A_209, %mul3A_210 : i32
        %add3A_212 = vector.broadcast %mul3A_211 : i32 to vector<16xi32>
        %add3A_213 = arith.addi %add3A_212, %iota3A : vector<16xi32>
        %swap3A = arith.index_cast %scan3A_135 : i32 to index
        %swap3A_214 = tpu.vector_load %arg7[%swap3A] masked %ge3A_164 {strides = array<i32>} : memref<1536xf32, #tpu.memory_space<vmem>>, vector<16xf32>, vector<16xi1>
        tpu.vector_store %arg7[%swap3A], %get3A_141 masked %ge3A_164 {strides = array<i32>} : memref<1536xf32, #tpu.memory_space<vmem>>, vector<16xf32>, vector<16xi1>
        %swap3A_215 = arith.index_cast %scan3A_135 : i32 to index
        %swap3A_216 = tpu.vector_load %arg9[%swap3A_215] masked %ge3A_164 {strides = array<i32>} : memref<1536xi32, #tpu.memory_space<vmem>>, vector<16xi32>, vector<16xi1>
        tpu.vector_store %arg9[%swap3A_215], %add3A_207 masked %ge3A_164 {strides = array<i32>} : memref<1536xi32, #tpu.memory_space<vmem>>, vector<16xi32>, vector<16xi1>
        %swap3A_217 = arith.index_cast %scan3A_136 : i32 to index
        %swap3A_218 = tpu.vector_load %arg7[%swap3A_217] masked %ge3A_177 {strides = array<i32>} : memref<1536xf32, #tpu.memory_space<vmem>>, vector<16xf32>, vector<16xi1>
        tpu.vector_store %arg7[%swap3A_217], %get3A_147 masked %ge3A_177 {strides = array<i32>} : memref<1536xf32, #tpu.memory_space<vmem>>, vector<16xf32>, vector<16xi1>
        %swap3A_219 = arith.index_cast %scan3A_136 : i32 to index
        %swap3A_220 = tpu.vector_load %arg9[%swap3A_219] masked %ge3A_177 {strides = array<i32>} : memref<1536xi32, #tpu.memory_space<vmem>>, vector<16xi32>, vector<16xi1>
        tpu.vector_store %arg9[%swap3A_219], %add3A_213 masked %ge3A_177 {strides = array<i32>} : memref<1536xi32, #tpu.memory_space<vmem>>, vector<16xi32>, vector<16xi1>
        %swap3A_221 = arith.index_cast %scan3A_137 : i32 to index
        %swap3A_222 = tpu.vector_load %arg8[%swap3A_221] masked %ge3A_190 {strides = array<i32>} : memref<1536xf32, #tpu.memory_space<vmem>>, vector<16xf32>, vector<16xi1>
        tpu.vector_store %arg8[%swap3A_221], %get3A_151 masked %ge3A_190 {strides = array<i32>} : memref<1536xf32, #tpu.memory_space<vmem>>, vector<16xf32>, vector<16xi1>
        %swap3A_223 = arith.index_cast %scan3A_137 : i32 to index
        %swap3A_224 = tpu.vector_load %arg10[%swap3A_223] masked %ge3A_190 {strides = array<i32>} : memref<1536xi32, #tpu.memory_space<vmem>>, vector<16xi32>, vector<16xi1>
        tpu.vector_store %arg10[%swap3A_223], %add3A_207 masked %ge3A_190 {strides = array<i32>} : memref<1536xi32, #tpu.memory_space<vmem>>, vector<16xi32>, vector<16xi1>
        %swap3A_225 = arith.index_cast %scan3A_138 : i32 to index
        %swap3A_226 = tpu.vector_load %arg8[%swap3A_225] masked %ge3A_203 {strides = array<i32>} : memref<1536xf32, #tpu.memory_space<vmem>>, vector<16xf32>, vector<16xi1>
        tpu.vector_store %arg8[%swap3A_225], %get3A_157 masked %ge3A_203 {strides = array<i32>} : memref<1536xf32, #tpu.memory_space<vmem>>, vector<16xf32>, vector<16xi1>
        %swap3A_227 = arith.index_cast %scan3A_138 : i32 to index
        %swap3A_228 = tpu.vector_load %arg10[%swap3A_227] masked %ge3A_203 {strides = array<i32>} : memref<1536xi32, #tpu.memory_space<vmem>>, vector<16xi32>, vector<16xi1>
        tpu.vector_store %arg10[%swap3A_227], %add3A_213 masked %ge3A_203 {strides = array<i32>} : memref<1536xi32, #tpu.memory_space<vmem>>, vector<16xi32>, vector<16xi1>
        %all_reduce_population_count3A = tpu.all_reduce %ge3A_164 {dim = 0 : i64, kind = #tpu.reduction_kind<sum>} : vector<16xi1> -> vector<16xi32>
        %slice3A = vector.extract_strided_slice %all_reduce_population_count3A {offsets = [0], sizes = [1], strides = [1]} : vector<16xi32> to vector<1xi32>
        %squeeze3A = vector.extract %slice3A[0] : i32 from vector<1xi32>
        %all_reduce_population_count3A_229 = tpu.all_reduce %ge3A_177 {dim = 0 : i64, kind = #tpu.reduction_kind<sum>} : vector<16xi1> -> vector<16xi32>
        %slice3A_230 = vector.extract_strided_slice %all_reduce_population_count3A_229 {offsets = [0], sizes = [1], strides = [1]} : vector<16xi32> to vector<1xi32>
        %squeeze3A_231 = vector.extract %slice3A_230[0] : i32 from vector<1xi32>
        %all_reduce_population_count3A_232 = tpu.all_reduce %ge3A_190 {dim = 0 : i64, kind = #tpu.reduction_kind<sum>} : vector<16xi1> -> vector<16xi32>
        %slice3A_233 = vector.extract_strided_slice %all_reduce_population_count3A_232 {offsets = [0], sizes = [1], strides = [1]} : vector<16xi32> to vector<1xi32>
        %squeeze3A_234 = vector.extract %slice3A_233[0] : i32 from vector<1xi32>
        %all_reduce_population_count3A_235 = tpu.all_reduce %ge3A_203 {dim = 0 : i64, kind = #tpu.reduction_kind<sum>} : vector<16xi1> -> vector<16xi32>
        %slice3A_236 = vector.extract_strided_slice %all_reduce_population_count3A_235 {offsets = [0], sizes = [1], strides = [1]} : vector<16xi32> to vector<1xi32>
        %squeeze3A_237 = vector.extract %slice3A_236[0] : i32 from vector<1xi32>
        %add3A_238 = arith.addi %scan3A_135, %squeeze3A : i32
        %min3A = arith.constant 752 : i32
        %min3A_239 = arith.minsi %add3A_238, %min3A : i32
        %add3A_240 = arith.addi %scan3A_136, %squeeze3A_231 : i32
        %min3A_241 = arith.constant 1520 : i32
        %min3A_242 = arith.minsi %add3A_240, %min3A_241 : i32
        %add3A_243 = arith.addi %scan3A_137, %squeeze3A_234 : i32
        %min3A_244 = arith.constant 752 : i32
        %min3A_245 = arith.minsi %add3A_243, %min3A_244 : i32
        %add3A_246 = arith.addi %scan3A_138, %squeeze3A_237 : i32
        %min3A_247 = arith.constant 1520 : i32
        %min3A_248 = arith.minsi %add3A_246, %min3A_247 : i32
        %scan3A_249 = arith.constant 1 : i32
        %scan3A_250 = arith.addi %scan3A_134, %scan3A_249 : i32
        %mul3A_251 = arith.constant 16 : i32
        %mul3A_252 = arith.muli %scan3A_250, %mul3A_251 : i32
        %get3A_253 = arith.index_cast %mul3A_252 : i32 to index
        %get3A_254 = tpu.vector_load %arg5[%get3A_253] {strides = array<i32>} : memref<32768xf32, #tpu.memory_space<vmem>>, vector<16xf32>,
        %add3A_255 = arith.constant 1024 : i32
        %add3A_256 = arith.addi %add3A_255, %scan3A_250 : i32
        %mul3A_257 = arith.constant 16 : i32
        %mul3A_258 = arith.muli %add3A_256, %mul3A_257 : i32
        %get3A_259 = arith.index_cast %mul3A_258 : i32 to index
        %get3A_260 = tpu.vector_load %arg5[%get3A_259] {strides = array<i32>} : memref<32768xf32, #tpu.memory_space<vmem>>, vector<16xf32>,
        %mul3A_261 = arith.constant 16 : i32
        %mul3A_262 = arith.muli %scan3A_250, %mul3A_261 : i32
        %get3A_263 = arith.index_cast %mul3A_262 : i32 to index
        %get3A_264 = tpu.vector_load %arg6[%get3A_263] {strides = array<i32>} : memref<32768xf32, #tpu.memory_space<vmem>>, vector<16xf32>,
        %add3A_265 = arith.constant 1024 : i32
        %add3A_266 = arith.addi %add3A_265, %scan3A_250 : i32
        %mul3A_267 = arith.constant 16 : i32
        %mul3A_268 = arith.muli %add3A_266, %mul3A_267 : i32
        %get3A_269 = arith.index_cast %mul3A_268 : i32 to index
        %get3A_270 = tpu.vector_load %arg6[%get3A_269] {strides = array<i32>} : memref<32768xf32, #tpu.memory_space<vmem>>, vector<16xf32>,
        %bitcast_convert_type3A_271 = tpu.bitcast %get3A_254 : vector<16xf32> -> vector<16xi32>
        %shift_right_arithmetic3A_272 = arith.constant 31 : i32
        %shift_right_arithmetic3A_273 = vector.broadcast %shift_right_arithmetic3A_272 : i32 to vector<16xi32>
        %shift_right_arithmetic3A_274 = arith.shrsi %bitcast_convert_type3A_271, %shift_right_arithmetic3A_273 : vector<16xi32>
        %or3A_275 = arith.constant -2147483648 : i32
        %or3A_276 = vector.broadcast %or3A_275 : i32 to vector<16xi32>
        %or3A_277 = arith.ori %shift_right_arithmetic3A_274, %or3A_276 : vector<16xi32>
        %xor3A_278 = arith.xori %bitcast_convert_type3A_271, %or3A_277 : vector<16xi32>
        %shift_right_logical3A_279 = arith.constant 16 : i32
        %shift_right_logical3A_280 = vector.broadcast %shift_right_logical3A_279 : i32 to vector<16xi32>
        %shift_right_logical3A_281 = arith.shrui %xor3A_278, %shift_right_logical3A_280 : vector<16xi32>
        %ge3A_282 = vector.broadcast %mul3A_63 : i32 to vector<16xi32>
        %ge3A_283 = arith.cmpi sge, %shift_right_logical3A_281, %ge3A_282 : vector<16xi32>
        %bitcast_convert_type3A_284 = tpu.bitcast %get3A_260 : vector<16xf32> -> vector<16xi32>
        %shift_right_arithmetic3A_285 = arith.constant 31 : i32
        %shift_right_arithmetic3A_286 = vector.broadcast %shift_right_arithmetic3A_285 : i32 to vector<16xi32>
        %shift_right_arithmetic3A_287 = arith.shrsi %bitcast_convert_type3A_284, %shift_right_arithmetic3A_286 : vector<16xi32>
        %or3A_288 = arith.constant -2147483648 : i32
        %or3A_289 = vector.broadcast %or3A_288 : i32 to vector<16xi32>
        %or3A_290 = arith.ori %shift_right_arithmetic3A_287, %or3A_289 : vector<16xi32>
        %xor3A_291 = arith.xori %bitcast_convert_type3A_284, %or3A_290 : vector<16xi32>
        %shift_right_logical3A_292 = arith.constant 16 : i32
        %shift_right_logical3A_293 = vector.broadcast %shift_right_logical3A_292 : i32 to vector<16xi32>
        %shift_right_logical3A_294 = arith.shrui %xor3A_291, %shift_right_logical3A_293 : vector<16xi32>
        %ge3A_295 = vector.broadcast %mul3A_63 : i32 to vector<16xi32>
        %ge3A_296 = arith.cmpi sge, %shift_right_logical3A_294, %ge3A_295 : vector<16xi32>
        %bitcast_convert_type3A_297 = tpu.bitcast %get3A_264 : vector<16xf32> -> vector<16xi32>
        %shift_right_arithmetic3A_298 = arith.constant 31 : i32
        %shift_right_arithmetic3A_299 = vector.broadcast %shift_right_arithmetic3A_298 : i32 to vector<16xi32>
        %shift_right_arithmetic3A_300 = arith.shrsi %bitcast_convert_type3A_297, %shift_right_arithmetic3A_299 : vector<16xi32>
        %or3A_301 = arith.constant -2147483648 : i32
        %or3A_302 = vector.broadcast %or3A_301 : i32 to vector<16xi32>
        %or3A_303 = arith.ori %shift_right_arithmetic3A_300, %or3A_302 : vector<16xi32>
        %xor3A_304 = arith.xori %bitcast_convert_type3A_297, %or3A_303 : vector<16xi32>
        %shift_right_logical3A_305 = arith.constant 16 : i32
        %shift_right_logical3A_306 = vector.broadcast %shift_right_logical3A_305 : i32 to vector<16xi32>
        %shift_right_logical3A_307 = arith.shrui %xor3A_304, %shift_right_logical3A_306 : vector<16xi32>
        %ge3A_308 = vector.broadcast %mul3A_65 : i32 to vector<16xi32>
        %ge3A_309 = arith.cmpi sge, %shift_right_logical3A_307, %ge3A_308 : vector<16xi32>
        %bitcast_convert_type3A_310 = tpu.bitcast %get3A_270 : vector<16xf32> -> vector<16xi32>
        %shift_right_arithmetic3A_311 = arith.constant 31 : i32
        %shift_right_arithmetic3A_312 = vector.broadcast %shift_right_arithmetic3A_311 : i32 to vector<16xi32>
        %shift_right_arithmetic3A_313 = arith.shrsi %bitcast_convert_type3A_310, %shift_right_arithmetic3A_312 : vector<16xi32>
        %or3A_314 = arith.constant -2147483648 : i32
        %or3A_315 = vector.broadcast %or3A_314 : i32 to vector<16xi32>
        %or3A_316 = arith.ori %shift_right_arithmetic3A_313, %or3A_315 : vector<16xi32>
        %xor3A_317 = arith.xori %bitcast_convert_type3A_310, %or3A_316 : vector<16xi32>
        %shift_right_logical3A_318 = arith.constant 16 : i32
        %shift_right_logical3A_319 = vector.broadcast %shift_right_logical3A_318 : i32 to vector<16xi32>
        %shift_right_logical3A_320 = arith.shrui %xor3A_317, %shift_right_logical3A_319 : vector<16xi32>
        %ge3A_321 = vector.broadcast %mul3A_65 : i32 to vector<16xi32>
        %ge3A_322 = arith.cmpi sge, %shift_right_logical3A_320, %ge3A_321 : vector<16xi32>
        %mul3A_323 = arith.constant 16 : i32
        %mul3A_324 = arith.muli %scan3A_250, %mul3A_323 : i32
        %add3A_325 = vector.broadcast %mul3A_324 : i32 to vector<16xi32>
        %add3A_326 = arith.addi %add3A_325, %iota3A : vector<16xi32>
        %add3A_327 = arith.constant 1024 : i32
        %add3A_328 = arith.addi %add3A_327, %scan3A_250 : i32
        %mul3A_329 = arith.constant 16 : i32
        %mul3A_330 = arith.muli %add3A_328, %mul3A_329 : i32
        %add3A_331 = vector.broadcast %mul3A_330 : i32 to vector<16xi32>
        %add3A_332 = arith.addi %add3A_331, %iota3A : vector<16xi32>
        %swap3A_333 = arith.index_cast %min3A_239 : i32 to index
        %swap3A_334 = tpu.vector_load %arg7[%swap3A_333] masked %ge3A_283 {strides = array<i32>} : memref<1536xf32, #tpu.memory_space<vmem>>, vector<16xf32>, vector<16xi1>
        tpu.vector_store %arg7[%swap3A_333], %get3A_254 masked %ge3A_283 {strides = array<i32>} : memref<1536xf32, #tpu.memory_space<vmem>>, vector<16xf32>, vector<16xi1>
        %swap3A_335 = arith.index_cast %min3A_239 : i32 to index
        %swap3A_336 = tpu.vector_load %arg9[%swap3A_335] masked %ge3A_283 {strides = array<i32>} : memref<1536xi32, #tpu.memory_space<vmem>>, vector<16xi32>, vector<16xi1>
        tpu.vector_store %arg9[%swap3A_335], %add3A_326 masked %ge3A_283 {strides = array<i32>} : memref<1536xi32, #tpu.memory_space<vmem>>, vector<16xi32>, vector<16xi1>
        %swap3A_337 = arith.index_cast %min3A_242 : i32 to index
        %swap3A_338 = tpu.vector_load %arg7[%swap3A_337] masked %ge3A_296 {strides = array<i32>} : memref<1536xf32, #tpu.memory_space<vmem>>, vector<16xf32>, vector<16xi1>
        tpu.vector_store %arg7[%swap3A_337], %get3A_260 masked %ge3A_296 {strides = array<i32>} : memref<1536xf32, #tpu.memory_space<vmem>>, vector<16xf32>, vector<16xi1>
        %swap3A_339 = arith.index_cast %min3A_242 : i32 to index
        %swap3A_340 = tpu.vector_load %arg9[%swap3A_339] masked %ge3A_296 {strides = array<i32>} : memref<1536xi32, #tpu.memory_space<vmem>>, vector<16xi32>, vector<16xi1>
        tpu.vector_store %arg9[%swap3A_339], %add3A_332 masked %ge3A_296 {strides = array<i32>} : memref<1536xi32, #tpu.memory_space<vmem>>, vector<16xi32>, vector<16xi1>
        %swap3A_341 = arith.index_cast %min3A_245 : i32 to index
        %swap3A_342 = tpu.vector_load %arg8[%swap3A_341] masked %ge3A_309 {strides = array<i32>} : memref<1536xf32, #tpu.memory_space<vmem>>, vector<16xf32>, vector<16xi1>
        tpu.vector_store %arg8[%swap3A_341], %get3A_264 masked %ge3A_309 {strides = array<i32>} : memref<1536xf32, #tpu.memory_space<vmem>>, vector<16xf32>, vector<16xi1>
        %swap3A_343 = arith.index_cast %min3A_245 : i32 to index
        %swap3A_344 = tpu.vector_load %arg10[%swap3A_343] masked %ge3A_309 {strides = array<i32>} : memref<1536xi32, #tpu.memory_space<vmem>>, vector<16xi32>, vector<16xi1>
        tpu.vector_store %arg10[%swap3A_343], %add3A_326 masked %ge3A_309 {strides = array<i32>} : memref<1536xi32, #tpu.memory_space<vmem>>, vector<16xi32>, vector<16xi1>
        %swap3A_345 = arith.index_cast %min3A_248 : i32 to index
        %swap3A_346 = tpu.vector_load %arg8[%swap3A_345] masked %ge3A_322 {strides = array<i32>} : memref<1536xf32, #tpu.memory_space<vmem>>, vector<16xf32>, vector<16xi1>
        tpu.vector_store %arg8[%swap3A_345], %get3A_270 masked %ge3A_322 {strides = array<i32>} : memref<1536xf32, #tpu.memory_space<vmem>>, vector<16xf32>, vector<16xi1>
        %swap3A_347 = arith.index_cast %min3A_248 : i32 to index
        %swap3A_348 = tpu.vector_load %arg10[%swap3A_347] masked %ge3A_322 {strides = array<i32>} : memref<1536xi32, #tpu.memory_space<vmem>>, vector<16xi32>, vector<16xi1>
        tpu.vector_store %arg10[%swap3A_347], %add3A_332 masked %ge3A_322 {strides = array<i32>} : memref<1536xi32, #tpu.memory_space<vmem>>, vector<16xi32>, vector<16xi1>
        %all_reduce_population_count3A_349 = tpu.all_reduce %ge3A_283 {dim = 0 : i64, kind = #tpu.reduction_kind<sum>} : vector<16xi1> -> vector<16xi32>
        %slice3A_350 = vector.extract_strided_slice %all_reduce_population_count3A_349 {offsets = [0], sizes = [1], strides = [1]} : vector<16xi32> to vector<1xi32>
        %squeeze3A_351 = vector.extract %slice3A_350[0] : i32 from vector<1xi32>
        %all_reduce_population_count3A_352 = tpu.all_reduce %ge3A_296 {dim = 0 : i64, kind = #tpu.reduction_kind<sum>} : vector<16xi1> -> vector<16xi32>
        %slice3A_353 = vector.extract_strided_slice %all_reduce_population_count3A_352 {offsets = [0], sizes = [1], strides = [1]} : vector<16xi32> to vector<1xi32>
        %squeeze3A_354 = vector.extract %slice3A_353[0] : i32 from vector<1xi32>
        %all_reduce_population_count3A_355 = tpu.all_reduce %ge3A_309 {dim = 0 : i64, kind = #tpu.reduction_kind<sum>} : vector<16xi1> -> vector<16xi32>
        %slice3A_356 = vector.extract_strided_slice %all_reduce_population_count3A_355 {offsets = [0], sizes = [1], strides = [1]} : vector<16xi32> to vector<1xi32>
        %squeeze3A_357 = vector.extract %slice3A_356[0] : i32 from vector<1xi32>
        %all_reduce_population_count3A_358 = tpu.all_reduce %ge3A_322 {dim = 0 : i64, kind = #tpu.reduction_kind<sum>} : vector<16xi1> -> vector<16xi32>
        %slice3A_359 = vector.extract_strided_slice %all_reduce_population_count3A_358 {offsets = [0], sizes = [1], strides = [1]} : vector<16xi32> to vector<1xi32>
        %squeeze3A_360 = vector.extract %slice3A_359[0] : i32 from vector<1xi32>
        %add3A_361 = arith.addi %min3A_239, %squeeze3A_351 : i32
        %min3A_362 = arith.constant 752 : i32
        %min3A_363 = arith.minsi %add3A_361, %min3A_362 : i32
        %add3A_364 = arith.addi %min3A_242, %squeeze3A_354 : i32
        %min3A_365 = arith.constant 1520 : i32
        %min3A_366 = arith.minsi %add3A_364, %min3A_365 : i32
        %add3A_367 = arith.addi %min3A_245, %squeeze3A_357 : i32
        %min3A_368 = arith.constant 752 : i32
        %min3A_369 = arith.minsi %add3A_367, %min3A_368 : i32
        %add3A_370 = arith.addi %min3A_248, %squeeze3A_360 : i32
        %min3A_371 = arith.constant 1520 : i32
        %min3A_372 = arith.minsi %add3A_370, %min3A_371 : i32
        %scan3A_373 = arith.constant 2 : i32
        %scan3A_374 = arith.addi %scan3A_134, %scan3A_373 : i32
        %mul3A_375 = arith.constant 16 : i32
        %mul3A_376 = arith.muli %scan3A_374, %mul3A_375 : i32
        %get3A_377 = arith.index_cast %mul3A_376 : i32 to index
        %get3A_378 = tpu.vector_load %arg5[%get3A_377] {strides = array<i32>} : memref<32768xf32, #tpu.memory_space<vmem>>, vector<16xf32>,
        %add3A_379 = arith.constant 1024 : i32
        %add3A_380 = arith.addi %add3A_379, %scan3A_374 : i32
        %mul3A_381 = arith.constant 16 : i32
        %mul3A_382 = arith.muli %add3A_380, %mul3A_381 : i32
        %get3A_383 = arith.index_cast %mul3A_382 : i32 to index
        %get3A_384 = tpu.vector_load %arg5[%get3A_383] {strides = array<i32>} : memref<32768xf32, #tpu.memory_space<vmem>>, vector<16xf32>,
        %mul3A_385 = arith.constant 16 : i32
        %mul3A_386 = arith.muli %scan3A_374, %mul3A_385 : i32
        %get3A_387 = arith.index_cast %mul3A_386 : i32 to index
        %get3A_388 = tpu.vector_load %arg6[%get3A_387] {strides = array<i32>} : memref<32768xf32, #tpu.memory_space<vmem>>, vector<16xf32>,
        %add3A_389 = arith.constant 1024 : i32
        %add3A_390 = arith.addi %add3A_389, %scan3A_374 : i32
        %mul3A_391 = arith.constant 16 : i32
        %mul3A_392 = arith.muli %add3A_390, %mul3A_391 : i32
        %get3A_393 = arith.index_cast %mul3A_392 : i32 to index
        %get3A_394 = tpu.vector_load %arg6[%get3A_393] {strides = array<i32>} : memref<32768xf32, #tpu.memory_space<vmem>>, vector<16xf32>,
        %bitcast_convert_type3A_395 = tpu.bitcast %get3A_378 : vector<16xf32> -> vector<16xi32>
        %shift_right_arithmetic3A_396 = arith.constant 31 : i32
        %shift_right_arithmetic3A_397 = vector.broadcast %shift_right_arithmetic3A_396 : i32 to vector<16xi32>
        %shift_right_arithmetic3A_398 = arith.shrsi %bitcast_convert_type3A_395, %shift_right_arithmetic3A_397 : vector<16xi32>
        %or3A_399 = arith.constant -2147483648 : i32
        %or3A_400 = vector.broadcast %or3A_399 : i32 to vector<16xi32>
        %or3A_401 = arith.ori %shift_right_arithmetic3A_398, %or3A_400 : vector<16xi32>
        %xor3A_402 = arith.xori %bitcast_convert_type3A_395, %or3A_401 : vector<16xi32>
        %shift_right_logical3A_403 = arith.constant 16 : i32
        %shift_right_logical3A_404 = vector.broadcast %shift_right_logical3A_403 : i32 to vector<16xi32>
        %shift_right_logical3A_405 = arith.shrui %xor3A_402, %shift_right_logical3A_404 : vector<16xi32>
        %ge3A_406 = vector.broadcast %mul3A_63 : i32 to vector<16xi32>
        %ge3A_407 = arith.cmpi sge, %shift_right_logical3A_405, %ge3A_406 : vector<16xi32>
        %bitcast_convert_type3A_408 = tpu.bitcast %get3A_384 : vector<16xf32> -> vector<16xi32>
        %shift_right_arithmetic3A_409 = arith.constant 31 : i32
        %shift_right_arithmetic3A_410 = vector.broadcast %shift_right_arithmetic3A_409 : i32 to vector<16xi32>
        %shift_right_arithmetic3A_411 = arith.shrsi %bitcast_convert_type3A_408, %shift_right_arithmetic3A_410 : vector<16xi32>
        %or3A_412 = arith.constant -2147483648 : i32
        %or3A_413 = vector.broadcast %or3A_412 : i32 to vector<16xi32>
        %or3A_414 = arith.ori %shift_right_arithmetic3A_411, %or3A_413 : vector<16xi32>
        %xor3A_415 = arith.xori %bitcast_convert_type3A_408, %or3A_414 : vector<16xi32>
        %shift_right_logical3A_416 = arith.constant 16 : i32
        %shift_right_logical3A_417 = vector.broadcast %shift_right_logical3A_416 : i32 to vector<16xi32>
        %shift_right_logical3A_418 = arith.shrui %xor3A_415, %shift_right_logical3A_417 : vector<16xi32>
        %ge3A_419 = vector.broadcast %mul3A_63 : i32 to vector<16xi32>
        %ge3A_420 = arith.cmpi sge, %shift_right_logical3A_418, %ge3A_419 : vector<16xi32>
        %bitcast_convert_type3A_421 = tpu.bitcast %get3A_388 : vector<16xf32> -> vector<16xi32>
        %shift_right_arithmetic3A_422 = arith.constant 31 : i32
        %shift_right_arithmetic3A_423 = vector.broadcast %shift_right_arithmetic3A_422 : i32 to vector<16xi32>
        %shift_right_arithmetic3A_424 = arith.shrsi %bitcast_convert_type3A_421, %shift_right_arithmetic3A_423 : vector<16xi32>
        %or3A_425 = arith.constant -2147483648 : i32
        %or3A_426 = vector.broadcast %or3A_425 : i32 to vector<16xi32>
        %or3A_427 = arith.ori %shift_right_arithmetic3A_424, %or3A_426 : vector<16xi32>
        %xor3A_428 = arith.xori %bitcast_convert_type3A_421, %or3A_427 : vector<16xi32>
        %shift_right_logical3A_429 = arith.constant 16 : i32
        %shift_right_logical3A_430 = vector.broadcast %shift_right_logical3A_429 : i32 to vector<16xi32>
        %shift_right_logical3A_431 = arith.shrui %xor3A_428, %shift_right_logical3A_430 : vector<16xi32>
        %ge3A_432 = vector.broadcast %mul3A_65 : i32 to vector<16xi32>
        %ge3A_433 = arith.cmpi sge, %shift_right_logical3A_431, %ge3A_432 : vector<16xi32>
        %bitcast_convert_type3A_434 = tpu.bitcast %get3A_394 : vector<16xf32> -> vector<16xi32>
        %shift_right_arithmetic3A_435 = arith.constant 31 : i32
        %shift_right_arithmetic3A_436 = vector.broadcast %shift_right_arithmetic3A_435 : i32 to vector<16xi32>
        %shift_right_arithmetic3A_437 = arith.shrsi %bitcast_convert_type3A_434, %shift_right_arithmetic3A_436 : vector<16xi32>
        %or3A_438 = arith.constant -2147483648 : i32
        %or3A_439 = vector.broadcast %or3A_438 : i32 to vector<16xi32>
        %or3A_440 = arith.ori %shift_right_arithmetic3A_437, %or3A_439 : vector<16xi32>
        %xor3A_441 = arith.xori %bitcast_convert_type3A_434, %or3A_440 : vector<16xi32>
        %shift_right_logical3A_442 = arith.constant 16 : i32
        %shift_right_logical3A_443 = vector.broadcast %shift_right_logical3A_442 : i32 to vector<16xi32>
        %shift_right_logical3A_444 = arith.shrui %xor3A_441, %shift_right_logical3A_443 : vector<16xi32>
        %ge3A_445 = vector.broadcast %mul3A_65 : i32 to vector<16xi32>
        %ge3A_446 = arith.cmpi sge, %shift_right_logical3A_444, %ge3A_445 : vector<16xi32>
        %mul3A_447 = arith.constant 16 : i32
        %mul3A_448 = arith.muli %scan3A_374, %mul3A_447 : i32
        %add3A_449 = vector.broadcast %mul3A_448 : i32 to vector<16xi32>
        %add3A_450 = arith.addi %add3A_449, %iota3A : vector<16xi32>
        %add3A_451 = arith.constant 1024 : i32
        %add3A_452 = arith.addi %add3A_451, %scan3A_374 : i32
        %mul3A_453 = arith.constant 16 : i32
        %mul3A_454 = arith.muli %add3A_452, %mul3A_453 : i32
        %add3A_455 = vector.broadcast %mul3A_454 : i32 to vector<16xi32>
        %add3A_456 = arith.addi %add3A_455, %iota3A : vector<16xi32>
        %swap3A_457 = arith.index_cast %min3A_363 : i32 to index
        %swap3A_458 = tpu.vector_load %arg7[%swap3A_457] masked %ge3A_407 {strides = array<i32>} : memref<1536xf32, #tpu.memory_space<vmem>>, vector<16xf32>, vector<16xi1>
        tpu.vector_store %arg7[%swap3A_457], %get3A_378 masked %ge3A_407 {strides = array<i32>} : memref<1536xf32, #tpu.memory_space<vmem>>, vector<16xf32>, vector<16xi1>
        %swap3A_459 = arith.index_cast %min3A_363 : i32 to index
        %swap3A_460 = tpu.vector_load %arg9[%swap3A_459] masked %ge3A_407 {strides = array<i32>} : memref<1536xi32, #tpu.memory_space<vmem>>, vector<16xi32>, vector<16xi1>
        tpu.vector_store %arg9[%swap3A_459], %add3A_450 masked %ge3A_407 {strides = array<i32>} : memref<1536xi32, #tpu.memory_space<vmem>>, vector<16xi32>, vector<16xi1>
        %swap3A_461 = arith.index_cast %min3A_366 : i32 to index
        %swap3A_462 = tpu.vector_load %arg7[%swap3A_461] masked %ge3A_420 {strides = array<i32>} : memref<1536xf32, #tpu.memory_space<vmem>>, vector<16xf32>, vector<16xi1>
        tpu.vector_store %arg7[%swap3A_461], %get3A_384 masked %ge3A_420 {strides = array<i32>} : memref<1536xf32, #tpu.memory_space<vmem>>, vector<16xf32>, vector<16xi1>
        %swap3A_463 = arith.index_cast %min3A_366 : i32 to index
        %swap3A_464 = tpu.vector_load %arg9[%swap3A_463] masked %ge3A_420 {strides = array<i32>} : memref<1536xi32, #tpu.memory_space<vmem>>, vector<16xi32>, vector<16xi1>
        tpu.vector_store %arg9[%swap3A_463], %add3A_456 masked %ge3A_420 {strides = array<i32>} : memref<1536xi32, #tpu.memory_space<vmem>>, vector<16xi32>, vector<16xi1>
        %swap3A_465 = arith.index_cast %min3A_369 : i32 to index
        %swap3A_466 = tpu.vector_load %arg8[%swap3A_465] masked %ge3A_433 {strides = array<i32>} : memref<1536xf32, #tpu.memory_space<vmem>>, vector<16xf32>, vector<16xi1>
        tpu.vector_store %arg8[%swap3A_465], %get3A_388 masked %ge3A_433 {strides = array<i32>} : memref<1536xf32, #tpu.memory_space<vmem>>, vector<16xf32>, vector<16xi1>
        %swap3A_467 = arith.index_cast %min3A_369 : i32 to index
        %swap3A_468 = tpu.vector_load %arg10[%swap3A_467] masked %ge3A_433 {strides = array<i32>} : memref<1536xi32, #tpu.memory_space<vmem>>, vector<16xi32>, vector<16xi1>
        tpu.vector_store %arg10[%swap3A_467], %add3A_450 masked %ge3A_433 {strides = array<i32>} : memref<1536xi32, #tpu.memory_space<vmem>>, vector<16xi32>, vector<16xi1>
        %swap3A_469 = arith.index_cast %min3A_372 : i32 to index
        %swap3A_470 = tpu.vector_load %arg8[%swap3A_469] masked %ge3A_446 {strides = array<i32>} : memref<1536xf32, #tpu.memory_space<vmem>>, vector<16xf32>, vector<16xi1>
        tpu.vector_store %arg8[%swap3A_469], %get3A_394 masked %ge3A_446 {strides = array<i32>} : memref<1536xf32, #tpu.memory_space<vmem>>, vector<16xf32>, vector<16xi1>
        %swap3A_471 = arith.index_cast %min3A_372 : i32 to index
        %swap3A_472 = tpu.vector_load %arg10[%swap3A_471] masked %ge3A_446 {strides = array<i32>} : memref<1536xi32, #tpu.memory_space<vmem>>, vector<16xi32>, vector<16xi1>
        tpu.vector_store %arg10[%swap3A_471], %add3A_456 masked %ge3A_446 {strides = array<i32>} : memref<1536xi32, #tpu.memory_space<vmem>>, vector<16xi32>, vector<16xi1>
        %all_reduce_population_count3A_473 = tpu.all_reduce %ge3A_407 {dim = 0 : i64, kind = #tpu.reduction_kind<sum>} : vector<16xi1> -> vector<16xi32>
        %slice3A_474 = vector.extract_strided_slice %all_reduce_population_count3A_473 {offsets = [0], sizes = [1], strides = [1]} : vector<16xi32> to vector<1xi32>
        %squeeze3A_475 = vector.extract %slice3A_474[0] : i32 from vector<1xi32>
        %all_reduce_population_count3A_476 = tpu.all_reduce %ge3A_420 {dim = 0 : i64, kind = #tpu.reduction_kind<sum>} : vector<16xi1> -> vector<16xi32>
        %slice3A_477 = vector.extract_strided_slice %all_reduce_population_count3A_476 {offsets = [0], sizes = [1], strides = [1]} : vector<16xi32> to vector<1xi32>
        %squeeze3A_478 = vector.extract %slice3A_477[0] : i32 from vector<1xi32>
        %all_reduce_population_count3A_479 = tpu.all_reduce %ge3A_433 {dim = 0 : i64, kind = #tpu.reduction_kind<sum>} : vector<16xi1> -> vector<16xi32>
        %slice3A_480 = vector.extract_strided_slice %all_reduce_population_count3A_479 {offsets = [0], sizes = [1], strides = [1]} : vector<16xi32> to vector<1xi32>
        %squeeze3A_481 = vector.extract %slice3A_480[0] : i32 from vector<1xi32>
        %all_reduce_population_count3A_482 = tpu.all_reduce %ge3A_446 {dim = 0 : i64, kind = #tpu.reduction_kind<sum>} : vector<16xi1> -> vector<16xi32>
        %slice3A_483 = vector.extract_strided_slice %all_reduce_population_count3A_482 {offsets = [0], sizes = [1], strides = [1]} : vector<16xi32> to vector<1xi32>
        %squeeze3A_484 = vector.extract %slice3A_483[0] : i32 from vector<1xi32>
        %add3A_485 = arith.addi %min3A_363, %squeeze3A_475 : i32
        %min3A_486 = arith.constant 752 : i32
        %min3A_487 = arith.minsi %add3A_485, %min3A_486 : i32
        %add3A_488 = arith.addi %min3A_366, %squeeze3A_478 : i32
        %min3A_489 = arith.constant 1520 : i32
        %min3A_490 = arith.minsi %add3A_488, %min3A_489 : i32
        %add3A_491 = arith.addi %min3A_369, %squeeze3A_481 : i32
        %min3A_492 = arith.constant 752 : i32
        %min3A_493 = arith.minsi %add3A_491, %min3A_492 : i32
        %add3A_494 = arith.addi %min3A_372, %squeeze3A_484 : i32
        %min3A_495 = arith.constant 1520 : i32
        %min3A_496 = arith.minsi %add3A_494, %min3A_495 : i32
        %scan3A_497 = arith.constant 3 : i32
        %scan3A_498 = arith.addi %scan3A_134, %scan3A_497 : i32
        %mul3A_499 = arith.constant 16 : i32
        %mul3A_500 = arith.muli %scan3A_498, %mul3A_499 : i32
        %get3A_501 = arith.index_cast %mul3A_500 : i32 to index
        %get3A_502 = tpu.vector_load %arg5[%get3A_501] {strides = array<i32>} : memref<32768xf32, #tpu.memory_space<vmem>>, vector<16xf32>,
        %add3A_503 = arith.constant 1024 : i32
        %add3A_504 = arith.addi %add3A_503, %scan3A_498 : i32
        %mul3A_505 = arith.constant 16 : i32
        %mul3A_506 = arith.muli %add3A_504, %mul3A_505 : i32
        %get3A_507 = arith.index_cast %mul3A_506 : i32 to index
        %get3A_508 = tpu.vector_load %arg5[%get3A_507] {strides = array<i32>} : memref<32768xf32, #tpu.memory_space<vmem>>, vector<16xf32>,
        %mul3A_509 = arith.constant 16 : i32
        %mul3A_510 = arith.muli %scan3A_498, %mul3A_509 : i32
        %get3A_511 = arith.index_cast %mul3A_510 : i32 to index
        %get3A_512 = tpu.vector_load %arg6[%get3A_511] {strides = array<i32>} : memref<32768xf32, #tpu.memory_space<vmem>>, vector<16xf32>,
        %add3A_513 = arith.constant 1024 : i32
        %add3A_514 = arith.addi %add3A_513, %scan3A_498 : i32
        %mul3A_515 = arith.constant 16 : i32
        %mul3A_516 = arith.muli %add3A_514, %mul3A_515 : i32
        %get3A_517 = arith.index_cast %mul3A_516 : i32 to index
        %get3A_518 = tpu.vector_load %arg6[%get3A_517] {strides = array<i32>} : memref<32768xf32, #tpu.memory_space<vmem>>, vector<16xf32>,
        %bitcast_convert_type3A_519 = tpu.bitcast %get3A_502 : vector<16xf32> -> vector<16xi32>
        %shift_right_arithmetic3A_520 = arith.constant 31 : i32
        %shift_right_arithmetic3A_521 = vector.broadcast %shift_right_arithmetic3A_520 : i32 to vector<16xi32>
        %shift_right_arithmetic3A_522 = arith.shrsi %bitcast_convert_type3A_519, %shift_right_arithmetic3A_521 : vector<16xi32>
        %or3A_523 = arith.constant -2147483648 : i32
        %or3A_524 = vector.broadcast %or3A_523 : i32 to vector<16xi32>
        %or3A_525 = arith.ori %shift_right_arithmetic3A_522, %or3A_524 : vector<16xi32>
        %xor3A_526 = arith.xori %bitcast_convert_type3A_519, %or3A_525 : vector<16xi32>
        %shift_right_logical3A_527 = arith.constant 16 : i32
        %shift_right_logical3A_528 = vector.broadcast %shift_right_logical3A_527 : i32 to vector<16xi32>
        %shift_right_logical3A_529 = arith.shrui %xor3A_526, %shift_right_logical3A_528 : vector<16xi32>
        %ge3A_530 = vector.broadcast %mul3A_63 : i32 to vector<16xi32>
        %ge3A_531 = arith.cmpi sge, %shift_right_logical3A_529, %ge3A_530 : vector<16xi32>
        %bitcast_convert_type3A_532 = tpu.bitcast %get3A_508 : vector<16xf32> -> vector<16xi32>
        %shift_right_arithmetic3A_533 = arith.constant 31 : i32
        %shift_right_arithmetic3A_534 = vector.broadcast %shift_right_arithmetic3A_533 : i32 to vector<16xi32>
        %shift_right_arithmetic3A_535 = arith.shrsi %bitcast_convert_type3A_532, %shift_right_arithmetic3A_534 : vector<16xi32>
        %or3A_536 = arith.constant -2147483648 : i32
        %or3A_537 = vector.broadcast %or3A_536 : i32 to vector<16xi32>
        %or3A_538 = arith.ori %shift_right_arithmetic3A_535, %or3A_537 : vector<16xi32>
        %xor3A_539 = arith.xori %bitcast_convert_type3A_532, %or3A_538 : vector<16xi32>
        %shift_right_logical3A_540 = arith.constant 16 : i32
        %shift_right_logical3A_541 = vector.broadcast %shift_right_logical3A_540 : i32 to vector<16xi32>
        %shift_right_logical3A_542 = arith.shrui %xor3A_539, %shift_right_logical3A_541 : vector<16xi32>
        %ge3A_543 = vector.broadcast %mul3A_63 : i32 to vector<16xi32>
        %ge3A_544 = arith.cmpi sge, %shift_right_logical3A_542, %ge3A_543 : vector<16xi32>
        %bitcast_convert_type3A_545 = tpu.bitcast %get3A_512 : vector<16xf32> -> vector<16xi32>
        %shift_right_arithmetic3A_546 = arith.constant 31 : i32
        %shift_right_arithmetic3A_547 = vector.broadcast %shift_right_arithmetic3A_546 : i32 to vector<16xi32>
        %shift_right_arithmetic3A_548 = arith.shrsi %bitcast_convert_type3A_545, %shift_right_arithmetic3A_547 : vector<16xi32>
        %or3A_549 = arith.constant -2147483648 : i32
        %or3A_550 = vector.broadcast %or3A_549 : i32 to vector<16xi32>
        %or3A_551 = arith.ori %shift_right_arithmetic3A_548, %or3A_550 : vector<16xi32>
        %xor3A_552 = arith.xori %bitcast_convert_type3A_545, %or3A_551 : vector<16xi32>
        %shift_right_logical3A_553 = arith.constant 16 : i32
        %shift_right_logical3A_554 = vector.broadcast %shift_right_logical3A_553 : i32 to vector<16xi32>
        %shift_right_logical3A_555 = arith.shrui %xor3A_552, %shift_right_logical3A_554 : vector<16xi32>
        %ge3A_556 = vector.broadcast %mul3A_65 : i32 to vector<16xi32>
        %ge3A_557 = arith.cmpi sge, %shift_right_logical3A_555, %ge3A_556 : vector<16xi32>
        %bitcast_convert_type3A_558 = tpu.bitcast %get3A_518 : vector<16xf32> -> vector<16xi32>
        %shift_right_arithmetic3A_559 = arith.constant 31 : i32
        %shift_right_arithmetic3A_560 = vector.broadcast %shift_right_arithmetic3A_559 : i32 to vector<16xi32>
        %shift_right_arithmetic3A_561 = arith.shrsi %bitcast_convert_type3A_558, %shift_right_arithmetic3A_560 : vector<16xi32>
        %or3A_562 = arith.constant -2147483648 : i32
        %or3A_563 = vector.broadcast %or3A_562 : i32 to vector<16xi32>
        %or3A_564 = arith.ori %shift_right_arithmetic3A_561, %or3A_563 : vector<16xi32>
        %xor3A_565 = arith.xori %bitcast_convert_type3A_558, %or3A_564 : vector<16xi32>
        %shift_right_logical3A_566 = arith.constant 16 : i32
        %shift_right_logical3A_567 = vector.broadcast %shift_right_logical3A_566 : i32 to vector<16xi32>
        %shift_right_logical3A_568 = arith.shrui %xor3A_565, %shift_right_logical3A_567 : vector<16xi32>
        %ge3A_569 = vector.broadcast %mul3A_65 : i32 to vector<16xi32>
        %ge3A_570 = arith.cmpi sge, %shift_right_logical3A_568, %ge3A_569 : vector<16xi32>
        %mul3A_571 = arith.constant 16 : i32
        %mul3A_572 = arith.muli %scan3A_498, %mul3A_571 : i32
        %add3A_573 = vector.broadcast %mul3A_572 : i32 to vector<16xi32>
        %add3A_574 = arith.addi %add3A_573, %iota3A : vector<16xi32>
        %add3A_575 = arith.constant 1024 : i32
        %add3A_576 = arith.addi %add3A_575, %scan3A_498 : i32
        %mul3A_577 = arith.constant 16 : i32
        %mul3A_578 = arith.muli %add3A_576, %mul3A_577 : i32
        %add3A_579 = vector.broadcast %mul3A_578 : i32 to vector<16xi32>
        %add3A_580 = arith.addi %add3A_579, %iota3A : vector<16xi32>
        %swap3A_581 = arith.index_cast %min3A_487 : i32 to index
        %swap3A_582 = tpu.vector_load %arg7[%swap3A_581] masked %ge3A_531 {strides = array<i32>} : memref<1536xf32, #tpu.memory_space<vmem>>, vector<16xf32>, vector<16xi1>
        tpu.vector_store %arg7[%swap3A_581], %get3A_502 masked %ge3A_531 {strides = array<i32>} : memref<1536xf32, #tpu.memory_space<vmem>>, vector<16xf32>, vector<16xi1>
        %swap3A_583 = arith.index_cast %min3A_487 : i32 to index
        %swap3A_584 = tpu.vector_load %arg9[%swap3A_583] masked %ge3A_531 {strides = array<i32>} : memref<1536xi32, #tpu.memory_space<vmem>>, vector<16xi32>, vector<16xi1>
        tpu.vector_store %arg9[%swap3A_583], %add3A_574 masked %ge3A_531 {strides = array<i32>} : memref<1536xi32, #tpu.memory_space<vmem>>, vector<16xi32>, vector<16xi1>
        %swap3A_585 = arith.index_cast %min3A_490 : i32 to index
        %swap3A_586 = tpu.vector_load %arg7[%swap3A_585] masked %ge3A_544 {strides = array<i32>} : memref<1536xf32, #tpu.memory_space<vmem>>, vector<16xf32>, vector<16xi1>
        tpu.vector_store %arg7[%swap3A_585], %get3A_508 masked %ge3A_544 {strides = array<i32>} : memref<1536xf32, #tpu.memory_space<vmem>>, vector<16xf32>, vector<16xi1>
        %swap3A_587 = arith.index_cast %min3A_490 : i32 to index
        %swap3A_588 = tpu.vector_load %arg9[%swap3A_587] masked %ge3A_544 {strides = array<i32>} : memref<1536xi32, #tpu.memory_space<vmem>>, vector<16xi32>, vector<16xi1>
        tpu.vector_store %arg9[%swap3A_587], %add3A_580 masked %ge3A_544 {strides = array<i32>} : memref<1536xi32, #tpu.memory_space<vmem>>, vector<16xi32>, vector<16xi1>
        %swap3A_589 = arith.index_cast %min3A_493 : i32 to index
        %swap3A_590 = tpu.vector_load %arg8[%swap3A_589] masked %ge3A_557 {strides = array<i32>} : memref<1536xf32, #tpu.memory_space<vmem>>, vector<16xf32>, vector<16xi1>
        tpu.vector_store %arg8[%swap3A_589], %get3A_512 masked %ge3A_557 {strides = array<i32>} : memref<1536xf32, #tpu.memory_space<vmem>>, vector<16xf32>, vector<16xi1>
        %swap3A_591 = arith.index_cast %min3A_493 : i32 to index
        %swap3A_592 = tpu.vector_load %arg10[%swap3A_591] masked %ge3A_557 {strides = array<i32>} : memref<1536xi32, #tpu.memory_space<vmem>>, vector<16xi32>, vector<16xi1>
        tpu.vector_store %arg10[%swap3A_591], %add3A_574 masked %ge3A_557 {strides = array<i32>} : memref<1536xi32, #tpu.memory_space<vmem>>, vector<16xi32>, vector<16xi1>
        %swap3A_593 = arith.index_cast %min3A_496 : i32 to index
        %swap3A_594 = tpu.vector_load %arg8[%swap3A_593] masked %ge3A_570 {strides = array<i32>} : memref<1536xf32, #tpu.memory_space<vmem>>, vector<16xf32>, vector<16xi1>
        tpu.vector_store %arg8[%swap3A_593], %get3A_518 masked %ge3A_570 {strides = array<i32>} : memref<1536xf32, #tpu.memory_space<vmem>>, vector<16xf32>, vector<16xi1>
        %swap3A_595 = arith.index_cast %min3A_496 : i32 to index
        %swap3A_596 = tpu.vector_load %arg10[%swap3A_595] masked %ge3A_570 {strides = array<i32>} : memref<1536xi32, #tpu.memory_space<vmem>>, vector<16xi32>, vector<16xi1>
        tpu.vector_store %arg10[%swap3A_595], %add3A_580 masked %ge3A_570 {strides = array<i32>} : memref<1536xi32, #tpu.memory_space<vmem>>, vector<16xi32>, vector<16xi1>
        %all_reduce_population_count3A_597 = tpu.all_reduce %ge3A_531 {dim = 0 : i64, kind = #tpu.reduction_kind<sum>} : vector<16xi1> -> vector<16xi32>
        %slice3A_598 = vector.extract_strided_slice %all_reduce_population_count3A_597 {offsets = [0], sizes = [1], strides = [1]} : vector<16xi32> to vector<1xi32>
        %squeeze3A_599 = vector.extract %slice3A_598[0] : i32 from vector<1xi32>
        %all_reduce_population_count3A_600 = tpu.all_reduce %ge3A_544 {dim = 0 : i64, kind = #tpu.reduction_kind<sum>} : vector<16xi1> -> vector<16xi32>
        %slice3A_601 = vector.extract_strided_slice %all_reduce_population_count3A_600 {offsets = [0], sizes = [1], strides = [1]} : vector<16xi32> to vector<1xi32>
        %squeeze3A_602 = vector.extract %slice3A_601[0] : i32 from vector<1xi32>
        %all_reduce_population_count3A_603 = tpu.all_reduce %ge3A_557 {dim = 0 : i64, kind = #tpu.reduction_kind<sum>} : vector<16xi1> -> vector<16xi32>
        %slice3A_604 = vector.extract_strided_slice %all_reduce_population_count3A_603 {offsets = [0], sizes = [1], strides = [1]} : vector<16xi32> to vector<1xi32>
        %squeeze3A_605 = vector.extract %slice3A_604[0] : i32 from vector<1xi32>
        %all_reduce_population_count3A_606 = tpu.all_reduce %ge3A_570 {dim = 0 : i64, kind = #tpu.reduction_kind<sum>} : vector<16xi1> -> vector<16xi32>
        %slice3A_607 = vector.extract_strided_slice %all_reduce_population_count3A_606 {offsets = [0], sizes = [1], strides = [1]} : vector<16xi32> to vector<1xi32>
        %squeeze3A_608 = vector.extract %slice3A_607[0] : i32 from vector<1xi32>
        %add3A_609 = arith.addi %min3A_487, %squeeze3A_599 : i32
        %min3A_610 = arith.constant 752 : i32
        %min3A_611 = arith.minsi %add3A_609, %min3A_610 : i32
        %add3A_612 = arith.addi %min3A_490, %squeeze3A_602 : i32
        %min3A_613 = arith.constant 1520 : i32
        %min3A_614 = arith.minsi %add3A_612, %min3A_613 : i32
        %add3A_615 = arith.addi %min3A_493, %squeeze3A_605 : i32
        %min3A_616 = arith.constant 752 : i32
        %min3A_617 = arith.minsi %add3A_615, %min3A_616 : i32
        %add3A_618 = arith.addi %min3A_496, %squeeze3A_608 : i32
        %min3A_619 = arith.constant 1520 : i32
        %min3A_620 = arith.minsi %add3A_618, %min3A_619 : i32
        scf.yield %min3A_611, %min3A_614, %min3A_617, %min3A_620 : i32, i32, i32, i32
      }
      %scan3A_80 = arith.constant 1024 : i32
      %scan3A_81 = arith.constant 0 : i32
      %scan3A_82 = arith.constant 0 : i32
      %scan3A_83 = arith.constant 96 : i32
      %scan3A_84 = arith.addi %scan3A_82, %scan3A_83 : i32
      %scan3A_85 = arith.constant 4 : i32
      %scan3A_86 = scf.for %scan3A_134 = %scan3A_82 to %scan3A_84 step %scan3A_85 iter_args(%scan3A_135 = %scan3A_81) -> (i32)  : i32 {
        %mul3A_136 = arith.constant 16 : i32
        %mul3A_137 = arith.muli %scan3A_134, %mul3A_136 : i32
        %get3A = arith.index_cast %mul3A_137 : i32 to index
        %get3A_138 = tpu.vector_load %arg7[%get3A] {strides = array<i32>} : memref<1536xf32, #tpu.memory_space<vmem>>, vector<16xf32>,
        %reduce_max3A = arith.constant true
        %reduce_max3A_139 = vector.broadcast %reduce_max3A : i1 to vector<16xi1>
        %reduce_max3A_140 = tpu.scan <max>, %get3A_138 masked %reduce_max3A_139 : vector<16xf32>, vector<16xi1> -> vector<16xf32>
        %reduce_max3A_141 = vector.extract %reduce_max3A_140[15] : f32 from vector<16xf32>
        %mul3A_142 = arith.constant 16 : i32
        %mul3A_143 = arith.muli %scan3A_134, %mul3A_142 : i32
        %get3A_144 = arith.index_cast %mul3A_143 : i32 to index
        %get3A_145 = tpu.vector_load %arg8[%get3A_144] {strides = array<i32>} : memref<1536xf32, #tpu.memory_space<vmem>>, vector<16xf32>,
        %reduce_max3A_146 = arith.constant true
        %reduce_max3A_147 = vector.broadcast %reduce_max3A_146 : i1 to vector<16xi1>
        %reduce_max3A_148 = tpu.scan <max>, %get3A_145 masked %reduce_max3A_147 : vector<16xf32>, vector<16xi1> -> vector<16xf32>
        %reduce_max3A_149 = vector.extract %reduce_max3A_148[15] : f32 from vector<16xf32>
        %broadcast_in_dim3A_150 = vector.broadcast %scan3A_134 : i32 to vector<16xi32>
        %broadcast_in_dim3A_151 = vector.broadcast %reduce_max3A_141 : f32 to vector<16xf32>
        tpu.vector_store_idx %arg13[%broadcast_in_dim3A_150], %broadcast_in_dim3A_151 masked %eq3A_11 : memref<96xf32, #tpu.memory_space<vmem>>[vector<16xi32>], vector<16xf32>, vector<16xi1>
        %broadcast_in_dim3A_152 = vector.broadcast %reduce_max3A_149 : f32 to vector<16xf32>
        tpu.vector_store_idx %arg14[%broadcast_in_dim3A_150], %broadcast_in_dim3A_152 masked %eq3A_11 : memref<96xf32, #tpu.memory_space<vmem>>[vector<16xi32>], vector<16xf32>, vector<16xi1>
        %scan3A_153 = arith.constant 0 : i32
        %scan3A_154 = arith.constant 1 : i32
        %scan3A_155 = arith.addi %scan3A_134, %scan3A_154 : i32
        %mul3A_156 = arith.constant 16 : i32
        %mul3A_157 = arith.muli %scan3A_155, %mul3A_156 : i32
        %get3A_158 = arith.index_cast %mul3A_157 : i32 to index
        %get3A_159 = tpu.vector_load %arg7[%get3A_158] {strides = array<i32>} : memref<1536xf32, #tpu.memory_space<vmem>>, vector<16xf32>,
        %reduce_max3A_160 = arith.constant true
        %reduce_max3A_161 = vector.broadcast %reduce_max3A_160 : i1 to vector<16xi1>
        %reduce_max3A_162 = tpu.scan <max>, %get3A_159 masked %reduce_max3A_161 : vector<16xf32>, vector<16xi1> -> vector<16xf32>
        %reduce_max3A_163 = vector.extract %reduce_max3A_162[15] : f32 from vector<16xf32>
        %mul3A_164 = arith.constant 16 : i32
        %mul3A_165 = arith.muli %scan3A_155, %mul3A_164 : i32
        %get3A_166 = arith.index_cast %mul3A_165 : i32 to index
        %get3A_167 = tpu.vector_load %arg8[%get3A_166] {strides = array<i32>} : memref<1536xf32, #tpu.memory_space<vmem>>, vector<16xf32>,
        %reduce_max3A_168 = arith.constant true
        %reduce_max3A_169 = vector.broadcast %reduce_max3A_168 : i1 to vector<16xi1>
        %reduce_max3A_170 = tpu.scan <max>, %get3A_167 masked %reduce_max3A_169 : vector<16xf32>, vector<16xi1> -> vector<16xf32>
        %reduce_max3A_171 = vector.extract %reduce_max3A_170[15] : f32 from vector<16xf32>
        %broadcast_in_dim3A_172 = vector.broadcast %scan3A_155 : i32 to vector<16xi32>
        %broadcast_in_dim3A_173 = vector.broadcast %reduce_max3A_163 : f32 to vector<16xf32>
        tpu.vector_store_idx %arg13[%broadcast_in_dim3A_172], %broadcast_in_dim3A_173 masked %eq3A_11 : memref<96xf32, #tpu.memory_space<vmem>>[vector<16xi32>], vector<16xf32>, vector<16xi1>
        %broadcast_in_dim3A_174 = vector.broadcast %reduce_max3A_171 : f32 to vector<16xf32>
        tpu.vector_store_idx %arg14[%broadcast_in_dim3A_172], %broadcast_in_dim3A_174 masked %eq3A_11 : memref<96xf32, #tpu.memory_space<vmem>>[vector<16xi32>], vector<16xf32>, vector<16xi1>
        %scan3A_175 = arith.constant 0 : i32
        %scan3A_176 = arith.constant 2 : i32
        %scan3A_177 = arith.addi %scan3A_134, %scan3A_176 : i32
        %mul3A_178 = arith.constant 16 : i32
        %mul3A_179 = arith.muli %scan3A_177, %mul3A_178 : i32
        %get3A_180 = arith.index_cast %mul3A_179 : i32 to index
        %get3A_181 = tpu.vector_load %arg7[%get3A_180] {strides = array<i32>} : memref<1536xf32, #tpu.memory_space<vmem>>, vector<16xf32>,
        %reduce_max3A_182 = arith.constant true
        %reduce_max3A_183 = vector.broadcast %reduce_max3A_182 : i1 to vector<16xi1>
        %reduce_max3A_184 = tpu.scan <max>, %get3A_181 masked %reduce_max3A_183 : vector<16xf32>, vector<16xi1> -> vector<16xf32>
        %reduce_max3A_185 = vector.extract %reduce_max3A_184[15] : f32 from vector<16xf32>
        %mul3A_186 = arith.constant 16 : i32
        %mul3A_187 = arith.muli %scan3A_177, %mul3A_186 : i32
        %get3A_188 = arith.index_cast %mul3A_187 : i32 to index
        %get3A_189 = tpu.vector_load %arg8[%get3A_188] {strides = array<i32>} : memref<1536xf32, #tpu.memory_space<vmem>>, vector<16xf32>,
        %reduce_max3A_190 = arith.constant true
        %reduce_max3A_191 = vector.broadcast %reduce_max3A_190 : i1 to vector<16xi1>
        %reduce_max3A_192 = tpu.scan <max>, %get3A_189 masked %reduce_max3A_191 : vector<16xf32>, vector<16xi1> -> vector<16xf32>
        %reduce_max3A_193 = vector.extract %reduce_max3A_192[15] : f32 from vector<16xf32>
        %broadcast_in_dim3A_194 = vector.broadcast %scan3A_177 : i32 to vector<16xi32>
        %broadcast_in_dim3A_195 = vector.broadcast %reduce_max3A_185 : f32 to vector<16xf32>
        tpu.vector_store_idx %arg13[%broadcast_in_dim3A_194], %broadcast_in_dim3A_195 masked %eq3A_11 : memref<96xf32, #tpu.memory_space<vmem>>[vector<16xi32>], vector<16xf32>, vector<16xi1>
        %broadcast_in_dim3A_196 = vector.broadcast %reduce_max3A_193 : f32 to vector<16xf32>
        tpu.vector_store_idx %arg14[%broadcast_in_dim3A_194], %broadcast_in_dim3A_196 masked %eq3A_11 : memref<96xf32, #tpu.memory_space<vmem>>[vector<16xi32>], vector<16xf32>, vector<16xi1>
        %scan3A_197 = arith.constant 0 : i32
        %scan3A_198 = arith.constant 3 : i32
        %scan3A_199 = arith.addi %scan3A_134, %scan3A_198 : i32
        %mul3A_200 = arith.constant 16 : i32
        %mul3A_201 = arith.muli %scan3A_199, %mul3A_200 : i32
        %get3A_202 = arith.index_cast %mul3A_201 : i32 to index
        %get3A_203 = tpu.vector_load %arg7[%get3A_202] {strides = array<i32>} : memref<1536xf32, #tpu.memory_space<vmem>>, vector<16xf32>,
        %reduce_max3A_204 = arith.constant true
        %reduce_max3A_205 = vector.broadcast %reduce_max3A_204 : i1 to vector<16xi1>
        %reduce_max3A_206 = tpu.scan <max>, %get3A_203 masked %reduce_max3A_205 : vector<16xf32>, vector<16xi1> -> vector<16xf32>
        %reduce_max3A_207 = vector.extract %reduce_max3A_206[15] : f32 from vector<16xf32>
        %mul3A_208 = arith.constant 16 : i32
        %mul3A_209 = arith.muli %scan3A_199, %mul3A_208 : i32
        %get3A_210 = arith.index_cast %mul3A_209 : i32 to index
        %get3A_211 = tpu.vector_load %arg8[%get3A_210] {strides = array<i32>} : memref<1536xf32, #tpu.memory_space<vmem>>, vector<16xf32>,
        %reduce_max3A_212 = arith.constant true
        %reduce_max3A_213 = vector.broadcast %reduce_max3A_212 : i1 to vector<16xi1>
        %reduce_max3A_214 = tpu.scan <max>, %get3A_211 masked %reduce_max3A_213 : vector<16xf32>, vector<16xi1> -> vector<16xf32>
        %reduce_max3A_215 = vector.extract %reduce_max3A_214[15] : f32 from vector<16xf32>
        %broadcast_in_dim3A_216 = vector.broadcast %scan3A_199 : i32 to vector<16xi32>
        %broadcast_in_dim3A_217 = vector.broadcast %reduce_max3A_207 : f32 to vector<16xf32>
        tpu.vector_store_idx %arg13[%broadcast_in_dim3A_216], %broadcast_in_dim3A_217 masked %eq3A_11 : memref<96xf32, #tpu.memory_space<vmem>>[vector<16xi32>], vector<16xf32>, vector<16xi1>
        %broadcast_in_dim3A_218 = vector.broadcast %reduce_max3A_215 : f32 to vector<16xf32>
        tpu.vector_store_idx %arg14[%broadcast_in_dim3A_216], %broadcast_in_dim3A_218 masked %eq3A_11 : memref<96xf32, #tpu.memory_space<vmem>>[vector<16xi32>], vector<16xf32>, vector<16xi1>
        %scan3A_219 = arith.constant 0 : i32
        scf.yield %scan3A_219 : i32
      }
      %scan3A_87 = arith.constant 96 : i32
      %scan3A_88 = arith.constant 0 : i32
      %scan3A_89 = arith.constant 0 : i32
      %scan3A_90 = arith.constant 2048 : i32
      %scan3A_91 = arith.addi %scan3A_89, %scan3A_90 : i32
      %scan3A_92 = arith.constant 8 : i32
      %scan3A_93 = scf.for %scan3A_134 = %scan3A_89 to %scan3A_91 step %scan3A_92 iter_args(%scan3A_135 = %scan3A_88) -> (i32)  : i32 {
        %mul3A_136 = arith.constant 16 : i32
        %mul3A_137 = arith.muli %scan3A_134, %mul3A_136 : i32
        %swap3A = arith.index_cast %mul3A_137 : i32 to index
        %swap3A_138 = tpu.vector_load %arg5[%swap3A] {strides = array<i32>} : memref<32768xf32, #tpu.memory_space<vmem>>, vector<16xf32>,
        tpu.vector_store %arg5[%swap3A], %broadcast_in_dim3A_5 {strides = array<i32>} : memref<32768xf32, #tpu.memory_space<vmem>>, vector<16xf32>,
        %mul3A_139 = arith.constant 16 : i32
        %mul3A_140 = arith.muli %scan3A_134, %mul3A_139 : i32
        %swap3A_141 = arith.index_cast %mul3A_140 : i32 to index
        %swap3A_142 = tpu.vector_load %arg6[%swap3A_141] {strides = array<i32>} : memref<32768xf32, #tpu.memory_space<vmem>>, vector<16xf32>,
        tpu.vector_store %arg6[%swap3A_141], %broadcast_in_dim3A_5 {strides = array<i32>} : memref<32768xf32, #tpu.memory_space<vmem>>, vector<16xf32>,
        %scan3A_143 = arith.constant 0 : i32
        %scan3A_144 = arith.constant 1 : i32
        %scan3A_145 = arith.addi %scan3A_134, %scan3A_144 : i32
        %mul3A_146 = arith.constant 16 : i32
        %mul3A_147 = arith.muli %scan3A_145, %mul3A_146 : i32
        %swap3A_148 = arith.index_cast %mul3A_147 : i32 to index
        %swap3A_149 = tpu.vector_load %arg5[%swap3A_148] {strides = array<i32>} : memref<32768xf32, #tpu.memory_space<vmem>>, vector<16xf32>,
        tpu.vector_store %arg5[%swap3A_148], %broadcast_in_dim3A_5 {strides = array<i32>} : memref<32768xf32, #tpu.memory_space<vmem>>, vector<16xf32>,
        %mul3A_150 = arith.constant 16 : i32
        %mul3A_151 = arith.muli %scan3A_145, %mul3A_150 : i32
        %swap3A_152 = arith.index_cast %mul3A_151 : i32 to index
        %swap3A_153 = tpu.vector_load %arg6[%swap3A_152] {strides = array<i32>} : memref<32768xf32, #tpu.memory_space<vmem>>, vector<16xf32>,
        tpu.vector_store %arg6[%swap3A_152], %broadcast_in_dim3A_5 {strides = array<i32>} : memref<32768xf32, #tpu.memory_space<vmem>>, vector<16xf32>,
        %scan3A_154 = arith.constant 0 : i32
        %scan3A_155 = arith.constant 2 : i32
        %scan3A_156 = arith.addi %scan3A_134, %scan3A_155 : i32
        %mul3A_157 = arith.constant 16 : i32
        %mul3A_158 = arith.muli %scan3A_156, %mul3A_157 : i32
        %swap3A_159 = arith.index_cast %mul3A_158 : i32 to index
        %swap3A_160 = tpu.vector_load %arg5[%swap3A_159] {strides = array<i32>} : memref<32768xf32, #tpu.memory_space<vmem>>, vector<16xf32>,
        tpu.vector_store %arg5[%swap3A_159], %broadcast_in_dim3A_5 {strides = array<i32>} : memref<32768xf32, #tpu.memory_space<vmem>>, vector<16xf32>,
        %mul3A_161 = arith.constant 16 : i32
        %mul3A_162 = arith.muli %scan3A_156, %mul3A_161 : i32
        %swap3A_163 = arith.index_cast %mul3A_162 : i32 to index
        %swap3A_164 = tpu.vector_load %arg6[%swap3A_163] {strides = array<i32>} : memref<32768xf32, #tpu.memory_space<vmem>>, vector<16xf32>,
        tpu.vector_store %arg6[%swap3A_163], %broadcast_in_dim3A_5 {strides = array<i32>} : memref<32768xf32, #tpu.memory_space<vmem>>, vector<16xf32>,
        %scan3A_165 = arith.constant 0 : i32
        %scan3A_166 = arith.constant 3 : i32
        %scan3A_167 = arith.addi %scan3A_134, %scan3A_166 : i32
        %mul3A_168 = arith.constant 16 : i32
        %mul3A_169 = arith.muli %scan3A_167, %mul3A_168 : i32
        %swap3A_170 = arith.index_cast %mul3A_169 : i32 to index
        %swap3A_171 = tpu.vector_load %arg5[%swap3A_170] {strides = array<i32>} : memref<32768xf32, #tpu.memory_space<vmem>>, vector<16xf32>,
        tpu.vector_store %arg5[%swap3A_170], %broadcast_in_dim3A_5 {strides = array<i32>} : memref<32768xf32, #tpu.memory_space<vmem>>, vector<16xf32>,
        %mul3A_172 = arith.constant 16 : i32
        %mul3A_173 = arith.muli %scan3A_167, %mul3A_172 : i32
        %swap3A_174 = arith.index_cast %mul3A_173 : i32 to index
        %swap3A_175 = tpu.vector_load %arg6[%swap3A_174] {strides = array<i32>} : memref<32768xf32, #tpu.memory_space<vmem>>, vector<16xf32>,
        tpu.vector_store %arg6[%swap3A_174], %broadcast_in_dim3A_5 {strides = array<i32>} : memref<32768xf32, #tpu.memory_space<vmem>>, vector<16xf32>,
        %scan3A_176 = arith.constant 0 : i32
        %scan3A_177 = arith.constant 4 : i32
        %scan3A_178 = arith.addi %scan3A_134, %scan3A_177 : i32
        %mul3A_179 = arith.constant 16 : i32
        %mul3A_180 = arith.muli %scan3A_178, %mul3A_179 : i32
        %swap3A_181 = arith.index_cast %mul3A_180 : i32 to index
        %swap3A_182 = tpu.vector_load %arg5[%swap3A_181] {strides = array<i32>} : memref<32768xf32, #tpu.memory_space<vmem>>, vector<16xf32>,
        tpu.vector_store %arg5[%swap3A_181], %broadcast_in_dim3A_5 {strides = array<i32>} : memref<32768xf32, #tpu.memory_space<vmem>>, vector<16xf32>,
        %mul3A_183 = arith.constant 16 : i32
        %mul3A_184 = arith.muli %scan3A_178, %mul3A_183 : i32
        %swap3A_185 = arith.index_cast %mul3A_184 : i32 to index
        %swap3A_186 = tpu.vector_load %arg6[%swap3A_185] {strides = array<i32>} : memref<32768xf32, #tpu.memory_space<vmem>>, vector<16xf32>,
        tpu.vector_store %arg6[%swap3A_185], %broadcast_in_dim3A_5 {strides = array<i32>} : memref<32768xf32, #tpu.memory_space<vmem>>, vector<16xf32>,
        %scan3A_187 = arith.constant 0 : i32
        %scan3A_188 = arith.constant 5 : i32
        %scan3A_189 = arith.addi %scan3A_134, %scan3A_188 : i32
        %mul3A_190 = arith.constant 16 : i32
        %mul3A_191 = arith.muli %scan3A_189, %mul3A_190 : i32
        %swap3A_192 = arith.index_cast %mul3A_191 : i32 to index
        %swap3A_193 = tpu.vector_load %arg5[%swap3A_192] {strides = array<i32>} : memref<32768xf32, #tpu.memory_space<vmem>>, vector<16xf32>,
        tpu.vector_store %arg5[%swap3A_192], %broadcast_in_dim3A_5 {strides = array<i32>} : memref<32768xf32, #tpu.memory_space<vmem>>, vector<16xf32>,
        %mul3A_194 = arith.constant 16 : i32
        %mul3A_195 = arith.muli %scan3A_189, %mul3A_194 : i32
        %swap3A_196 = arith.index_cast %mul3A_195 : i32 to index
        %swap3A_197 = tpu.vector_load %arg6[%swap3A_196] {strides = array<i32>} : memref<32768xf32, #tpu.memory_space<vmem>>, vector<16xf32>,
        tpu.vector_store %arg6[%swap3A_196], %broadcast_in_dim3A_5 {strides = array<i32>} : memref<32768xf32, #tpu.memory_space<vmem>>, vector<16xf32>,
        %scan3A_198 = arith.constant 0 : i32
        %scan3A_199 = arith.constant 6 : i32
        %scan3A_200 = arith.addi %scan3A_134, %scan3A_199 : i32
        %mul3A_201 = arith.constant 16 : i32
        %mul3A_202 = arith.muli %scan3A_200, %mul3A_201 : i32
        %swap3A_203 = arith.index_cast %mul3A_202 : i32 to index
        %swap3A_204 = tpu.vector_load %arg5[%swap3A_203] {strides = array<i32>} : memref<32768xf32, #tpu.memory_space<vmem>>, vector<16xf32>,
        tpu.vector_store %arg5[%swap3A_203], %broadcast_in_dim3A_5 {strides = array<i32>} : memref<32768xf32, #tpu.memory_space<vmem>>, vector<16xf32>,
        %mul3A_205 = arith.constant 16 : i32
        %mul3A_206 = arith.muli %scan3A_200, %mul3A_205 : i32
        %swap3A_207 = arith.index_cast %mul3A_206 : i32 to index
        %swap3A_208 = tpu.vector_load %arg6[%swap3A_207] {strides = array<i32>} : memref<32768xf32, #tpu.memory_space<vmem>>, vector<16xf32>,
        tpu.vector_store %arg6[%swap3A_207], %broadcast_in_dim3A_5 {strides = array<i32>} : memref<32768xf32, #tpu.memory_space<vmem>>, vector<16xf32>,
        %scan3A_209 = arith.constant 0 : i32
        %scan3A_210 = arith.constant 7 : i32
        %scan3A_211 = arith.addi %scan3A_134, %scan3A_210 : i32
        %mul3A_212 = arith.constant 16 : i32
        %mul3A_213 = arith.muli %scan3A_211, %mul3A_212 : i32
        %swap3A_214 = arith.index_cast %mul3A_213 : i32 to index
        %swap3A_215 = tpu.vector_load %arg5[%swap3A_214] {strides = array<i32>} : memref<32768xf32, #tpu.memory_space<vmem>>, vector<16xf32>,
        tpu.vector_store %arg5[%swap3A_214], %broadcast_in_dim3A_5 {strides = array<i32>} : memref<32768xf32, #tpu.memory_space<vmem>>, vector<16xf32>,
        %mul3A_216 = arith.constant 16 : i32
        %mul3A_217 = arith.muli %scan3A_211, %mul3A_216 : i32
        %swap3A_218 = arith.index_cast %mul3A_217 : i32 to index
        %swap3A_219 = tpu.vector_load %arg6[%swap3A_218] {strides = array<i32>} : memref<32768xf32, #tpu.memory_space<vmem>>, vector<16xf32>,
        tpu.vector_store %arg6[%swap3A_218], %broadcast_in_dim3A_5 {strides = array<i32>} : memref<32768xf32, #tpu.memory_space<vmem>>, vector<16xf32>,
        %scan3A_220 = arith.constant 0 : i32
        scf.yield %scan3A_220 : i32
      }
      %scan3A_94 = arith.constant 2048 : i32
      %scan3A_95 = arith.constant 0 : i32
      %scan3A_96 = arith.constant 0 : i32
      %scan3A_97 = arith.constant 256 : i32
      %scan3A_98 = arith.addi %scan3A_96, %scan3A_97 : i32
      %scan3A_99 = arith.constant 1 : i32
      %scan3A_100 = scf.for %scan3A_134 = %scan3A_96 to %scan3A_98 step %scan3A_99 iter_args(%scan3A_135 = %scan3A_95) -> (i32)  : i32 {
        %get3A = arith.constant 0 : index
        %get3A_136 = tpu.vector_load %arg13[%get3A] {strides = array<i32>} : memref<96xf32, #tpu.memory_space<vmem>>, vector<16xf32>,
        %get3A_137 = arith.constant 16 : index
        %get3A_138 = tpu.vector_load %arg13[%get3A_137] {strides = array<i32>} : memref<96xf32, #tpu.memory_space<vmem>>, vector<16xf32>,
        %get3A_139 = arith.constant 32 : index
        %get3A_140 = tpu.vector_load %arg13[%get3A_139] {strides = array<i32>} : memref<96xf32, #tpu.memory_space<vmem>>, vector<16xf32>,
        %get3A_141 = arith.constant 48 : index
        %get3A_142 = tpu.vector_load %arg13[%get3A_141] {strides = array<i32>} : memref<96xf32, #tpu.memory_space<vmem>>, vector<16xf32>,
        %get3A_143 = arith.constant 64 : index
        %get3A_144 = tpu.vector_load %arg13[%get3A_143] {strides = array<i32>} : memref<96xf32, #tpu.memory_space<vmem>>, vector<16xf32>,
        %get3A_145 = arith.constant 80 : index
        %get3A_146 = tpu.vector_load %arg13[%get3A_145] {strides = array<i32>} : memref<96xf32, #tpu.memory_space<vmem>>, vector<16xf32>,
        %max3A = arith.maximumf %get3A_136, %get3A_138 : vector<16xf32>
        %max3A_147 = arith.maximumf %max3A, %get3A_140 : vector<16xf32>
        %max3A_148 = arith.maximumf %max3A_147, %get3A_142 : vector<16xf32>
        %max3A_149 = arith.maximumf %max3A_148, %get3A_144 : vector<16xf32>
        %max3A_150 = arith.maximumf %max3A_149, %get3A_146 : vector<16xf32>
        %reduce_max3A = arith.constant true
        %reduce_max3A_151 = vector.broadcast %reduce_max3A : i1 to vector<16xi1>
        %reduce_max3A_152 = tpu.scan <max>, %max3A_150 masked %reduce_max3A_151 : vector<16xf32>, vector<16xi1> -> vector<16xf32>
        %reduce_max3A_153 = vector.extract %reduce_max3A_152[15] : f32 from vector<16xf32>
        %broadcast_in_dim3A_154 = vector.broadcast %reduce_max3A_153 : f32 to vector<16xf32>
        %eq3A_155 = arith.cmpf oeq, %get3A_136, %broadcast_in_dim3A_154 : vector<16xf32>
        %add3A_156 = arith.constant 0 : i32
        %add3A_157 = vector.broadcast %add3A_156 : i32 to vector<16xi32>
        %add3A_158 = arith.addi %iota3A, %add3A_157 : vector<16xi32>
        %jit3A = arith.constant 1073741824 : i32
        %broadcast_in_dim3A_159 = vector.broadcast %jit3A : i32 to vector<16xi32>
        %select_n3A = arith.select %eq3A_155, %add3A_158, %broadcast_in_dim3A_159 : vector<16xi1>, vector<16xi32>
        %eq3A_160 = arith.cmpf oeq, %get3A_138, %broadcast_in_dim3A_154 : vector<16xf32>
        %add3A_161 = arith.constant 16 : i32
        %add3A_162 = vector.broadcast %add3A_161 : i32 to vector<16xi32>
        %add3A_163 = arith.addi %iota3A, %add3A_162 : vector<16xi32>
        %jit3A_164 = arith.constant 1073741824 : i32
        %broadcast_in_dim3A_165 = vector.broadcast %jit3A_164 : i32 to vector<16xi32>
        %select_n3A_166 = arith.select %eq3A_160, %add3A_163, %broadcast_in_dim3A_165 : vector<16xi1>, vector<16xi32>
        %eq3A_167 = arith.cmpf oeq, %get3A_140, %broadcast_in_dim3A_154 : vector<16xf32>
        %add3A_168 = arith.constant 32 : i32
        %add3A_169 = vector.broadcast %add3A_168 : i32 to vector<16xi32>
        %add3A_170 = arith.addi %iota3A, %add3A_169 : vector<16xi32>
        %jit3A_171 = arith.constant 1073741824 : i32
        %broadcast_in_dim3A_172 = vector.broadcast %jit3A_171 : i32 to vector<16xi32>
        %select_n3A_173 = arith.select %eq3A_167, %add3A_170, %broadcast_in_dim3A_172 : vector<16xi1>, vector<16xi32>
        %eq3A_174 = arith.cmpf oeq, %get3A_142, %broadcast_in_dim3A_154 : vector<16xf32>
        %add3A_175 = arith.constant 48 : i32
        %add3A_176 = vector.broadcast %add3A_175 : i32 to vector<16xi32>
        %add3A_177 = arith.addi %iota3A, %add3A_176 : vector<16xi32>
        %jit3A_178 = arith.constant 1073741824 : i32
        %broadcast_in_dim3A_179 = vector.broadcast %jit3A_178 : i32 to vector<16xi32>
        %select_n3A_180 = arith.select %eq3A_174, %add3A_177, %broadcast_in_dim3A_179 : vector<16xi1>, vector<16xi32>
        %eq3A_181 = arith.cmpf oeq, %get3A_144, %broadcast_in_dim3A_154 : vector<16xf32>
        %add3A_182 = arith.constant 64 : i32
        %add3A_183 = vector.broadcast %add3A_182 : i32 to vector<16xi32>
        %add3A_184 = arith.addi %iota3A, %add3A_183 : vector<16xi32>
        %jit3A_185 = arith.constant 1073741824 : i32
        %broadcast_in_dim3A_186 = vector.broadcast %jit3A_185 : i32 to vector<16xi32>
        %select_n3A_187 = arith.select %eq3A_181, %add3A_184, %broadcast_in_dim3A_186 : vector<16xi1>, vector<16xi32>
        %eq3A_188 = arith.cmpf oeq, %get3A_146, %broadcast_in_dim3A_154 : vector<16xf32>
        %add3A_189 = arith.constant 80 : i32
        %add3A_190 = vector.broadcast %add3A_189 : i32 to vector<16xi32>
        %add3A_191 = arith.addi %iota3A, %add3A_190 : vector<16xi32>
        %jit3A_192 = arith.constant 1073741824 : i32
        %broadcast_in_dim3A_193 = vector.broadcast %jit3A_192 : i32 to vector<16xi32>
        %select_n3A_194 = arith.select %eq3A_188, %add3A_191, %broadcast_in_dim3A_193 : vector<16xi1>, vector<16xi32>
        %min3A = arith.minsi %select_n3A, %select_n3A_166 : vector<16xi32>
        %min3A_195 = arith.minsi %min3A, %select_n3A_173 : vector<16xi32>
        %min3A_196 = arith.minsi %min3A_195, %select_n3A_180 : vector<16xi32>
        %min3A_197 = arith.minsi %min3A_196, %select_n3A_187 : vector<16xi32>
        %min3A_198 = arith.minsi %min3A_197, %select_n3A_194 : vector<16xi32>
        %reduce_min3A = arith.constant true
        %reduce_min3A_199 = vector.broadcast %reduce_min3A : i1 to vector<16xi1>
        %reduce_min3A_200 = arith.constant -2147483648 : i32
        %reduce_min3A_201 = vector.broadcast %reduce_min3A_200 : i32 to vector<16xi32>
        %reduce_min3A_202 = arith.xori %min3A_198, %reduce_min3A_201 : vector<16xi32>
        %reduce_min3A_203 = tpu.scan <min>, %reduce_min3A_202 masked %reduce_min3A_199 : vector<16xi32>, vector<16xi1> -> vector<16xi32>
        %reduce_min3A_204 = arith.xori %reduce_min3A_203, %reduce_min3A_201 : vector<16xi32>
        %reduce_min3A_205 = vector.extract %reduce_min3A_204[15] : i32 from vector<16xi32>
        %mul3A_206 = arith.constant 16 : i32
        %mul3A_207 = arith.muli %reduce_min3A_205, %mul3A_206 : i32
        %get3A_208 = arith.index_cast %mul3A_207 : i32 to index
        %get3A_209 = tpu.vector_load %arg7[%get3A_208] {strides = array<i32>} : memref<1536xf32, #tpu.memory_space<vmem>>, vector<16xf32>,
        %eq3A_210 = arith.cmpf oeq, %get3A_209, %broadcast_in_dim3A_154 : vector<16xf32>
        %mul3A_211 = arith.constant 16 : i32
        %mul3A_212 = arith.muli %reduce_min3A_205, %mul3A_211 : i32
        %add3A_213 = vector.broadcast %mul3A_212 : i32 to vector<16xi32>
        %add3A_214 = arith.addi %add3A_213, %iota3A : vector<16xi32>
        %jit3A_215 = arith.constant 1073741824 : i32
        %broadcast_in_dim3A_216 = vector.broadcast %jit3A_215 : i32 to vector<16xi32>
        %select_n3A_217 = arith.select %eq3A_210, %add3A_214, %broadcast_in_dim3A_216 : vector<16xi1>, vector<16xi32>
        %reduce_min3A_218 = arith.constant true
        %reduce_min3A_219 = vector.broadcast %reduce_min3A_218 : i1 to vector<16xi1>
        %reduce_min3A_220 = arith.constant -2147483648 : i32
        %reduce_min3A_221 = vector.broadcast %reduce_min3A_220 : i32 to vector<16xi32>
        %reduce_min3A_222 = arith.xori %select_n3A_217, %reduce_min3A_221 : vector<16xi32>
        %reduce_min3A_223 = tpu.scan <min>, %reduce_min3A_222 masked %reduce_min3A_219 : vector<16xi32>, vector<16xi1> -> vector<16xi32>
        %reduce_min3A_224 = arith.xori %reduce_min3A_223, %reduce_min3A_221 : vector<16xi32>
        %reduce_min3A_225 = vector.extract %reduce_min3A_224[15] : i32 from vector<16xi32>
        %broadcast_in_dim3A_226 = vector.broadcast %reduce_min3A_225 : i32 to vector<16xi32>
        %gather3A = tpu.vector_load_idx %arg9[%broadcast_in_dim3A_226] : memref<1536xi32, #tpu.memory_space<vmem>>[vector<16xi32>], vector<16xi32>,
        %broadcast_in_dim3A_227 = vector.broadcast %scan3A_134 : i32 to vector<16xi32>
        tpu.vector_store_idx %arg15[%broadcast_in_dim3A_227], %gather3A masked %eq3A_11 : memref<256xi32, #tpu.memory_space<vmem>>[vector<16xi32>], vector<16xi32>, vector<16xi1>
        tpu.vector_store_idx %arg7[%broadcast_in_dim3A_226], %broadcast_in_dim3A_9 masked %eq3A_11 : memref<1536xf32, #tpu.memory_space<vmem>>[vector<16xi32>], vector<16xf32>, vector<16xi1>
        %mul3A_228 = arith.constant 16 : i32
        %mul3A_229 = arith.muli %reduce_min3A_205, %mul3A_228 : i32
        %sub3A = arith.subi %reduce_min3A_225, %mul3A_229 : i32
        %eq3A_230 = vector.broadcast %sub3A : i32 to vector<16xi32>
        %eq3A_231 = arith.cmpi eq, %iota3A, %eq3A_230 : vector<16xi32>
        %select_n3A_232 = arith.select %eq3A_231, %broadcast_in_dim3A_9, %get3A_209 : vector<16xi1>, vector<16xf32>
        %broadcast_in_dim3A_233 = vector.broadcast %reduce_min3A_205 : i32 to vector<16xi32>
        %reduce_max3A_234 = arith.constant true
        %reduce_max3A_235 = vector.broadcast %reduce_max3A_234 : i1 to vector<16xi1>
        %reduce_max3A_236 = tpu.scan <max>, %select_n3A_232 masked %reduce_max3A_235 : vector<16xf32>, vector<16xi1> -> vector<16xf32>
        %reduce_max3A_237 = vector.extract %reduce_max3A_236[15] : f32 from vector<16xf32>
        %broadcast_in_dim3A_238 = vector.broadcast %reduce_max3A_237 : f32 to vector<16xf32>
        tpu.vector_store_idx %arg13[%broadcast_in_dim3A_233], %broadcast_in_dim3A_238 masked %eq3A_11 : memref<96xf32, #tpu.memory_space<vmem>>[vector<16xi32>], vector<16xf32>, vector<16xi1>
        %get3A_239 = arith.constant 0 : index
        %get3A_240 = tpu.vector_load %arg14[%get3A_239] {strides = array<i32>} : memref<96xf32, #tpu.memory_space<vmem>>, vector<16xf32>,
        %get3A_241 = arith.constant 16 : index
        %get3A_242 = tpu.vector_load %arg14[%get3A_241] {strides = array<i32>} : memref<96xf32, #tpu.memory_space<vmem>>, vector<16xf32>,
        %get3A_243 = arith.constant 32 : index
        %get3A_244 = tpu.vector_load %arg14[%get3A_243] {strides = array<i32>} : memref<96xf32, #tpu.memory_space<vmem>>, vector<16xf32>,
        %get3A_245 = arith.constant 48 : index
        %get3A_246 = tpu.vector_load %arg14[%get3A_245] {strides = array<i32>} : memref<96xf32, #tpu.memory_space<vmem>>, vector<16xf32>,
        %get3A_247 = arith.constant 64 : index
        %get3A_248 = tpu.vector_load %arg14[%get3A_247] {strides = array<i32>} : memref<96xf32, #tpu.memory_space<vmem>>, vector<16xf32>,
        %get3A_249 = arith.constant 80 : index
        %get3A_250 = tpu.vector_load %arg14[%get3A_249] {strides = array<i32>} : memref<96xf32, #tpu.memory_space<vmem>>, vector<16xf32>,
        %max3A_251 = arith.maximumf %get3A_240, %get3A_242 : vector<16xf32>
        %max3A_252 = arith.maximumf %max3A_251, %get3A_244 : vector<16xf32>
        %max3A_253 = arith.maximumf %max3A_252, %get3A_246 : vector<16xf32>
        %max3A_254 = arith.maximumf %max3A_253, %get3A_248 : vector<16xf32>
        %max3A_255 = arith.maximumf %max3A_254, %get3A_250 : vector<16xf32>
        %reduce_max3A_256 = arith.constant true
        %reduce_max3A_257 = vector.broadcast %reduce_max3A_256 : i1 to vector<16xi1>
        %reduce_max3A_258 = tpu.scan <max>, %max3A_255 masked %reduce_max3A_257 : vector<16xf32>, vector<16xi1> -> vector<16xf32>
        %reduce_max3A_259 = vector.extract %reduce_max3A_258[15] : f32 from vector<16xf32>
        %broadcast_in_dim3A_260 = vector.broadcast %reduce_max3A_259 : f32 to vector<16xf32>
        %eq3A_261 = arith.cmpf oeq, %get3A_240, %broadcast_in_dim3A_260 : vector<16xf32>
        %add3A_262 = arith.constant 0 : i32
        %add3A_263 = vector.broadcast %add3A_262 : i32 to vector<16xi32>
        %add3A_264 = arith.addi %iota3A, %add3A_263 : vector<16xi32>
        %jit3A_265 = arith.constant 1073741824 : i32
        %broadcast_in_dim3A_266 = vector.broadcast %jit3A_265 : i32 to vector<16xi32>
        %select_n3A_267 = arith.select %eq3A_261, %add3A_264, %broadcast_in_dim3A_266 : vector<16xi1>, vector<16xi32>
        %eq3A_268 = arith.cmpf oeq, %get3A_242, %broadcast_in_dim3A_260 : vector<16xf32>
        %add3A_269 = arith.constant 16 : i32
        %add3A_270 = vector.broadcast %add3A_269 : i32 to vector<16xi32>
        %add3A_271 = arith.addi %iota3A, %add3A_270 : vector<16xi32>
        %jit3A_272 = arith.constant 1073741824 : i32
        %broadcast_in_dim3A_273 = vector.broadcast %jit3A_272 : i32 to vector<16xi32>
        %select_n3A_274 = arith.select %eq3A_268, %add3A_271, %broadcast_in_dim3A_273 : vector<16xi1>, vector<16xi32>
        %eq3A_275 = arith.cmpf oeq, %get3A_244, %broadcast_in_dim3A_260 : vector<16xf32>
        %add3A_276 = arith.constant 32 : i32
        %add3A_277 = vector.broadcast %add3A_276 : i32 to vector<16xi32>
        %add3A_278 = arith.addi %iota3A, %add3A_277 : vector<16xi32>
        %jit3A_279 = arith.constant 1073741824 : i32
        %broadcast_in_dim3A_280 = vector.broadcast %jit3A_279 : i32 to vector<16xi32>
        %select_n3A_281 = arith.select %eq3A_275, %add3A_278, %broadcast_in_dim3A_280 : vector<16xi1>, vector<16xi32>
        %eq3A_282 = arith.cmpf oeq, %get3A_246, %broadcast_in_dim3A_260 : vector<16xf32>
        %add3A_283 = arith.constant 48 : i32
        %add3A_284 = vector.broadcast %add3A_283 : i32 to vector<16xi32>
        %add3A_285 = arith.addi %iota3A, %add3A_284 : vector<16xi32>
        %jit3A_286 = arith.constant 1073741824 : i32
        %broadcast_in_dim3A_287 = vector.broadcast %jit3A_286 : i32 to vector<16xi32>
        %select_n3A_288 = arith.select %eq3A_282, %add3A_285, %broadcast_in_dim3A_287 : vector<16xi1>, vector<16xi32>
        %eq3A_289 = arith.cmpf oeq, %get3A_248, %broadcast_in_dim3A_260 : vector<16xf32>
        %add3A_290 = arith.constant 64 : i32
        %add3A_291 = vector.broadcast %add3A_290 : i32 to vector<16xi32>
        %add3A_292 = arith.addi %iota3A, %add3A_291 : vector<16xi32>
        %jit3A_293 = arith.constant 1073741824 : i32
        %broadcast_in_dim3A_294 = vector.broadcast %jit3A_293 : i32 to vector<16xi32>
        %select_n3A_295 = arith.select %eq3A_289, %add3A_292, %broadcast_in_dim3A_294 : vector<16xi1>, vector<16xi32>
        %eq3A_296 = arith.cmpf oeq, %get3A_250, %broadcast_in_dim3A_260 : vector<16xf32>
        %add3A_297 = arith.constant 80 : i32
        %add3A_298 = vector.broadcast %add3A_297 : i32 to vector<16xi32>
        %add3A_299 = arith.addi %iota3A, %add3A_298 : vector<16xi32>
        %jit3A_300 = arith.constant 1073741824 : i32
        %broadcast_in_dim3A_301 = vector.broadcast %jit3A_300 : i32 to vector<16xi32>
        %select_n3A_302 = arith.select %eq3A_296, %add3A_299, %broadcast_in_dim3A_301 : vector<16xi1>, vector<16xi32>
        %min3A_303 = arith.minsi %select_n3A_267, %select_n3A_274 : vector<16xi32>
        %min3A_304 = arith.minsi %min3A_303, %select_n3A_281 : vector<16xi32>
        %min3A_305 = arith.minsi %min3A_304, %select_n3A_288 : vector<16xi32>
        %min3A_306 = arith.minsi %min3A_305, %select_n3A_295 : vector<16xi32>
        %min3A_307 = arith.minsi %min3A_306, %select_n3A_302 : vector<16xi32>
        %reduce_min3A_308 = arith.constant true
        %reduce_min3A_309 = vector.broadcast %reduce_min3A_308 : i1 to vector<16xi1>
        %reduce_min3A_310 = arith.constant -2147483648 : i32
        %reduce_min3A_311 = vector.broadcast %reduce_min3A_310 : i32 to vector<16xi32>
        %reduce_min3A_312 = arith.xori %min3A_307, %reduce_min3A_311 : vector<16xi32>
        %reduce_min3A_313 = tpu.scan <min>, %reduce_min3A_312 masked %reduce_min3A_309 : vector<16xi32>, vector<16xi1> -> vector<16xi32>
        %reduce_min3A_314 = arith.xori %reduce_min3A_313, %reduce_min3A_311 : vector<16xi32>
        %reduce_min3A_315 = vector.extract %reduce_min3A_314[15] : i32 from vector<16xi32>
        %mul3A_316 = arith.constant 16 : i32
        %mul3A_317 = arith.muli %reduce_min3A_315, %mul3A_316 : i32
        %get3A_318 = arith.index_cast %mul3A_317 : i32 to index
        %get3A_319 = tpu.vector_load %arg8[%get3A_318] {strides = array<i32>} : memref<1536xf32, #tpu.memory_space<vmem>>, vector<16xf32>,
        %eq3A_320 = arith.cmpf oeq, %get3A_319, %broadcast_in_dim3A_260 : vector<16xf32>
        %mul3A_321 = arith.constant 16 : i32
        %mul3A_322 = arith.muli %reduce_min3A_315, %mul3A_321 : i32
        %add3A_323 = vector.broadcast %mul3A_322 : i32 to vector<16xi32>
        %add3A_324 = arith.addi %add3A_323, %iota3A : vector<16xi32>
        %jit3A_325 = arith.constant 1073741824 : i32
        %broadcast_in_dim3A_326 = vector.broadcast %jit3A_325 : i32 to vector<16xi32>
        %select_n3A_327 = arith.select %eq3A_320, %add3A_324, %broadcast_in_dim3A_326 : vector<16xi1>, vector<16xi32>
        %reduce_min3A_328 = arith.constant true
        %reduce_min3A_329 = vector.broadcast %reduce_min3A_328 : i1 to vector<16xi1>
        %reduce_min3A_330 = arith.constant -2147483648 : i32
        %reduce_min3A_331 = vector.broadcast %reduce_min3A_330 : i32 to vector<16xi32>
        %reduce_min3A_332 = arith.xori %select_n3A_327, %reduce_min3A_331 : vector<16xi32>
        %reduce_min3A_333 = tpu.scan <min>, %reduce_min3A_332 masked %reduce_min3A_329 : vector<16xi32>, vector<16xi1> -> vector<16xi32>
        %reduce_min3A_334 = arith.xori %reduce_min3A_333, %reduce_min3A_331 : vector<16xi32>
        %reduce_min3A_335 = vector.extract %reduce_min3A_334[15] : i32 from vector<16xi32>
        %broadcast_in_dim3A_336 = vector.broadcast %reduce_min3A_335 : i32 to vector<16xi32>
        %gather3A_337 = tpu.vector_load_idx %arg10[%broadcast_in_dim3A_336] : memref<1536xi32, #tpu.memory_space<vmem>>[vector<16xi32>], vector<16xi32>,
        %broadcast_in_dim3A_338 = vector.broadcast %scan3A_134 : i32 to vector<16xi32>
        tpu.vector_store_idx %arg16[%broadcast_in_dim3A_338], %gather3A_337 masked %eq3A_11 : memref<256xi32, #tpu.memory_space<vmem>>[vector<16xi32>], vector<16xi32>, vector<16xi1>
        tpu.vector_store_idx %arg8[%broadcast_in_dim3A_336], %broadcast_in_dim3A_9 masked %eq3A_11 : memref<1536xf32, #tpu.memory_space<vmem>>[vector<16xi32>], vector<16xf32>, vector<16xi1>
        %mul3A_339 = arith.constant 16 : i32
        %mul3A_340 = arith.muli %reduce_min3A_315, %mul3A_339 : i32
        %sub3A_341 = arith.subi %reduce_min3A_335, %mul3A_340 : i32
        %eq3A_342 = vector.broadcast %sub3A_341 : i32 to vector<16xi32>
        %eq3A_343 = arith.cmpi eq, %iota3A, %eq3A_342 : vector<16xi32>
        %select_n3A_344 = arith.select %eq3A_343, %broadcast_in_dim3A_9, %get3A_319 : vector<16xi1>, vector<16xf32>
        %broadcast_in_dim3A_345 = vector.broadcast %reduce_min3A_315 : i32 to vector<16xi32>
        %reduce_max3A_346 = arith.constant true
        %reduce_max3A_347 = vector.broadcast %reduce_max3A_346 : i1 to vector<16xi1>
        %reduce_max3A_348 = tpu.scan <max>, %select_n3A_344 masked %reduce_max3A_347 : vector<16xf32>, vector<16xi1> -> vector<16xf32>
        %reduce_max3A_349 = vector.extract %reduce_max3A_348[15] : f32 from vector<16xf32>
        %broadcast_in_dim3A_350 = vector.broadcast %reduce_max3A_349 : f32 to vector<16xf32>
        tpu.vector_store_idx %arg14[%broadcast_in_dim3A_345], %broadcast_in_dim3A_350 masked %eq3A_11 : memref<96xf32, #tpu.memory_space<vmem>>[vector<16xi32>], vector<16xf32>, vector<16xi1>
        %scan3A_351 = arith.constant 0 : i32
        scf.yield %scan3A_351 : i32
      }
      %scan3A_101 = arith.constant 256 : i32
      %scan3A_102 = arith.constant 0 : i32
      %scan3A_103 = arith.constant 0 : i32
      %scan3A_104 = arith.constant 16 : i32
      %scan3A_105 = arith.addi %scan3A_103, %scan3A_104 : i32
      %scan3A_106 = arith.constant 4 : i32
      %scan3A_107 = scf.for %scan3A_134 = %scan3A_103 to %scan3A_105 step %scan3A_106 iter_args(%scan3A_135 = %scan3A_102) -> (i32)  : i32 {
        %mul3A_136 = arith.constant 16 : i32
        %mul3A_137 = arith.muli %scan3A_134, %mul3A_136 : i32
        %get3A = arith.index_cast %mul3A_137 : i32 to index
        %get3A_138 = tpu.vector_load %arg15[%get3A] {strides = array<i32>} : memref<256xi32, #tpu.memory_space<vmem>>, vector<16xi32>,
        tpu.vector_store_idx %arg5[%get3A_138], %broadcast_in_dim3A_7 : memref<32768xf32, #tpu.memory_space<vmem>>[vector<16xi32>], vector<16xf32>,
        %mul3A_139 = arith.constant 16 : i32
        %mul3A_140 = arith.muli %scan3A_134, %mul3A_139 : i32
        %get3A_141 = arith.index_cast %mul3A_140 : i32 to index
        %get3A_142 = tpu.vector_load %arg16[%get3A_141] {strides = array<i32>} : memref<256xi32, #tpu.memory_space<vmem>>, vector<16xi32>,
        tpu.vector_store_idx %arg6[%get3A_142], %broadcast_in_dim3A_7 : memref<32768xf32, #tpu.memory_space<vmem>>[vector<16xi32>], vector<16xf32>,
        %scan3A_143 = arith.constant 0 : i32
        %scan3A_144 = arith.constant 1 : i32
        %scan3A_145 = arith.addi %scan3A_134, %scan3A_144 : i32
        %mul3A_146 = arith.constant 16 : i32
        %mul3A_147 = arith.muli %scan3A_145, %mul3A_146 : i32
        %get3A_148 = arith.index_cast %mul3A_147 : i32 to index
        %get3A_149 = tpu.vector_load %arg15[%get3A_148] {strides = array<i32>} : memref<256xi32, #tpu.memory_space<vmem>>, vector<16xi32>,
        tpu.vector_store_idx %arg5[%get3A_149], %broadcast_in_dim3A_7 : memref<32768xf32, #tpu.memory_space<vmem>>[vector<16xi32>], vector<16xf32>,
        %mul3A_150 = arith.constant 16 : i32
        %mul3A_151 = arith.muli %scan3A_145, %mul3A_150 : i32
        %get3A_152 = arith.index_cast %mul3A_151 : i32 to index
        %get3A_153 = tpu.vector_load %arg16[%get3A_152] {strides = array<i32>} : memref<256xi32, #tpu.memory_space<vmem>>, vector<16xi32>,
        tpu.vector_store_idx %arg6[%get3A_153], %broadcast_in_dim3A_7 : memref<32768xf32, #tpu.memory_space<vmem>>[vector<16xi32>], vector<16xf32>,
        %scan3A_154 = arith.constant 0 : i32
        %scan3A_155 = arith.constant 2 : i32
        %scan3A_156 = arith.addi %scan3A_134, %scan3A_155 : i32
        %mul3A_157 = arith.constant 16 : i32
        %mul3A_158 = arith.muli %scan3A_156, %mul3A_157 : i32
        %get3A_159 = arith.index_cast %mul3A_158 : i32 to index
        %get3A_160 = tpu.vector_load %arg15[%get3A_159] {strides = array<i32>} : memref<256xi32, #tpu.memory_space<vmem>>, vector<16xi32>,
        tpu.vector_store_idx %arg5[%get3A_160], %broadcast_in_dim3A_7 : memref<32768xf32, #tpu.memory_space<vmem>>[vector<16xi32>], vector<16xf32>,
        %mul3A_161 = arith.constant 16 : i32
        %mul3A_162 = arith.muli %scan3A_156, %mul3A_161 : i32
        %get3A_163 = arith.index_cast %mul3A_162 : i32 to index
        %get3A_164 = tpu.vector_load %arg16[%get3A_163] {strides = array<i32>} : memref<256xi32, #tpu.memory_space<vmem>>, vector<16xi32>,
        tpu.vector_store_idx %arg6[%get3A_164], %broadcast_in_dim3A_7 : memref<32768xf32, #tpu.memory_space<vmem>>[vector<16xi32>], vector<16xf32>,
        %scan3A_165 = arith.constant 0 : i32
        %scan3A_166 = arith.constant 3 : i32
        %scan3A_167 = arith.addi %scan3A_134, %scan3A_166 : i32
        %mul3A_168 = arith.constant 16 : i32
        %mul3A_169 = arith.muli %scan3A_167, %mul3A_168 : i32
        %get3A_170 = arith.index_cast %mul3A_169 : i32 to index
        %get3A_171 = tpu.vector_load %arg15[%get3A_170] {strides = array<i32>} : memref<256xi32, #tpu.memory_space<vmem>>, vector<16xi32>,
        tpu.vector_store_idx %arg5[%get3A_171], %broadcast_in_dim3A_7 : memref<32768xf32, #tpu.memory_space<vmem>>[vector<16xi32>], vector<16xf32>,
        %mul3A_172 = arith.constant 16 : i32
        %mul3A_173 = arith.muli %scan3A_167, %mul3A_172 : i32
        %get3A_174 = arith.index_cast %mul3A_173 : i32 to index
        %get3A_175 = tpu.vector_load %arg16[%get3A_174] {strides = array<i32>} : memref<256xi32, #tpu.memory_space<vmem>>, vector<16xi32>,
        tpu.vector_store_idx %arg6[%get3A_175], %broadcast_in_dim3A_7 : memref<32768xf32, #tpu.memory_space<vmem>>[vector<16xi32>], vector<16xf32>,
        %scan3A_176 = arith.constant 0 : i32
        scf.yield %scan3A_176 : i32
      }
      %scan3A_108 = arith.constant 16 : i32
      %mul3A_109 = arith.constant 32768 : i32
      %mul3A_110 = arith.muli %add3A_25, %mul3A_109 : i32
      %dma_start3A_111 = tpu.memref_slice %arg3[%mul3A_110] : memref<4194304xf32, #tpu.memory_space<hbm>> -> memref<32768xf32, #tpu.memory_space<hbm>>
      %dma_start3A_112 = tpu.memref_slice %arg3[%mul3A_110] : memref<4194304xf32, #tpu.memory_space<hbm>> -> memref<32768xf32, #tpu.memory_space<hbm>>
      tpu.enqueue_dma source(%arg5 : memref<32768xf32, #tpu.memory_space<vmem>>) target(%dma_start3A_112 : memref<32768xf32, #tpu.memory_space<hbm>>) target_semaphore(%arg17 : memref<!tpu.dma_semaphore, #tpu.memory_space<semaphore_mem>>)
      %mul3A_113 = arith.constant 32768 : i32
      %mul3A_114 = arith.muli %add3A_27, %mul3A_113 : i32
      %dma_start3A_115 = tpu.memref_slice %arg3[%mul3A_114] : memref<4194304xf32, #tpu.memory_space<hbm>> -> memref<32768xf32, #tpu.memory_space<hbm>>
      %dma_start3A_116 = tpu.memref_slice %arg3[%mul3A_114] : memref<4194304xf32, #tpu.memory_space<hbm>> -> memref<32768xf32, #tpu.memory_space<hbm>>
      tpu.enqueue_dma source(%arg6 : memref<32768xf32, #tpu.memory_space<vmem>>) target(%dma_start3A_116 : memref<32768xf32, #tpu.memory_space<hbm>>) target_semaphore(%arg18 : memref<!tpu.dma_semaphore, #tpu.memory_space<semaphore_mem>>)
      %mul3A_117 = arith.constant 256 : i32
      %mul3A_118 = arith.muli %add3A_25, %mul3A_117 : i32
      %dma_start3A_119 = tpu.memref_slice %arg4[%mul3A_118] : memref<32768xi32, #tpu.memory_space<hbm>> -> memref<256xi32, #tpu.memory_space<hbm>>
      %dma_start3A_120 = tpu.memref_slice %arg4[%mul3A_118] : memref<32768xi32, #tpu.memory_space<hbm>> -> memref<256xi32, #tpu.memory_space<hbm>>
      tpu.enqueue_dma source(%arg15 : memref<256xi32, #tpu.memory_space<vmem>>) target(%dma_start3A_120 : memref<256xi32, #tpu.memory_space<hbm>>) target_semaphore(%arg19 : memref<!tpu.dma_semaphore, #tpu.memory_space<semaphore_mem>>)
      %mul3A_121 = arith.constant 256 : i32
      %mul3A_122 = arith.muli %add3A_27, %mul3A_121 : i32
      %dma_start3A_123 = tpu.memref_slice %arg4[%mul3A_122] : memref<32768xi32, #tpu.memory_space<hbm>> -> memref<256xi32, #tpu.memory_space<hbm>>
      %dma_start3A_124 = tpu.memref_slice %arg4[%mul3A_122] : memref<32768xi32, #tpu.memory_space<hbm>> -> memref<256xi32, #tpu.memory_space<hbm>>
      tpu.enqueue_dma source(%arg16 : memref<256xi32, #tpu.memory_space<vmem>>) target(%dma_start3A_124 : memref<256xi32, #tpu.memory_space<hbm>>) target_semaphore(%arg20 : memref<!tpu.dma_semaphore, #tpu.memory_space<semaphore_mem>>)
      %dma_wait3A_125 = tpu.memref_slice %arg3[%mul3A_110] : memref<4194304xf32, #tpu.memory_space<hbm>> -> memref<32768xf32, #tpu.memory_space<hbm>>
      %dma_wait3A_126 = tpu.memref_slice %arg3[%mul3A_110] : memref<4194304xf32, #tpu.memory_space<hbm>> -> memref<32768xf32, #tpu.memory_space<hbm>>
      tpu.wait_dma2 semaphore(%arg17 : memref<!tpu.dma_semaphore, #tpu.memory_space<semaphore_mem>>) src(%arg5 : memref<32768xf32, #tpu.memory_space<vmem>>) dst(%dma_wait3A_126 : memref<32768xf32, #tpu.memory_space<hbm>>)
      %dma_wait3A_127 = tpu.memref_slice %arg3[%mul3A_114] : memref<4194304xf32, #tpu.memory_space<hbm>> -> memref<32768xf32, #tpu.memory_space<hbm>>
      %dma_wait3A_128 = tpu.memref_slice %arg3[%mul3A_114] : memref<4194304xf32, #tpu.memory_space<hbm>> -> memref<32768xf32, #tpu.memory_space<hbm>>
      tpu.wait_dma2 semaphore(%arg18 : memref<!tpu.dma_semaphore, #tpu.memory_space<semaphore_mem>>) src(%arg6 : memref<32768xf32, #tpu.memory_space<vmem>>) dst(%dma_wait3A_128 : memref<32768xf32, #tpu.memory_space<hbm>>)
      %dma_wait3A_129 = tpu.memref_slice %arg4[%mul3A_118] : memref<32768xi32, #tpu.memory_space<hbm>> -> memref<256xi32, #tpu.memory_space<hbm>>
      %dma_wait3A_130 = tpu.memref_slice %arg4[%mul3A_118] : memref<32768xi32, #tpu.memory_space<hbm>> -> memref<256xi32, #tpu.memory_space<hbm>>
      tpu.wait_dma2 semaphore(%arg19 : memref<!tpu.dma_semaphore, #tpu.memory_space<semaphore_mem>>) src(%arg15 : memref<256xi32, #tpu.memory_space<vmem>>) dst(%dma_wait3A_130 : memref<256xi32, #tpu.memory_space<hbm>>)
      %dma_wait3A_131 = tpu.memref_slice %arg4[%mul3A_122] : memref<32768xi32, #tpu.memory_space<hbm>> -> memref<256xi32, #tpu.memory_space<hbm>>
      %dma_wait3A_132 = tpu.memref_slice %arg4[%mul3A_122] : memref<32768xi32, #tpu.memory_space<hbm>> -> memref<256xi32, #tpu.memory_space<hbm>>
      tpu.wait_dma2 semaphore(%arg20 : memref<!tpu.dma_semaphore, #tpu.memory_space<semaphore_mem>>) src(%arg16 : memref<256xi32, #tpu.memory_space<vmem>>) dst(%dma_wait3A_132 : memref<256xi32, #tpu.memory_space<hbm>>)
      %scan3A_133 = arith.constant 0 : i32
      scf.yield %scan3A_133 : i32
    }
    %scan3A_18 = arith.constant 2 : i32
    return
  }
}

</mosaic_0001>

<sc_bundles>
// kernel: kernel.3.cloned.1.call-start
scs
__scs_entry_jumppad:
0x0: {  	(pc) =	sbr.rel $0x88, $3  }
0x1: {  	(tag) =	ssettag $0x0;
	lr =	simm.s32 $0x1  }
0x2: {  	[smem:$0x3FA0] =	sst lr;
	_ =	strace $0xD0000000  }
0x3: {  	_ = 	snop  }
0x4: {  	_ = 	snop  }
0x5: {  	_ = 	snop  }
0x6: {  	_ = 	snop  }
0x7: {  	_ = 	snop  }
__scs_overlays_trampoline_lowered:
0x8: {  	[smem:$0x3FAF] =	sst s0  }
0x9: {  	[smem:$0x3FB0] =	sst s1  }
0xa: {  	[smem:$0x3FB1] =	sst s2  }
0xb: {  	[smem:$0x3FB2] =	sst s3  }
0xc: {  	[smem:$0x3FB3] =	sst s4  }
0xd: {  	[smem:$0x3FB4] =	sst s5  }
0xe: {  	[smem:$0x3FB5] =	sst s6  }
0xf: {  	[smem:$0x3FB6] =	sst s7  }
0x10: {  	[smem:$0x3FB7] =	sst s8  }
0x11: {  	[smem:$0x3FB8] =	sst s9;
	s0 =	simm.s32 @!p0 $0x0  }
0x12: {  	s1 =	sld [smem:$0x3F9E];
	s0 =	simm.s32 @p0 $0x1  }
0x13: {  	[smem:$0x3FB9] =	sst s0;
	s0 =	simm.s32 @!p1 $0x0  }
0x14: {  	s2 =	sld [smem:$0x3F9D];
	s0 =	simm.s32 @p1 $0x1  }
0x15: {  	[smem:$0x3FBA] =	sst s0;
	s0 =	simm.s32 @!p2 $0x0  }
0x16: {  	s3 =	sld [smem:$0x3FDB];
	s0 =	simm.s32 @p2 $0x1  }
0x17: {  	s4 =	simm.s32 $0x1BF5;
	[smem:$0x3FBC] =	sst s0  }
0x18: {  	s0 =	sld [smem:$0x3F9F];
	_ =	swait.ge [sflag:s4], $0x0  }
0x19: {  	s7 =	sld [smem:$0x3FA0]  }
0x1a: {  	s8 =	sadd.s32 $0xFFFFE003, lr  }
0x1b: {  	s9 =	sadd.s32 $0xFFFFFEF7, lr;
	s5 =	simm.s32 $0xFFFFFFFF;
	p2 =	slt.u32 s8, $0xFFFFF086  }
0x1c: {  	p1 =	slt.u32 s9, $0xF7A;
	s5 =	simm.s32 @!p2 $0x0  }
0x1d: {  	s5 =	simm.s32 @p1 $0x1;
	p0 =	seq.s32 s7, s2  }
0x1e: {  	s7 =	smul.u32 @!p0 $0xF7A, s2;
	p2 =	seq.s32 @!p0 s5, $0x0  }
0x1f: {  	s9 =	smul.u32 $0xF7A, s1;
	s8 =	simm.s32 @!p0 $0x1BF5;
	p2 =	por !p2, p0  }
0x20: {  	[sflag:s8] =	ssyncset.s32 @!p0 $0xFFFFF086;
	s6 =	sadd.s32 @!p0 s3, s7;
	s7 =	simm.s32 @!p0 $0x108  }
0x21: {  	s3 =	sadd.s32 s3, s9;
	s6 =	sadd.s32 @!p0 $0x88, s6;
	s7 =	simm.s32 @p2 $0x1082  }
0x22: {  	[simem:s7], [sflag:s8] =	dma.local @!p0 [hbm:s6], $0xF7A  }
0x23: {  	s9 =	sor.u32 $0xD0000000, s2;
	s6 =	simm.s32 $0x108;
	_ =	swait.ge @!p0 [sflag:s8], $0x0  }
0x24: {  	s3 =	sadd.s32 $0x88, s3;
	s6 =	simm.s32 @!p1 $0x1082;
	[sflag:s4] =	ssyncset.s32 $0xFFFFF086  }
0x25: {  	[simem:s6], [sflag:s4] =	dma.local [hbm:s3], $0xF7A  }
0x26: {  	[smem:$0x3FA0] =	sst s1;
	(tag) =	ssettag s2;
	_ =	strace s9  }
0x27: {  	s1 =	sld [smem:$0x3FB0]  }
0x28: {  	s2 =	sld [smem:$0x3FB1]  }
0x29: {  	s4 =	sld [smem:$0x3FB3]  }
0x2a: {  	p0 =	seq.s32 s5, $0x0;
	s5 =	sld [smem:$0x3FB4]  }
0x2b: {  	s6 =	sld [smem:$0x3FB5]  }
0x2c: {  	s7 =	sld [smem:$0x3FB6]  }
0x2d: {  	s3 =	simm.s32 $0x108;
	s8 =	sld [smem:$0x3FB7]  }
0x2e: {  	s3 =	simm.s32 @!p0 $0x1082;
	s9 =	sld [smem:$0x3FB8]  }
0x2f: {  	lr =	sadd.s32 s0, s3;
	s0 =	sld [smem:$0x3FAF]  }
0x30: {  	s3 =	sld [smem:$0x3FB2]  }
0x31: {  	[smem:$0x3FBB] =	sst s10  }
0x32: {  	s10 =	sld [smem:$0x3FB9];
	_ =	sdelay $0x3  }
0x33: {  	p0 =	seq.s32 s10, $0x1;
	s10 =	sld [smem:$0x3FBB];
	_ =	sdelay $0x3  }
0x34: {  	[smem:$0x3FBB] =	sst s10  }
0x35: {  	s10 =	sld [smem:$0x3FBA];
	_ =	sdelay $0x3  }
0x36: {  	p1 =	seq.s32 s10, $0x1;
	s10 =	sld [smem:$0x3FBB];
	_ =	sdelay $0x3  }
0x37: {  	[smem:$0x3FBB] =	sst s10  }
0x38: {  	s10 =	sld [smem:$0x3FBC]  }
0x39: {  	_ = 	snop;
	(pc) =	sbr.ind lr, $3  }
0x3a: {  	_ = 	snop  }
0x3b: {  	_ = 	snop  }
0x3c: {  	p2 =	seq.s32 s10, $0x1;
	s10 =	sld [smem:$0x3FBB]  }
0x3d: {  	_ =	shalt  }
0x3e: {  	_ =	shalt  }
0x3f: {  	_ =	shalt  }
0x40: {  	_ =	shalt  }
0x41: {  	_ =	shalt  }
0x42: {  	_ =	shalt  }
0x43: {  	_ =	shalt  }
0x44: {  	_ =	shalt  }
0x45: {  	_ =	shalt  }
0x46: {  	_ =	shalt  }
0x47: {  	_ =	shalt  }
0x48: {  	_ =	shalt  }
0x49: {  	_ =	shalt  }
0x4a: {  	_ =	shalt  }
0x4b: {  	_ =	shalt  }
0x4c: {  	_ =	shalt  }
0x4d: {  	_ =	shalt  }
0x4e: {  	_ =	shalt  }
0x4f: {  	_ =	shalt  }
0x50: {  	_ =	shalt  }
0x51: {  	_ =	shalt  }
0x52: {  	_ =	shalt  }
0x53: {  	_ =	shalt  }
0x54: {  	_ =	shalt  }
0x55: {  	_ =	shalt  }
0x56: {  	_ =	shalt  }
0x57: {  	_ =	shalt  }
0x58: {  	_ =	shalt  }
0x59: {  	_ =	shalt  }
0x5a: {  	_ =	shalt  }
0x5b: {  	_ =	shalt  }
0x5c: {  	_ =	shalt  }
0x5d: {  	_ =	shalt  }
0x5e: {  	_ =	shalt  }
0x5f: {  	_ =	shalt  }
0x60: {  	_ =	shalt  }
0x61: {  	_ =	shalt  }
0x62: {  	_ =	shalt  }
0x63: {  	_ =	shalt  }
0x64: {  	_ =	shalt  }
0x65: {  	_ =	shalt  }
0x66: {  	_ =	shalt  }
0x67: {  	_ =	shalt  }
0x68: {  	_ =	shalt  }
0x69: {  	_ =	shalt  }
0x6a: {  	_ =	shalt  }
0x6b: {  	_ =	shalt  }
0x6c: {  	_ =	shalt  }
0x6d: {  	_ =	shalt  }
0x6e: {  	_ =	shalt  }
0x6f: {  	_ =	shalt  }
0x70: {  	_ =	shalt  }
0x71: {  	_ =	shalt  }
0x72: {  	_ =	shalt  }
0x73: {  	_ =	shalt  }
0x74: {  	_ =	shalt  }
0x75: {  	_ =	shalt  }
0x76: {  	_ =	shalt  }
0x77: {  	_ =	shalt  }
0x78: {  	_ =	shalt  }
0x79: {  	_ =	shalt  }
0x7a: {  	_ =	shalt  }
0x7b: {  	_ =	shalt  }
0x7c: {  	_ =	shalt  }
0x7d: {  	_ =	shalt  }
0x7e: {  	_ =	shalt  }
0x7f: {  	_ =	shalt  }
0x80: {  	_ =	shalt  }
0x81: {  	_ =	shalt  }
0x82: {  	_ =	shalt  }
0x83: {  	_ =	shalt  }
0x84: {  	_ =	shalt  }
0x85: {  	_ =	shalt  }
0x86: {  	_ =	shalt  }
0x87: {  	_ =	shalt  }
.Lfunc_end0:
.L_simem_size_0:
called_computation_lowered:
.L_overlay_start_0:
0x88: {  	s2 =	sld [smem:$0x3FD9]  }
0x89: {  	s3 =	sld [smem:$0x3FFE];
	_ =	sdelay $0x1  }
0x8a: {  	s1 =	srdreg.scid  }
0x8b: {  	s0 =	sand.u32 $0x1, s1  }
0x8c: {  	s14 =	sshll.u32 s0, $0xA;
	s2 =	sadd.s32 s3, s2  }
0x8d: {  	s2 =	sadd.s32 s2, s14  }
0x8e: {  	[smem:$0x3FC7] =	sst s2  }
0x8f: {  	_ = 	snop  }
0x90: {  	s2 =	sld [smem:$0x3FD0];
	_ =	sdelay $0x2  }
0x91: {  	s15 =	simm.s32 $0xA;
	s4 =	simm.s32 $0x10  }
0x92: {  	[smem:s4], [sflag:s15] =	dma.local [hbm:s2], $0x1  }
0x93: {  	_ =	swait.eq [sflag:s15], $0x1  }
0x94: {  	[sflag:s15] =	ssyncset.done $0x0  }
0x95: {  	s16 =	sld [smem:$0x10];
	[sflag:s15] =	ssyncadd.s32 $0xFFFFFFFF  }
0x96: {  	s17 =	sld [smem:$0x11];
	(tm) =	ssettm $0x1  }
0x97: {  	s18 =	sld [smem:$0x3FFB];
	_ =	sdelay $0x3  }
0x98: {  	_ =	strace s18  }
0x99: {  	s4 =	sld [smem:$0x3FFC];
	_ =	sdelay $0x3  }
0x9a: {  	_ =	strace s4  }
0x9b: {  	s4 =	sld [smem:$0x3FFD];
	_ =	sdelay $0x3  }
0x9c: {  	_ =	strace s4  }
0x9d: {  	_ =	strace $0x8FFFFFFF  }
0x9e: {  	s19 =	sld [smem:$0x3FDB];
	_ =	sdelay $0x1  }
0x9f: {  	s5 =	simm.s32 $_scs_section_size  }
0xa0: {  	s6 =	simm.s32 $_size__tile_overlayer_lowered;
	s7 =	simm.s32 $_tile_overlayer_lowered  }
0xa1: {  	s22 =	simm.s32 $0x1BFF;
	s21 =	sshll.u32 s7, $0x1;
	s4 =	sadd.s32 s5, s19  }
0xa2: {  	s8 =	simm.s32 $0x0;
	s20 =	sshll.u32 s6, $0x1;
	s6 =	sadd.s32 s21, s4  }
0xa3: {  	[timem:s8], [sflag:s22] =	dma.local [hbm:s6], s20  }
0xa4: {  	_ =	swait.ge [sflag:s22], s20  }
0xa5: {  	s5 =	ssub.s32 $0x0, s20;
	[sflag:s22] =	ssyncset.done $0x0  }
0xa6: {  	[sflag:s22] =	ssyncadd.s32 s5;
	_ =	sdelay $0x1  }
0xa7: {  	s23 =	simm.s32 $0x1B8B  }
0xa8: {  	_ =	swait.ge [sflag:s23], $0x1  }
0xa9: {  	[sflag:s23] =	ssyncset.done $0x0  }
0xaa: {  	s25 =	simm.s32 $0x1B8E;
	s24 =	sld [smem:$0x3FFE];
	[sflag:s23] =	ssyncadd.s32 $0xFFFFFFFF  }
0xab: {  	s26 =	simm.s32 $execute0_lowered;
	[smem:$0x3FD2] =	sst s25  }
0xac: {  	s6 =	sshll.u32 s26, $0x1;
	_ =	strace $0x80000046;
	[dreg:$0x1] =	wrdreg $0xFFFFFFFF  }
0xad: {  	s28 =	simm.s32 $_size_execute0_lowered;
	s4 =	sadd.s32 s4, s6;
	[dreg:$0x0] =	wrdreg $0x0  }
0xae: {  	s6 =	sshll.u32 s28, $0x1;
	[dreg:$0x2] =	wrdreg s4  }
0xaf: {  	[dreg:$0x3] =	wrdreg s6  }
0xb0: {  	[dreg:$0x4] =	wrdreg $0xC0  }
0xb1: {  	_ =	task [dreg:s8], $0x5FFFF  }
0xb2: {  	[dreg:$0x1] =	wrdreg $0xFFFFFFFF  }
0xb3: {  	[dreg:$0x0] =	wrdreg $0x60  }
0xb4: {  	[dreg:$0x2] =	wrdreg s16  }
0xb5: {  	[dreg:$0x3] =	wrdreg s24  }
0xb6: {  	[dreg:$0x4] =	wrdreg s17  }
0xb7: {  	[dreg:$0x5] =	wrdreg $0x9  }
0xb8: {  	_ =	task.clear_ibuf [dreg:s8], $0x6FFFF;
	_ =	strace $0x90000046  }
0xb9: {  	s29 =	simm.s32 $0x9;
	_ =	strace $0x80000048  }
0xba: {  	_ =	swait.ge [sflag:s29], $0x1  }
0xbb: {  	[sflag:s29] =	ssyncadd.s32 $0xFFFFFFFF  }
0xbc: {  	_ =	strace $0x90000048  }
0xbd: {  	_ =	sfence  }
0xbe: {  	s30 =	sld [smem:$0x0];
	_ =	sdelay $0x2  }
0xbf: {  	s31 =	sshll.u32 s1, $0xD;
	s1 =	sshrl.u32 s1, $0x2  }
0xc0: {  	s3 =	sand.u32 $0x4000, s31;
	s1 =	sadd.s32 s1, s30  }
0xc1: {  	s0 =	sor.u32 s3, s0;
	s1 =	sshll.u32 s1, $0x11  }
0xc2: {  	s0 =	sor.u32 s1, s0  }
0xc3: {  	s0 =	sadd.s32 $0x8F2B, s0  }
0xc4: {  	[sflag:s0] =	ssyncadd.remote.s32 $0x1  }
0xc5: {  	_ =	sfence.sel $0xFFFF  }
0xc6: {  	[dreg:$0x0] =	wrdreg $0xFFFFFFFF;
	(pc) =	sbr.abs _section_cstart, $3  }
0xc7: {  	[dreg:$0x1] =	wrdreg $0xFFFFFFFF  }
0xc8: {  	_ =	task.clear_ibuf [dreg:s8], $0x2FFFF;
	_ =	strace $0x9FFFFFFF  }
0xc9: {  	(tm) =	ssettm $0x7FFFFFFF  }
tec
execute0_lowered:
.L_overlay_start_1:
0x0: {  	(tag) =	ssettag $0x1  }
0x1: {  	s0 =	rddreg [dreg:$0x1]  }
0x2: {  	s3 =	simm.s32 $0x0;
	s1 =	srdreg.scid;
	s4 =	stileid.u32  }
0x3: {  	s8 =	simm.s32 $0x8000;
	s11 =	simm.s32 $0x11800;
	s12 =	simm.s32 $0x15800  }
0x4: {  	s13 =	simm.s32 $0x19800;
	s14 =	simm.s32 $0x19880;
	s15 =	simm.s32 $0x10C00  }
0x5: {  	s16 =	simm.s32 $0x19900;
	s17 =	simm.s32 $0x10000;
	s18 =	simm.s32 $0x11200  }
0x6: {  	s19 =	simm.s32 $0x19A00;
	[smem:$0x7FF] =	sst s3;
	s1 =	sand.u32 $0x1, s1  }
0x7: {  	s0 =	sadd.s32 $0xA00, s0;
	s31 =	sshll.u32 s4, $0x3;
	s2 =	ssub.s32 $0x2, s1  }
0x8: {  	v0 =	vlaneseq.u32;
	v2 =	vimm.s32 $0x0;
	_ =	strace $0x80000047;
	s1 =	sshll.u32 s1, $0x2;
	s30 =	sshrl.u32 s2, $0x1  }
0x9: {  	v3 =	vimm.s32 $0x1;
	v5 =	vimm.f32 $-Inf;
	v6 =	vimm.f32 $0.0e+00;
	[dreg:$0x4] =	wrdreg s0;
	s1 =	sor.u32 s1, s31;
	s0 =	ssub.s32 s2, s30  }
0xa: {  	s20 =	simm.s32 $0x10600;
	v10 =	vimm.f32 $1.000000000e+00;
	v1 =	vor.u32 $0x80000050, v0;
	v4 =	vor.u32 $0x80000040, v0;
	[dreg:$0x5] =	wrdreg s1;
	s0 =	smax.u32 s0, $0x1  }
0xb: {  	v7 =	vor.u32 $0x80000030, v0;
	v8 =	vor.u32 $0x80000020, v0;
	v9 =	vor.u32 $0x80000010, v0;
	s2 =	simm.s32 $0x1;
	s1 =	simm.s32 $0x0;
	[dreg:$0x6] =	wrdreg s0  }
.LBB2_1:
0xc: {  	[dreg:$0x7] =	wrdreg s1;
	p1 =	por $0x1, $0x1;
	s0 =	simm.s32 $0x0  }
.LBB2_2:
0xd: {  	s1 =	rddreg [dreg:$0x5]  }
0xe: {  	s25 =	sor.u32 s1, s0  }
0xf: {  	s24 =	rddreg [dreg:$0x0];
	s5 =	sshll.u32 s25, $0xC;
	s4 =	sor.u32 $0x1, s25  }
0x10: {  	s26 =	sadd.s32 s24, s5;
	s29 =	sshll.u32 s4, $0xC  }
0x11: {  	[tilespmem:s3], [sflag:$0x1] =	stream.linear.gather [hbm4b:s26+s3], $0x8000, $0x38;
	[tilespmem:$0x19B00] =	vst v63  }
0x12: {  	[dreg:$0x9] =	wrdreg s5;
	s28 =	sand.u32 $0x1FFFF000, s29  }
0x13: {  	[dreg:$0x8] =	wrdreg s4;
	s0 =	sadd.s32 s24, s28  }
0x14: {  	[tilespmem:s8], [sflag:$0x2] =	stream.linear.gather [hbm4b:s0+s3], $0x8000, $0x38;
	[tilespmem:$0x19B00] =	vst v63  }
0x15: {  	_ =	swait.ge [sflag:s2], $0x8000  }
0x16: {  	[sflag:s2] =	ssyncset.done $0x0  }
0x17: {  	s30 =	simm.s32 $0x2;
	[sflag:s2] =	ssyncadd.s32 $0xFFFF8000  }
0x18: {  	_ =	swait.ge [sflag:s30], $0x8000  }
0x19: {  	[sflag:s30] =	ssyncset.done $0x0  }
0x1a: {  	s31 =	simm.s32 $0x11820;
	[sflag:s30] =	ssyncadd.s32 $0xFFFF8000  }
0x1b: {  	s0 =	simm.s32 $0x15820;
	[tilespmem:s31+$0xFFFFFFE0] =	vst v2  }
0x1c: {  	[tilespmem:s0+$0xFFFFFFE0] =	vst v2  }
0x1d: {  	[tilespmem:s31+$0xFFFFFFF0] =	vst v2  }
0x1e: {  	[tilespmem:s0+$0xFFFFFFF0] =	vst v2  }
0x1f: {  	[tilespmem:s31+$0x0] =	vst v2  }
0x20: {  	s6 =	simm.s32 $0x11860;
	s2 =	simm.s32 @!p1 $0x0;
	[tilespmem:s0+$0x0] =	vst v2  }
0x21: {  	s1 =	simm.s32 $0xFFFFFFFC;
	s5 =	simm.s32 $0x0;
	s2 =	simm.s32 @p1 $0x1;
	[tilespmem:s31+$0x10] =	vst v2  }
0x22: {  	s4 =	simm.s32 $0x8020;
	[smem:$0x7FD] =	sst s2;
	s2 =	simm.s32 $0x20;
	[tilespmem:s0+$0x10] =	vst v2  }
.LBB2_3:
0x23: {  	[tilespmem:s6+$0xFFFFFFE0] =	vst v2;
	s0 =	sadd.s32 $0x40, s0  }
0x24: {  	s5 =	sadd.s32 $0x4, s5;
	[tilespmem:s0+$0xFFFFFFE0] =	vst v2  }
0x25: {  	p0 =	slt.u32 s5, $0x3FC;
	[tilespmem:s6+$0xFFFFFFF0] =	vst v2  }
.Ltmp0:
0x26: {  	[tilespmem:s0+$0xFFFFFFF0] =	vst v2;
	(pc) =	sbr.rel @p0 .LBB2_3-.Ltmp0, $4  }
0x27: {  	[tilespmem:s6+$0x0] =	vst v2  }
0x28: {  	[tilespmem:s0+$0x0] =	vst v2  }
0x29: {  	[tilespmem:s6+$0x10] =	vst v2  }
0x2a: {  	s6 =	sadd.s32 $0x40, s6;
	[tilespmem:s0+$0x10] =	vst v2  }
.LBB2_4:
0x2b: {  	v11 =	vld [tilespmem:s2+$0xFFFFFFE0]  }
0x2c: {  	v12 =	vld [tilespmem:s4+$0xFFFFFFE0];
	_ =	sdelay $0x3  }
0x2d: {  	v13 =	vshra.s32 v11, $0x1F  }
0x2e: {  	v14 =	vshra.s32 v12, $0x1F;
	v13 =	vor.u32 $0x80000000, v13  }
0x2f: {  	v54 =	vor.u32 $0x80000000, v14;
	v11 =	vxor.u32 v11, v13  }
0x30: {  	v12 =	vxor.u32 v12, v54;
	v11 =	vshrl.u32 v11, $0x12  }
0x31: {  	v12 =	vshrl.u32 v12, $0x12;
	v11 =	vand.u32 $0x3FF0, v11  }
0x32: {  	v12 =	vand.u32 $0x3FF0, v12;
	v11 =	vor.u32 v0, v11  }
0x33: {  	v12 =	vor.u32 v0, v12;
	_ =	sdelay $0x3  }
0x34: {  	[tilespmem:v11+s11+$0x0] =	vst.idx.add.s32.msk $0xffff, v3  }
0x35: {  	[tilespmem:v12+s12+$0x0] =	vst.idx.add.s32.msk $0xffff, v3  }
0x36: {  	v11 =	vld [tilespmem:s2+$0xFFFFFFF0]  }
0x37: {  	v12 =	vld [tilespmem:s4+$0xFFFFFFF0];
	_ =	sdelay $0x3  }
0x38: {  	v55 =	vshra.s32 v11, $0x1F  }
0x39: {  	v56 =	vshra.s32 v12, $0x1F;
	v13 =	vor.u32 $0x80000000, v55  }
0x3a: {  	v57 =	vor.u32 $0x80000000, v56;
	v11 =	vxor.u32 v11, v13  }
0x3b: {  	v12 =	vxor.u32 v12, v57;
	v11 =	vshrl.u32 v11, $0x12  }
0x3c: {  	v12 =	vshrl.u32 v12, $0x12;
	v11 =	vand.u32 $0x3FF0, v11  }
0x3d: {  	v12 =	vand.u32 $0x3FF0, v12;
	v11 =	vor.u32 v0, v11  }
0x3e: {  	v12 =	vor.u32 v0, v12;
	_ =	sdelay $0x3  }
0x3f: {  	[tilespmem:v11+s11+$0x0] =	vst.idx.add.s32.msk $0xffff, v3  }
0x40: {  	[tilespmem:v12+s12+$0x0] =	vst.idx.add.s32.msk $0xffff, v3  }
0x41: {  	v11 =	vld [tilespmem:s2+$0x0]  }
0x42: {  	v12 =	vld [tilespmem:s4+$0x0];
	_ =	sdelay $0x3  }
0x43: {  	v58 =	vshra.s32 v11, $0x1F  }
0x44: {  	v59 =	vshra.s32 v12, $0x1F;
	v13 =	vor.u32 $0x80000000, v58  }
0x45: {  	v60 =	vor.u32 $0x80000000, v59;
	v11 =	vxor.u32 v11, v13  }
0x46: {  	v12 =	vxor.u32 v12, v60;
	v11 =	vshrl.u32 v11, $0x12  }
0x47: {  	v12 =	vshrl.u32 v12, $0x12;
	v11 =	vand.u32 $0x3FF0, v11  }
0x48: {  	v12 =	vand.u32 $0x3FF0, v12;
	v11 =	vor.u32 v0, v11  }
0x49: {  	v12 =	vor.u32 v0, v12;
	_ =	sdelay $0x3  }
0x4a: {  	[tilespmem:v11+s11+$0x0] =	vst.idx.add.s32.msk $0xffff, v3  }
0x4b: {  	[tilespmem:v12+s12+$0x0] =	vst.idx.add.s32.msk $0xffff, v3  }
0x4c: {  	v11 =	vld [tilespmem:s2+$0x10]  }
0x4d: {  	v12 =	vld [tilespmem:s4+$0x10];
	_ =	sdelay $0x3  }
0x4e: {  	v61 =	vshra.s32 v11, $0x1F  }
0x4f: {  	v62 =	vshra.s32 v12, $0x1F;
	v13 =	vor.u32 $0x80000000, v61  }
0x50: {  	v63 =	vor.u32 $0x80000000, v62;
	v11 =	vxor.u32 v11, v13  }
0x51: {  	v12 =	vxor.u32 v12, v63;
	v11 =	vshrl.u32 v11, $0x12  }
0x52: {  	v12 =	vshrl.u32 v12, $0x12;
	v11 =	vand.u32 $0x3FF0, v11  }
0x53: {  	s1 =	sadd.s32 $0x4, s1;
	v12 =	vand.u32 $0x3FF0, v12;
	v11 =	vor.u32 v0, v11  }
0x54: {  	p0 =	slt.u32 s1, $0x7FC;
	v12 =	vor.u32 v0, v12  }
.Ltmp1:
0x55: {  	_ = 	snop;
	(pc) =	sbr.rel @p0 .LBB2_4-.Ltmp1, $3  }
0x56: {  	_ =	sdelay $0x1  }
0x57: {  	s0 =	simm.s32 $0x0;
	s6 =	simm.s32 $0x3FF;
	s7 =	simm.s32 $0x197F0;
	[tilespmem:v11+s11+$0x0] =	vst.idx.add.s32.msk $0xffff, v3  }
0x58: {  	s5 =	simm.s32 $0x157F0;
	s4 =	sadd.s32 $0x40, s4;
	s2 =	sadd.s32 $0x40, s2;
	[tilespmem:v12+s12+$0x0] =	vst.idx.add.s32.msk $0xffff, v3  }
0x59: {  	v11 =	vld [tilespmem:s5+$0xFFFFFFF0]  }
0x5a: {  	v12 =	vld [tilespmem:s5+$0x0]  }
0x5b: {  	v13 =	vld [tilespmem:s7+$0x0];
	_ =	sdelay $0x2  }
0x5c: {  	(xrf0) =	vadd.scan.msk.s32 $0xffff, v11  }
0x5d: {  	v11 =	vld [tilespmem:s7+$0xFFFFFFF0];
	(xrf0) =	vadd.scan.msk.s32 $0xffff, v12  }
0x5e: {  	v53 =	vld [tilespmem:s5+$0xFFFFFFE0];
	(xrf0) =	vadd.scan.msk.s32 $0xffff, v13;
	_ =	sdelay $0x2  }
0x5f: {  	v54 =	vld [tilespmem:s7+$0xFFFFFFE0]  }
0x60: {  	v14 =	vld [tilespmem:s7+$0xFFFFFFD0];
	(xrf0) =	vadd.scan.msk.s32 $0xffff, v11;
	v11, _, _ =	vpop (xrf0)  }
0x61: {  	v15 =	vld [tilespmem:s5+$0xFFFFFFD0];
	(xrf0) =	vadd.scan.msk.s32 $0xffff, v53;
	v55, _, _ =	vpop (xrf0);
	(v2sf) =	vpush v11, $0xF  }
0x62: {  	(v2sf) =	vpush v55, $0xF;
	v11, _, _ =	vpop (xrf0)  }
0x63: {  	(v2sf) =	vpush v11, $0xF  }
0x64: {  	(xrf0) =	vadd.scan.msk.s32 $0xffff, v54  }
0x65: {  	(xrf0) =	vadd.scan.msk.s32 $0xffff, v14  }
0x66: {  	(xrf0) =	vadd.scan.msk.s32 $0xffff, v15;
	v11, _, _ =	vpop (xrf0)  }
0x67: {  	(v2sf) =	vpush v11, $0xF;
	v11, _, _ =	vpop (xrf0)  }
0x68: {  	(v2sf) =	vpush v11, $0xF;
	_ =	sdelay $0x1  }
0x69: {  	v11, _, _ =	vpop (xrf0)  }
0x6a: {  	s5 =	simm.s32 $0x157B0;
	(v2sf) =	vpush v11, $0xF;
	v11, _, _ =	vpop (xrf0)  }
0x6b: {  	v56, _, _ =	vpop (xrf0);
	(v2sf) =	vpush v11, $0xF;
	v11 =	vld [tilespmem:s5+$0xFFFFFFF0]  }
0x6c: {  	s26 =	simm.s32 $0x197B0;
	v57 =	vld [tilespmem:s5+$0x0];
	(v2sf) =	vpush v56, $0xF  }
0x6d: {  	s4 =	simm.s32 $0x0;
	s30 =	simm.s32 $0x4;
	s1 =	simm.s32 $0x3FD;
	v58 =	vld [tilespmem:s26+$0x0]  }
0x6e: {  	s29 =	simm.s32 $0x3FC;
	s23 =	simm.s32 $0x3FB;
	s31 =	simm.s32 $0x19770;
	v59 =	vld [tilespmem:s26+$0xFFFFFFF0]  }
0x6f: {  	s21 =	simm.s32 $0x3FE;
	s2 =	simm.s32 $0x15770;
	v60 =	vld [tilespmem:s5+$0xFFFFFFE0];
	s10 =	spop (v2sf)  }
0x70: {  	p2 =	por $0x1, $0x1;
	s24 =	simm.s32 $0x0;
	(xrf0) =	vadd.scan.msk.s32 $0xffff, v11;
	v11 =	vld [tilespmem:s26+$0xFFFFFFE0];
	s22 =	spop (v2sf)  }
0x71: {  	s7 =	simm.s32 $0x0;
	(xrf0) =	vadd.scan.msk.s32 $0xffff, v57;
	s22 =	sadd.s32 $0x0, s22;
	s9 =	spop (v2sf)  }
0x72: {  	(xrf0) =	vadd.scan.msk.s32 $0xffff, v58;
	s9 =	sadd.s32 $0x0, s9;
	p0 =	sgt.s32 s22, $0xFF;
	s10 =	sadd.s32 s22, s10  }
0x73: {  	(xrf0) =	vadd.scan.msk.s32 $0xffff, v59;
	p3 =	slt.s32 s22, $0x100;
	s22 =	simm.s32 $0x0;
	s24 =	smov.u32 @p0 s6  }
0x74: {  	(xrf0) =	vadd.scan.msk.s32 $0xffff, v60;
	p0 =	sgt.s32 s9, $0xFF;
	p1 =	slt.s32 s10, $0x100;
	p4 =	slt.s32 s9, $0x100  }
0x75: {  	v61 =	vld [tilespmem:s26+$0xFFFFFFD0];
	(xrf0) =	vadd.scan.msk.s32 $0xffff, v11;
	s26 =	spop (v2sf);
	s22 =	smov.u32 @p0 s6;
	p0 =	sgt.s32 s10, $0xFF  }
0x76: {  	v62 =	vld [tilespmem:s5+$0xFFFFFFD0];
	v11, _, _ =	vpop (xrf0);
	s0 =	smov.u32 @p2 s24;
	s6 =	spop (v2sf);
	s7 =	smov.u32 @p2 s22  }
0x77: {  	v63, _, _ =	vpop (xrf0);
	(v2sf) =	vpush v11, $0xF;
	s22 =	sadd.s32 s9, s26;
	s9 =	smov.u32 s0;
	s6 =	sadd.s32 s10, s6  }
0x78: {  	(v2sf) =	vpush v63, $0xF;
	v11, _, _ =	vpop (xrf0);
	s9 =	smov.u32 @p0 s21;
	p0 =	sgt.s32 s22, $0xFF;
	s26 =	smov.u32 s7  }
0x79: {  	s24 =	spop (v2sf);
	p2 =	slt.s32 s6, $0x100;
	(v2sf) =	vpush v11, $0xF;
	v11, _, _ =	vpop (xrf0);
	s26 =	smov.u32 @p0 s21  }
0x7a: {  	(xrf0) =	vadd.scan.msk.s32 $0xffff, v61;
	p6 =	sgt.s32 s6, $0xFF;
	s0 =	smov.u32 @p3 s9;
	s10 =	spop (v2sf);
	(v2sf) =	vpush v11, $0xF;
	v11, _, _ =	vpop (xrf0)  }
0x7b: {  	(xrf0) =	vadd.scan.msk.s32 $0xffff, v62;
	s7 =	smov.u32 @p4 s26;
	s21 =	sadd.s32 s22, s24;
	s5 =	spop (v2sf);
	(v2sf) =	vpush v11, $0xF;
	v11, _, _ =	vpop (xrf0)  }
.LBB2_6:
0x7c: {  	s9 =	smov.u32 s0  }
0x7d: {  	p3 =	slt.s32 s22, $0x100;
	s5 =	sadd.s32 s6, s5;
	s6 =	smov.u32 s23  }
0x7e: {  	s22 =	smov.u32 s31;
	s24 =	smov.u32 s2;
	s9 =	smov.u32 @p6 s1  }
0x7f: {  	(v2sf) =	vpush v11, $0xF;
	s26 =	smov.u32 s7;
	p0 =	sgt.s32 s5, $0xFF;
	s0 =	smov.u32 @p1 s9  }
0x80: {  	v11 =	vld [tilespmem:s2+$0xFFFFFFF0];
	v12, _, _ =	vpop (xrf0);
	s9 =	sadd.s32 s21, s10;
	p1 =	sgt.s32 s21, $0xFF;
	s10 =	smov.u32 s0  }
0x81: {  	v13 =	vld [tilespmem:s2+$0x0];
	v14, _, _ =	vpop (xrf0);
	(v2sf) =	vpush v12, $0xF;
	s26 =	smov.u32 @p1 s1;
	s10 =	smov.u32 @p0 s29;
	p0 =	sgt.s32 s9, $0xFF  }
0x82: {  	p1 =	slt.s32 s21, $0x100;
	s7 =	smov.u32 @p3 s26;
	v12 =	vld [tilespmem:s31+$0x0];
	(v2sf) =	vpush v14, $0xF;
	s0 =	smov.u32 @p2 s10  }
0x83: {  	s30 =	sadd.s32 $0x4, s30;
	s1 =	smov.u32 s7  }
0x84: {  	p3 =	slt.u32 s30, $0x3FC;
	s1 =	smov.u32 @p0 s29  }
0x85: {  	s7 =	smov.u32 @p1 s1;
	v14 =	vld [tilespmem:s31+$0xFFFFFFF0];
	(xrf0) =	vadd.scan.msk.s32 $0xffff, v11  }
0x86: {  	s23 =	sadd.s32 $0xFFFFFFFC, s23;
	s29 =	sadd.s32 $0xFFFFFFFD, s6;
	s1 =	sadd.s32 $0xFFFFFFFE, s6;
	v11 =	vld [tilespmem:s2+$0xFFFFFFE0];
	(xrf0) =	vadd.scan.msk.s32 $0xffff, v13  }
0x87: {  	s21 =	sadd.s32 $0xFFFFFFFF, s6;
	s31 =	sadd.s32 $0xFFFFFFC0, s31;
	v13 =	vld [tilespmem:s22+$0xFFFFFFE0];
	(xrf0) =	vadd.scan.msk.s32 $0xffff, v12;
	s10 =	spop (v2sf)  }
0x88: {  	p2 =	slt.s32 s5, $0x100;
	s2 =	sadd.s32 $0xFFFFFFC0, s2;
	s26 =	spop (v2sf)  }
0x89: {  	p6 =	slt.s32 s9, $0x100;
	v12 =	vld [tilespmem:s22+$0xFFFFFFD0];
	s5 =	sadd.s32 s5, s26;
	s22 =	spop (v2sf)  }
0x8a: {  	s9 =	sadd.s32 s9, s22;
	p0 =	sgt.s32 s5, $0xFF;
	s10 =	sadd.s32 s5, s10  }
0x8b: {  	v15 =	vld [tilespmem:s24+$0xFFFFFFD0];
	(xrf0) =	vadd.scan.msk.s32 $0xffff, v14;
	s22 =	smov.u32 s0;
	p4 =	slt.s32 s5, $0x100;
	s24 =	smov.u32 s7  }
0x8c: {  	v14, _, _ =	vpop (xrf0);
	(xrf0) =	vadd.scan.msk.s32 $0xffff, v11;
	s22 =	smov.u32 @p0 s6;
	p0 =	sgt.s32 s9, $0xFF;
	p1 =	slt.s32 s10, $0x100  }
0x8d: {  	p5 =	slt.s32 s9, $0x100;
	v11, _, _ =	vpop (xrf0);
	(v2sf) =	vpush v14, $0xF;
	(xrf0) =	vadd.scan.msk.s32 $0xffff, v13;
	s5 =	spop (v2sf);
	s24 =	smov.u32 @p0 s6  }
0x8e: {  	p0 =	sgt.s32 s10, $0xFF;
	s0 =	smov.u32 @p2 s22;
	s6 =	spop (v2sf)  }
0x8f: {  	(v2sf) =	vpush v11, $0xF;
	v11, _, _ =	vpop (xrf0);
	s7 =	smov.u32 @p6 s24;
	s22 =	sadd.s32 s9, s5;
	s9 =	smov.u32 s0  }
.Ltmp2:
0x90: {  	(v2sf) =	vpush v11, $0xF;
	(xrf0) =	vadd.scan.msk.s32 $0xffff, v12;
	s6 =	sadd.s32 s10, s6;
	s24 =	spop (v2sf);
	(pc) =	sbr.rel @p3 .LBB2_6-.Ltmp2, $4  }
0x91: {  	s9 =	smov.u32 @p0 s21;
	(xrf0) =	vadd.scan.msk.s32 $0xffff, v15;
	p2 =	slt.s32 s6, $0x100  }
0x92: {  	p0 =	sgt.s32 s22, $0xFF;
	s26 =	smov.u32 s7;
	v11, _, _ =	vpop (xrf0);
	s10 =	spop (v2sf)  }
0x93: {  	s26 =	smov.u32 @p0 s21;
	p6 =	sgt.s32 s6, $0xFF;
	(v2sf) =	vpush v11, $0xF;
	v11, _, _ =	vpop (xrf0);
	s5 =	spop (v2sf)  }
0x94: {  	s0 =	smov.u32 @p4 s9;
	s21 =	sadd.s32 s22, s24;
	s7 =	smov.u32 @p5 s26;
	(v2sf) =	vpush v11, $0xF;
	v11, _, _ =	vpop (xrf0)  }
0x95: {  	_ = 	snop  }
0x96: {  	(v2sf) =	vpush v11, $0xF;
	s2 =	smov.u32 s0;
	p0 =	slt.s32 s22, $0x100;
	p3 =	sgt.s32 s21, $0xFF  }
0x97: {  	s9 =	smov.u32 s7;
	s5 =	sadd.s32 s6, s5;
	s26 =	sadd.s32 s21, s10;
	v11, _, _ =	vpop (xrf0)  }
0x98: {  	s10 =	sadd.s32 $0xFFFFFFFD, s23;
	s22 =	sadd.s32 $0xFFFFFFFF, s23;
	s2 =	smov.u32 @p6 s1;
	(v2sf) =	vpush v11, $0xF  }
0x99: {  	s9 =	smov.u32 @p3 s1;
	p5 =	slt.s32 s26, $0x100;
	s0 =	smov.u32 @p1 s2  }
0x9a: {  	v11, _, _ =	vpop (xrf0);
	p1 =	sgt.s32 s5, $0xFF;
	s7 =	smov.u32 @p0 s9;
	p0 =	sgt.s32 s26, $0xFF  }
0x9b: {  	s9 =	sadd.s32 $0xFFFFFFFE, s23;
	s1 =	smov.u32 s0;
	(v2sf) =	vpush v11, $0xF;
	s6 =	smov.u32 s7  }
0x9c: {  	s1 =	smov.u32 @p1 s29;
	p1 =	slt.s32 s21, $0x100;
	s6 =	smov.u32 @p0 s29  }
0x9d: {  	s0 =	smov.u32 @p2 s1;
	s1 =	simm.s32 $0x10620;
	s29 =	spop (v2sf)  }
0x9e: {  	s7 =	smov.u32 @p1 s6;
	p2 =	slt.s32 s5, $0x100;
	s30 =	spop (v2sf)  }
0x9f: {  	s24 =	smov.u32 s0;
	s5 =	sadd.s32 s5, s30;
	s31 =	spop (v2sf)  }
0xa0: {  	p0 =	sgt.s32 s5, $0xFF;
	s2 =	sadd.s32 s26, s31;
	s6 =	sadd.s32 s5, s29  }
0xa1: {  	p3 =	slt.s32 s5, $0x100;
	s5 =	smov.u32 s7;
	s24 =	smov.u32 @p0 s23  }
0xa2: {  	p0 =	sgt.s32 s2, $0xFF;
	p1 =	slt.s32 s6, $0x100;
	p4 =	slt.s32 s2, $0x100  }
0xa3: {  	s26 =	spop (v2sf);
	s5 =	smov.u32 @p0 s23;
	p0 =	sgt.s32 s6, $0xFF  }
0xa4: {  	s0 =	smov.u32 @p2 s24;
	s29 =	spop (v2sf);
	s7 =	smov.u32 @p5 s5  }
0xa5: {  	s2 =	sadd.s32 s2, s26;
	s21 =	smov.u32 s0;
	s30 =	spop (v2sf)  }
0xa6: {  	s21 =	smov.u32 @p0 s22;
	p0 =	sgt.s32 s2, $0xFF;
	s26 =	smov.u32 s7  }
0xa7: {  	s6 =	sadd.s32 s6, s29;
	s5 =	sadd.s32 s2, s30;
	s31 =	spop (v2sf)  }
0xa8: {  	p2 =	slt.s32 s2, $0x100;
	s30 =	sadd.s32 s5, s31;
	s31 =	simm.s32 $0x10020  }
0xa9: {  	s26 =	smov.u32 @p0 s22;
	s0 =	smov.u32 @p3 s21;
	p0 =	sgt.s32 s6, $0xFF;
	[tilespmem:s31+$0xFFFFFFE0] =	vst v5  }
0xaa: {  	s7 =	smov.u32 @p4 s26;
	s21 =	smov.u32 s0;
	s26 =	spop (v2sf);
	[tilespmem:s1+$0xFFFFFFE0] =	vst v5  }
0xab: {  	s21 =	smov.u32 @p0 s9;
	p0 =	sgt.s32 s5, $0xFF;
	s23 =	smov.u32 s7;
	[tilespmem:s31+$0xFFFFFFF0] =	vst v5  }
0xac: {  	s29 =	sadd.s32 s6, s26;
	s23 =	smov.u32 @p0 s9;
	s0 =	smov.u32 @p1 s21;
	[tilespmem:s1+$0xFFFFFFF0] =	vst v5  }
0xad: {  	p0 =	slt.s32 s6, $0x100;
	s7 =	smov.u32 @p2 s23;
	p1 =	sgt.s32 s29, $0xFF;
	[tilespmem:s31+$0x0] =	vst v5  }
0xae: {  	s6 =	smov.u32 s0;
	p2 =	sgt.s32 s30, $0xFF;
	s9 =	smov.u32 s7;
	[tilespmem:s1+$0x0] =	vst v5  }
0xaf: {  	s6 =	smov.u32 @p1 s10;
	p1 =	slt.s32 s5, $0x100;
	s9 =	smov.u32 @p2 s10;
	[tilespmem:s31+$0x10] =	vst v5  }
0xb0: {  	s2 =	simm.s32 $0x10060;
	s0 =	smov.u32 @p0 s6;
	s7 =	smov.u32 @p1 s9;
	[tilespmem:s1+$0x10] =	vst v5  }
.LBB2_8:
0xb1: {  	[tilespmem:s2+$0xFFFFFFE0] =	vst v5;
	s1 =	sadd.s32 $0x40, s1  }
0xb2: {  	s4 =	sadd.s32 $0x4, s4;
	[tilespmem:s1+$0xFFFFFFE0] =	vst v5  }
0xb3: {  	p0 =	slt.u32 s4, $0x5C;
	[tilespmem:s2+$0xFFFFFFF0] =	vst v5  }
.Ltmp3:
0xb4: {  	[tilespmem:s1+$0xFFFFFFF0] =	vst v5;
	(pc) =	sbr.rel @p0 .LBB2_8-.Ltmp3, $4  }
0xb5: {  	[tilespmem:s2+$0x0] =	vst v5  }
0xb6: {  	[tilespmem:s1+$0x0] =	vst v5  }
0xb7: {  	[tilespmem:s2+$0x10] =	vst v5  }
0xb8: {  	s2 =	sadd.s32 $0x40, s2;
	[tilespmem:s1+$0x10] =	vst v5  }
0xb9: {  	s0 =	sshll.u32 s0, $0x6  }
0xba: {  	v12 =	vmov s0;
	s0 =	simm.s32 $0x0  }
0xbb: {  	v13 =	vld [tilespmem:s0+$0x0];
	_ =	sdelay $0x1  }
0xbc: {  	v14 =	vld [tilespmem:s0+$0x4000]  }
0xbd: {  	v15 =	vld [tilespmem:s0+$0x8000];
	_ =	sdelay $0x1  }
0xbe: {  	s1 =	sshll.u32 s7, $0x6;
	s2 =	simm.s32 $0x0;
	v16 =	vshra.s32 v13, $0x1F  }
0xbf: {  	s5 =	simm.s32 $0x4000;
	v11 =	vmov s1;
	v17 =	vor.u32 s2, v0;
	v18 =	vld [tilespmem:s0+$0xC000];
	v16 =	vor.u32 $0x80000000, v16  }
0xc0: {  	v19 =	vor.u32 s5, v0;
	v20 =	vshra.s32 v14, $0x1F;
	v16 =	vxor.u32 v13, v16  }
0xc1: {  	v21 =	vshra.s32 v15, $0x1F;
	v20 =	vor.u32 $0x80000000, v20;
	v16 =	vshrl.u32 v16, $0x10  }
0xc2: {  	s29 =	simm.s32 $0x0;
	v21 =	vor.u32 $0x80000000, v21;
	vm0 =	vge.u32 v16, v12;
	v16 =	vxor.u32 v14, v20  }
0xc3: {  	v62 =	vxor.u32 v15, v21;
	v16 =	vshrl.u32 v16, $0x10;
	[tilespmem:s29+$0x10000] =	vst.msk vm0, v13;
	v13 =	vmpcnt.ones.xlane vm0  }
0xc4: {  	s4 =	simm.s32 $0x300;
	v20 =	vshrl.u32 v62, $0x10;
	vm1 =	vge.u32 v16, v12;
	v16 =	vshra.s32 v18, $0x1F;
	[tilespmem:s29+$0x10C00] =	vst.msk vm0, v17  }
0xc5: {  	v16 =	vor.u32 $0x80000000, v16;
	[tilespmem:s4+$0x10000] =	vst.msk vm1, v14;
	v14 =	vmpcnt.ones.xlane vm1;
	(v2sf) =	vpush v13, $0x0  }
0xc6: {  	vm8 =	vge.u32 v20, v11;
	v13 =	vxor.u32 v18, v16;
	[tilespmem:s4+$0x10C00] =	vst.msk vm1, v19  }
0xc7: {  	v13 =	vshrl.u32 v13, $0x10;
	[tilespmem:s29+$0x10600] =	vst.msk vm8, v15;
	v15 =	vmpcnt.ones.xlane vm8;
	(v2sf) =	vpush v14, $0x0  }
0xc8: {  	vm9 =	vge.u32 v13, v11;
	[tilespmem:s29+$0x11200] =	vst.msk vm8, v17  }
0xc9: {  	[tilespmem:s4+$0x10600] =	vst.msk vm9, v18;
	v13 =	vmpcnt.ones.xlane vm9;
	(v2sf) =	vpush v15, $0x0  }
0xca: {  	[tilespmem:s4+$0x11200] =	vst.msk vm9, v19  }
0xcb: {  	(v2sf) =	vpush v13, $0x0;
	v13 =	vld [tilespmem:s0+$0x10];
	_ =	sdelay $0x1  }
0xcc: {  	v14 =	vld [tilespmem:s0+$0x4010]  }
0xcd: {  	v15 =	vld [tilespmem:s0+$0x8010];
	_ =	sdelay $0x1  }
0xce: {  	v16 =	vshra.s32 v13, $0x1F  }
0xcf: {  	v16 =	vor.u32 $0x80000000, v16  }
0xd0: {  	v18 =	vshra.s32 v14, $0x1F;
	v16 =	vxor.u32 v13, v16  }
0xd1: {  	v17 =	vld [tilespmem:s0+$0xC010];
	v19 =	vshra.s32 v15, $0x1F;
	v18 =	vor.u32 $0x80000000, v18;
	v16 =	vshrl.u32 v16, $0x10  }
0xd2: {  	v19 =	vor.u32 $0x80000000, v19;
	v18 =	vxor.u32 v14, v18;
	s6 =	spop (v2sf);
	vm10 =	vge.u32 v16, v12  }
0xd3: {  	v18 =	vshrl.u32 v18, $0x10;
	v16 =	vxor.u32 v15, v19;
	s1 =	sadd.s32 $0x0, s6;
	v19 =	vmpcnt.ones.xlane vm10  }
0xd4: {  	vm11 =	vge.u32 v18, v12;
	p0 =	slt.s32 s1, $0x2F0;
	s7 =	spop (v2sf)  }
0xd5: {  	s4 =	simm.s32 $0x10;
	v63 =	vmpcnt.ones.xlane vm11;
	s1 =	simm.s32 @!p0 $0x2F0;
	s2 =	sadd.s32 $0x300, s7;
	(v2sf) =	vpush v19, $0x0  }
0xd6: {  	v18 =	vshra.s32 v17, $0x1F;
	v19 =	vor.u32 s4, v0;
	p0 =	slt.s32 s2, $0x5F0;
	[tilespmem:s1+$0x10000] =	vst.msk vm10, v13;
	s9 =	spop (v2sf)  }
0xd7: {  	s5 =	simm.s32 $0x4010;
	v18 =	vor.u32 $0x80000000, v18;
	(v2sf) =	vpush v63, $0x0;
	s2 =	simm.s32 @!p0 $0x5F0;
	s4 =	sadd.s32 $0x0, s9;
	[tilespmem:s1+$0x10C00] =	vst.msk vm10, v19  }
0xd8: {  	v16 =	vshrl.u32 v16, $0x10;
	v13 =	vxor.u32 v17, v18;
	v18 =	vor.u32 s5, v0;
	p0 =	slt.s32 s4, $0x2F0;
	[tilespmem:s2+$0x10000] =	vst.msk vm11, v14;
	s10 =	spop (v2sf)  }
0xd9: {  	vm2 =	vge.u32 v16, v11;
	s4 =	simm.s32 @!p0 $0x2F0;
	s5 =	sadd.s32 $0x300, s10;
	[tilespmem:s2+$0x10C00] =	vst.msk vm11, v18  }
0xda: {  	v13 =	vshrl.u32 v13, $0x10;
	p0 =	slt.s32 s5, $0x5F0;
	[tilespmem:s4+$0x10600] =	vst.msk vm2, v15  }
0xdb: {  	v16 =	vmpcnt.ones.xlane vm2;
	vm12 =	vge.u32 v13, v11;
	s5 =	simm.s32 @!p0 $0x5F0;
	[tilespmem:s4+$0x11200] =	vst.msk vm2, v19  }
0xdc: {  	v13 =	vmpcnt.ones.xlane vm12;
	[tilespmem:s5+$0x10600] =	vst.msk vm12, v17  }
0xdd: {  	(v2sf) =	vpush v16, $0x0;
	[tilespmem:s5+$0x11200] =	vst.msk vm12, v18  }
0xde: {  	(v2sf) =	vpush v13, $0x0;
	v13 =	vld [tilespmem:s0+$0x20];
	_ =	sdelay $0x1  }
0xdf: {  	v14 =	vld [tilespmem:s0+$0x4020];
	_ =	sdelay $0x1  }
0xe0: {  	v15 =	vld [tilespmem:s0+$0x8020]  }
0xe1: {  	v16 =	vshra.s32 v13, $0x1F  }
0xe2: {  	v17 =	vld [tilespmem:s0+$0xC020];
	v16 =	vor.u32 $0x80000000, v16;
	s6 =	spop (v2sf)  }
0xe3: {  	v18 =	vshra.s32 v14, $0x1F;
	v16 =	vxor.u32 v13, v16;
	s10 =	sadd.s32 s1, s6  }
0xe4: {  	v18 =	vor.u32 $0x80000000, v18;
	s21 =	spop (v2sf);
	v16 =	vshrl.u32 v16, $0x10;
	p0 =	slt.s32 s10, $0x2F0  }
0xe5: {  	s22 =	simm.s32 $0x20;
	s1 =	sadd.s32 s2, s21;
	vm13 =	vge.u32 v16, v12;
	v16 =	vxor.u32 v14, v18;
	v18 =	vshra.s32 v15, $0x1F;
	s10 =	simm.s32 @!p0 $0x2F0  }
0xe6: {  	v19 =	vor.u32 s22, v0;
	p0 =	slt.s32 s1, $0x5F0;
	v16 =	vshrl.u32 v16, $0x10;
	v18 =	vor.u32 $0x80000000, v18;
	[tilespmem:s10+$0x10000] =	vst.msk vm13, v13  }
0xe7: {  	s1 =	simm.s32 @!p0 $0x5F0;
	vm14 =	vge.u32 v16, v12;
	v13 =	vxor.u32 v15, v18;
	[tilespmem:s10+$0x10C00] =	vst.msk vm13, v19;
	v16 =	vshra.s32 v17, $0x1F  }
0xe8: {  	v13 =	vshrl.u32 v13, $0x10;
	[tilespmem:s1+$0x10000] =	vst.msk vm14, v14;
	v14 =	vor.u32 $0x80000000, v16  }
0xe9: {  	vm15 =	vge.u32 v13, v11;
	v13 =	vxor.u32 v17, v14  }
0xea: {  	v13 =	vshrl.u32 v13, $0x10  }
0xeb: {  	vm3 =	vge.u32 v13, v11;
	v13 =	vmpcnt.ones.xlane vm13  }
0xec: {  	s23 =	spop (v2sf)  }
0xed: {  	s26 =	spop (v2sf);
	v14 =	vmpcnt.ones.xlane vm14;
	(v2sf) =	vpush v13, $0x0  }
0xee: {  	s24 =	simm.s32 $0x4020;
	s6 =	sadd.s32 s4, s23  }
0xef: {  	p0 =	slt.s32 s6, $0x2F0;
	v18 =	vor.u32 s24, v0;
	v13 =	vmpcnt.ones.xlane vm15;
	(v2sf) =	vpush v14, $0x0  }
0xf0: {  	s6 =	simm.s32 @!p0 $0x2F0;
	[tilespmem:s1+$0x10C00] =	vst.msk vm14, v18;
	s2 =	sadd.s32 s5, s26  }
0xf1: {  	[tilespmem:s6+$0x10600] =	vst.msk vm15, v15;
	p0 =	slt.s32 s2, $0x5F0;
	(v2sf) =	vpush v13, $0x0  }
0xf2: {  	[tilespmem:s6+$0x11200] =	vst.msk vm15, v19;
	s2 =	simm.s32 @!p0 $0x5F0  }
0xf3: {  	[tilespmem:s2+$0x10600] =	vst.msk vm3, v17;
	v17 =	vmpcnt.ones.xlane vm3  }
0xf4: {  	[tilespmem:s2+$0x11200] =	vst.msk vm3, v18  }
0xf5: {  	v16 =	vld [tilespmem:s0+$0x30];
	(v2sf) =	vpush v17, $0x0  }
0xf6: {  	v15 =	vld [tilespmem:s0+$0x4030]  }
0xf7: {  	v14 =	vld [tilespmem:s0+$0x8030];
	_ =	sdelay $0x1  }
0xf8: {  	s30 =	simm.s32 $0x4030;
	s31 =	simm.s32 $0x40;
	s7 =	simm.s32 $0x4  }
0xf9: {  	s4 =	simm.s32 $0x30;
	s23 =	simm.s32 $0x100;
	v13 =	vld [tilespmem:s0+$0xC030];
	s0 =	simm.s32 $0x4030;
	v17 =	vshra.s32 v16, $0x1F  }
.LBB2_10:
0xfa: {  	s7 =	sadd.s32 $0x4, s7;
	v17 =	vor.u32 $0x80000000, v17;
	s30 =	sadd.s32 $0x40, s30  }
0xfb: {  	v18 =	vshra.s32 v15, $0x1F;
	p1 =	slt.u32 s7, $0x3FC;
	s5 =	sadd.s32 $0xFFFFC000, s30;
	v17 =	vxor.u32 v16, v17;
	v19 =	vshra.s32 v14, $0x1F;
	s9 =	spop (v2sf)  }
0xfc: {  	v18 =	vor.u32 $0x80000000, v18;
	s10 =	sadd.s32 s10, s9;
	v17 =	vshrl.u32 v17, $0x10;
	v19 =	vor.u32 $0x80000000, v19  }
0xfd: {  	p0 =	slt.s32 s10, $0x2F0;
	vm0 =	vge.u32 v17, v12;
	v17 =	vxor.u32 v15, v18;
	v18 =	vxor.u32 v14, v19;
	s9 =	spop (v2sf)  }
0xfe: {  	s10 =	simm.s32 @!p0 $0x2F0;
	s1 =	sadd.s32 s1, s9;
	v17 =	vshrl.u32 v17, $0x10;
	v18 =	vshrl.u32 v18, $0x10;
	v19 =	vmpcnt.ones.xlane vm0  }
0xff: {  	v20 =	vor.u32 s4, v0;
	s4 =	smov.u32 s5;
	p0 =	slt.s32 s1, $0x5F0;
	vm1 =	vge.u32 v17, v12;
	v17 =	vshra.s32 v13, $0x1F;
	[tilespmem:s10+$0x10000] =	vst.msk vm0, v16;
	s9 =	spop (v2sf)  }
0x100: {  	s1 =	simm.s32 @!p0 $0x5F0;
	s6 =	sadd.s32 s6, s9;
	v16 =	vor.u32 $0x80000000, v17;
	[tilespmem:s10+$0x10C00] =	vst.msk vm0, v20;
	v17 =	vmpcnt.ones.xlane vm1;
	(v2sf) =	vpush v19, $0x0  }
0x101: {  	vm0 =	vge.u32 v18, v11;
	v18 =	vor.u32 s0, v0;
	s0 =	smov.u32 s30;
	p0 =	slt.s32 s6, $0x2F0;
	v16 =	vxor.u32 v13, v16;
	[tilespmem:s1+$0x10000] =	vst.msk vm1, v15  }
0x102: {  	s6 =	simm.s32 @!p0 $0x2F0;
	v15 =	vshrl.u32 v16, $0x10;
	[tilespmem:s1+$0x10C00] =	vst.msk vm1, v18;
	v16 =	vmpcnt.ones.xlane vm0;
	(v2sf) =	vpush v17, $0x0  }
0x103: {  	vm1 =	vge.u32 v15, v11;
	[tilespmem:s6+$0x10600] =	vst.msk vm0, v14;
	s5 =	spop (v2sf)  }
0x104: {  	s21 =	sadd.s32 s2, s5;
	[tilespmem:s6+$0x11200] =	vst.msk vm0, v20;
	v14 =	vmpcnt.ones.xlane vm1;
	(v2sf) =	vpush v16, $0x0  }
0x105: {  	p0 =	slt.s32 s21, $0x5F0  }
0x106: {  	s21 =	simm.s32 @!p0 $0x5F0;
	(v2sf) =	vpush v14, $0x0  }
0x107: {  	s2 =	sadd.s32 $0xFFFFBFD0, s30;
	[tilespmem:s21+$0x10600] =	vst.msk vm1, v13  }
0x108: {  	v13 =	vor.u32 s2, v0;
	[tilespmem:s21+$0x11200] =	vst.msk vm1, v18  }
0x109: {  	s2 =	sadd.s32 $0xFFFFFFD0, s30;
	v14 =	vld [tilespmem:s31+$0x0]  }
0x10a: {  	v16 =	vor.u32 s2, v0;
	v15 =	vld [tilespmem:s31+$0x8000]  }
0x10b: {  	v17 =	vld [tilespmem:s31+$0x4000];
	_ =	sdelay $0x2  }
0x10c: {  	v18 =	vshra.s32 v14, $0x1F  }
0x10d: {  	v19 =	vld [tilespmem:s31+$0xC000];
	v18 =	vor.u32 $0x80000000, v18;
	v20 =	vshra.s32 v15, $0x1F;
	s2 =	spop (v2sf)  }
0x10e: {  	v18 =	vxor.u32 v14, v18;
	v21 =	vshra.s32 v17, $0x1F;
	v20 =	vor.u32 $0x80000000, v20;
	s2 =	sadd.s32 s10, s2  }
0x10f: {  	v18 =	vshrl.u32 v18, $0x10;
	v21 =	vor.u32 $0x80000000, v21;
	v20 =	vxor.u32 v15, v20;
	p0 =	slt.s32 s2, $0x2F0;
	s5 =	spop (v2sf)  }
0x110: {  	vm0 =	vge.u32 v18, v12;
	v18 =	vxor.u32 v17, v21;
	v20 =	vshrl.u32 v20, $0x10;
	s2 =	simm.s32 @!p0 $0x2F0;
	s1 =	sadd.s32 s1, s5  }
0x111: {  	v18 =	vshrl.u32 v18, $0x10;
	[tilespmem:s2+$0x10000] =	vst.msk vm0, v14;
	v14 =	vmpcnt.ones.xlane vm0;
	p0 =	slt.s32 s1, $0x5F0;
	s5 =	spop (v2sf)  }
0x112: {  	vm1 =	vge.u32 v18, v12;
	v18 =	vshra.s32 v19, $0x1F;
	[tilespmem:s2+$0x10C00] =	vst.msk vm0, v13;
	s1 =	simm.s32 @!p0 $0x5F0;
	s6 =	sadd.s32 s6, s5  }
0x113: {  	v18 =	vor.u32 $0x80000000, v18;
	[tilespmem:s1+$0x10000] =	vst.msk vm1, v17;
	v17 =	vmpcnt.ones.xlane vm1;
	(v2sf) =	vpush v14, $0x0;
	p0 =	slt.s32 s6, $0x2F0;
	s5 =	spop (v2sf)  }
0x114: {  	vm0 =	vge.u32 v20, v11;
	v14 =	vxor.u32 v19, v18;
	[tilespmem:s1+$0x10C00] =	vst.msk vm1, v16;
	s6 =	simm.s32 @!p0 $0x2F0;
	s10 =	sadd.s32 s21, s5  }
0x115: {  	v14 =	vshrl.u32 v14, $0x10;
	[tilespmem:s6+$0x10600] =	vst.msk vm0, v15;
	v15 =	vmpcnt.ones.xlane vm0;
	(v2sf) =	vpush v17, $0x0;
	p0 =	slt.s32 s10, $0x5F0  }
0x116: {  	vm1 =	vge.u32 v14, v11;
	[tilespmem:s6+$0x11200] =	vst.msk vm0, v13;
	s10 =	simm.s32 @!p0 $0x5F0  }
0x117: {  	s5 =	sadd.s32 $0xFFFFBFE0, s30;
	[tilespmem:s10+$0x10600] =	vst.msk vm1, v19;
	v13 =	vmpcnt.ones.xlane vm1;
	(v2sf) =	vpush v15, $0x0  }
0x118: {  	[tilespmem:s10+$0x11200] =	vst.msk vm1, v16  }
0x119: {  	v14 =	vld [tilespmem:s31+$0x8010];
	(v2sf) =	vpush v13, $0x0  }
0x11a: {  	v13 =	vld [tilespmem:s31+$0x10]  }
0x11b: {  	v15 =	vld [tilespmem:s31+$0x4010];
	_ =	sdelay $0x1  }
0x11c: {  	v16 =	vor.u32 s5, v0  }
0x11d: {  	v17 =	vshra.s32 v14, $0x1F  }
0x11e: {  	v18 =	vshra.s32 v13, $0x1F;
	v17 =	vor.u32 $0x80000000, v17  }
0x11f: {  	v18 =	vor.u32 $0x80000000, v18;
	v19 =	vshra.s32 v15, $0x1F;
	v17 =	vxor.u32 v14, v17  }
0x120: {  	v20 =	vld [tilespmem:s31+$0xC010];
	v18 =	vxor.u32 v13, v18;
	v19 =	vor.u32 $0x80000000, v19;
	v17 =	vshrl.u32 v17, $0x10  }
0x121: {  	v18 =	vshrl.u32 v18, $0x10;
	v19 =	vxor.u32 v15, v19;
	s5 =	spop (v2sf)  }
0x122: {  	s21 =	sadd.s32 s2, s5;
	vm0 =	vge.u32 v18, v12;
	v18 =	vshrl.u32 v19, $0x10  }
0x123: {  	s2 =	sadd.s32 $0xFFFFFFE0, s30;
	p0 =	slt.s32 s21, $0x2F0;
	vm1 =	vge.u32 v18, v12;
	v18 =	vmpcnt.ones.xlane vm0;
	s5 =	spop (v2sf)  }
0x124: {  	s21 =	simm.s32 @!p0 $0x2F0;
	s1 =	sadd.s32 s1, s5;
	v19 =	vmpcnt.ones.xlane vm1  }
0x125: {  	v22 =	vor.u32 s2, v0;
	p0 =	slt.s32 s1, $0x5F0;
	v21 =	vshra.s32 v20, $0x1F;
	[tilespmem:s21+$0x10000] =	vst.msk vm0, v13;
	s2 =	spop (v2sf);
	(v2sf) =	vpush v18, $0x0  }
0x126: {  	vm2 =	vge.u32 v17, v11;
	s1 =	simm.s32 @!p0 $0x5F0;
	s6 =	sadd.s32 s6, s2;
	v13 =	vor.u32 $0x80000000, v21;
	[tilespmem:s21+$0x10C00] =	vst.msk vm0, v16;
	(v2sf) =	vpush v19, $0x0  }
0x127: {  	p0 =	slt.s32 s6, $0x2F0;
	v13 =	vxor.u32 v20, v13;
	[tilespmem:s1+$0x10000] =	vst.msk vm1, v15;
	v15 =	vmpcnt.ones.xlane vm2;
	s2 =	spop (v2sf)  }
0x128: {  	s6 =	simm.s32 @!p0 $0x2F0;
	s2 =	sadd.s32 s10, s2;
	v13 =	vshrl.u32 v13, $0x10;
	[tilespmem:s1+$0x10C00] =	vst.msk vm1, v22  }
0x129: {  	p0 =	slt.s32 s2, $0x5F0;
	vm0 =	vge.u32 v13, v11;
	[tilespmem:s6+$0x10600] =	vst.msk vm2, v14;
	(v2sf) =	vpush v15, $0x0  }
0x12a: {  	s2 =	simm.s32 @!p0 $0x5F0;
	[tilespmem:s6+$0x11200] =	vst.msk vm2, v16;
	v13 =	vmpcnt.ones.xlane vm0  }
0x12b: {  	[tilespmem:s2+$0x10600] =	vst.msk vm0, v20  }
0x12c: {  	[tilespmem:s2+$0x11200] =	vst.msk vm0, v22;
	(v2sf) =	vpush v13, $0x0  }
0x12d: {  	v13 =	vld [tilespmem:s31+$0x20];
	_ =	sdelay $0x1  }
0x12e: {  	v14 =	vld [tilespmem:s31+$0x4020];
	_ =	sdelay $0x1  }
0x12f: {  	v15 =	vld [tilespmem:s31+$0x8020]  }
0x130: {  	v16 =	vshra.s32 v13, $0x1F  }
0x131: {  	v17 =	vld [tilespmem:s31+$0xC020];
	v16 =	vor.u32 $0x80000000, v16  }
0x132: {  	v16 =	vxor.u32 v13, v16;
	v18 =	vshra.s32 v14, $0x1F;
	s5 =	spop (v2sf)  }
0x133: {  	s10 =	sadd.s32 s21, s5;
	v16 =	vshrl.u32 v16, $0x10;
	v18 =	vor.u32 $0x80000000, v18;
	s5 =	spop (v2sf)  }
0x134: {  	p0 =	slt.s32 s10, $0x2F0;
	s1 =	sadd.s32 s1, s5;
	vm0 =	vge.u32 v16, v12;
	v16 =	vxor.u32 v14, v18;
	v18 =	vshra.s32 v15, $0x1F  }
0x135: {  	s5 =	sadd.s32 $0xFFFFBFF0, s30;
	s10 =	simm.s32 @!p0 $0x2F0;
	p0 =	slt.s32 s1, $0x5F0;
	v16 =	vshrl.u32 v16, $0x10;
	v18 =	vor.u32 $0x80000000, v18;
	v19 =	vmpcnt.ones.xlane vm0  }
0x136: {  	vm1 =	vge.u32 v16, v12;
	v16 =	vxor.u32 v15, v18;
	v18 =	vor.u32 s5, v0;
	[tilespmem:s10+$0x10000] =	vst.msk vm0, v13;
	s5 =	spop (v2sf)  }
0x137: {  	s1 =	simm.s32 @!p0 $0x5F0;
	s6 =	sadd.s32 s6, s5;
	s5 =	sadd.s32 $0xFFFFFFF0, s30;
	v13 =	vshrl.u32 v16, $0x10;
	[tilespmem:s10+$0x10C00] =	vst.msk vm0, v18;
	v16 =	vmpcnt.ones.xlane vm1;
	(v2sf) =	vpush v19, $0x0  }
0x138: {  	p0 =	slt.s32 s6, $0x2F0;
	vm0 =	vge.u32 v13, v11;
	v13 =	vshra.s32 v17, $0x1F;
	v19 =	vor.u32 s5, v0;
	[tilespmem:s1+$0x10000] =	vst.msk vm1, v14  }
0x139: {  	s6 =	simm.s32 @!p0 $0x2F0;
	v13 =	vor.u32 $0x80000000, v13;
	[tilespmem:s1+$0x10C00] =	vst.msk vm1, v19;
	v14 =	vmpcnt.ones.xlane vm0;
	s5 =	spop (v2sf);
	(v2sf) =	vpush v16, $0x0  }
0x13a: {  	s2 =	sadd.s32 s2, s5;
	v13 =	vxor.u32 v17, v13;
	[tilespmem:s6+$0x10600] =	vst.msk vm0, v15  }
0x13b: {  	p0 =	slt.s32 s2, $0x5F0;
	v13 =	vshrl.u32 v13, $0x10;
	[tilespmem:s6+$0x11200] =	vst.msk vm0, v18;
	(v2sf) =	vpush v14, $0x0  }
0x13c: {  	s23 =	sadd.s32 $0x100, s23;
	s2 =	simm.s32 @!p0 $0x5F0;
	vm0 =	vge.u32 v13, v11  }
0x13d: {  	s5 =	sshra.s32 s23, $0x2;
	[tilespmem:s2+$0x10600] =	vst.msk vm0, v17;
	v13 =	vmpcnt.ones.xlane vm0  }
0x13e: {  	[tilespmem:s2+$0x11200] =	vst.msk vm0, v19  }
0x13f: {  	v16 =	vld [tilespmem:s31+$0x30];
	(v2sf) =	vpush v13, $0x0  }
.Ltmp4:
0x140: {  	v15 =	vld [tilespmem:s31+$0x4030];
	(pc) =	sbr.rel @p1 .LBB2_10-.Ltmp4, $3  }
0x141: {  	v14 =	vld [tilespmem:s31+$0x8030]  }
0x142: {  	v13 =	vld [tilespmem:s31+$0xC030];
	s31 =	smov.u32 s5;
	_ =	sdelay $0x1  }
0x143: {  	v17 =	vshra.s32 v16, $0x1F  }
0x144: {  	_ =	sdelay $0x2  }
0x145: {  	v17 =	vor.u32 $0x80000000, v17;
	v18 =	vshra.s32 v15, $0x1F;
	s5 =	spop (v2sf)  }
0x146: {  	v21 =	vor.u32 s4, v0;
	v61 =	vor.u32 s0, v0;
	v17 =	vxor.u32 v16, v17;
	s10 =	sadd.s32 s10, s5  }
0x147: {  	v19 =	vshra.s32 v14, $0x1F;
	v18 =	vor.u32 $0x80000000, v18;
	v17 =	vshrl.u32 v17, $0x10;
	p0 =	slt.s32 s10, $0x2F0;
	s26 =	spop (v2sf)  }
0x148: {  	v19 =	vor.u32 $0x80000000, v19;
	v18 =	vxor.u32 v15, v18;
	vm0 =	vge.u32 v17, v12;
	s10 =	simm.s32 @!p0 $0x2F0;
	s7 =	sadd.s32 s1, s26  }
0x149: {  	v20 =	vshra.s32 v13, $0x1F;
	v18 =	vshrl.u32 v18, $0x10;
	v58 =	vmpcnt.ones.xlane vm0;
	p0 =	slt.s32 s7, $0x5F0;
	[tilespmem:s10+$0x10000] =	vst.msk vm0, v16;
	s4 =	spop (v2sf)  }
0x14a: {  	v57 =	vxor.u32 v14, v19;
	v60 =	vor.u32 $0x80000000, v20;
	vm1 =	vge.u32 v18, v12;
	s7 =	simm.s32 @!p0 $0x5F0;
	s1 =	sadd.s32 s6, s4;
	[tilespmem:s10+$0x10C00] =	vst.msk vm0, v21  }
0x14b: {  	v59 =	vshrl.u32 v57, $0x10;
	v18 =	vmpcnt.ones.xlane vm1;
	(v2sf) =	vpush v58, $0x0;
	p0 =	slt.s32 s1, $0x2F0;
	[tilespmem:s7+$0x10000] =	vst.msk vm1, v15;
	s5 =	spop (v2sf)  }
0x14c: {  	vm12 =	vge.u32 v59, v11;
	v15 =	vxor.u32 v13, v60;
	s1 =	simm.s32 @!p0 $0x2F0;
	[tilespmem:s7+$0x10C00] =	vst.msk vm1, v61;
	s2 =	sadd.s32 s2, s5  }
0x14d: {  	v16 =	vmpcnt.ones.xlane vm12;
	v15 =	vshrl.u32 v15, $0x10;
	(v2sf) =	vpush v18, $0x0;
	[tilespmem:s1+$0x10600] =	vst.msk vm12, v14;
	p0 =	slt.s32 s2, $0x5F0  }
0x14e: {  	vm13 =	vge.u32 v15, v11;
	[tilespmem:s1+$0x11200] =	vst.msk vm12, v21;
	s2 =	simm.s32 @!p0 $0x5F0  }
0x14f: {  	v14 =	vmpcnt.ones.xlane vm13;
	(v2sf) =	vpush v16, $0x0;
	[tilespmem:s2+$0x10600] =	vst.msk vm13, v13  }
0x150: {  	[tilespmem:s2+$0x11200] =	vst.msk vm13, v61  }
0x151: {  	(v2sf) =	vpush v14, $0x0;
	v13 =	vld [tilespmem:s31+$0x0];
	_ =	sdelay $0x1  }
0x152: {  	v14 =	vld [tilespmem:s31+$0x4000]  }
0x153: {  	v15 =	vld [tilespmem:s31+$0x8000];
	_ =	sdelay $0x1  }
0x154: {  	v62 =	vshra.s32 v13, $0x1F  }
0x155: {  	v63 =	vld [tilespmem:s31+$0xC000];
	v16 =	vor.u32 $0x80000000, v62  }
0x156: {  	v24 =	vshra.s32 v14, $0x1F;
	v16 =	vxor.u32 v13, v16  }
0x157: {  	v25 =	vshra.s32 v15, $0x1F;
	v18 =	vor.u32 $0x80000000, v24;
	v16 =	vshrl.u32 v16, $0x10  }
0x158: {  	s6 =	spop (v2sf);
	v19 =	vor.u32 $0x80000000, v25;
	v26 =	vxor.u32 v14, v18;
	vm14 =	vge.u32 v16, v12  }
0x159: {  	s4 =	sadd.s32 s10, s6;
	v27 =	vxor.u32 v15, v19;
	v16 =	vshrl.u32 v26, $0x10;
	v28 =	vmpcnt.ones.xlane vm14  }
0x15a: {  	s0 =	sadd.s32 $0x40, s30;
	v29 =	vshra.s32 v63, $0x1F;
	p0 =	slt.s32 s4, $0x2F0;
	v18 =	vshrl.u32 v27, $0x10;
	s9 =	spop (v2sf);
	vm15 =	vge.u32 v16, v12  }
0x15b: {  	s10 =	sadd.s32 $0xFFFFBFD0, s0;
	s4 =	simm.s32 @!p0 $0x2F0;
	s5 =	sadd.s32 s7, s9;
	v16 =	vor.u32 $0x80000000, v29;
	v30 =	vmpcnt.ones.xlane vm15;
	(v2sf) =	vpush v28, $0x0  }
0x15c: {  	v31 =	vor.u32 s10, v0;
	vm2 =	vge.u32 v18, v11;
	[tilespmem:s4+$0x10000] =	vst.msk vm14, v13;
	s21 =	spop (v2sf);
	p0 =	slt.s32 s5, $0x5F0;
	v13 =	vxor.u32 v63, v16  }
0x15d: {  	s22 =	sadd.s32 $0xFFFFFFD0, s0;
	v32 =	vmpcnt.ones.xlane vm2;
	[tilespmem:s4+$0x10C00] =	vst.msk vm14, v31;
	s1 =	sadd.s32 s1, s21;
	s5 =	simm.s32 @!p0 $0x5F0;
	v13 =	vshrl.u32 v13, $0x10;
	(v2sf) =	vpush v30, $0x0  }
0x15e: {  	v33 =	vor.u32 s22, v0;
	p0 =	slt.s32 s1, $0x2F0;
	s23 =	spop (v2sf);
	[tilespmem:s5+$0x10000] =	vst.msk vm15, v14;
	vm4 =	vge.u32 v13, v11  }
0x15f: {  	s1 =	simm.s32 @!p0 $0x2F0;
	s6 =	sadd.s32 s2, s23;
	[tilespmem:s5+$0x10C00] =	vst.msk vm15, v33;
	v13 =	vmpcnt.ones.xlane vm4;
	(v2sf) =	vpush v32, $0x0  }
0x160: {  	p0 =	slt.s32 s6, $0x5F0;
	[tilespmem:s1+$0x10600] =	vst.msk vm2, v15  }
0x161: {  	s6 =	simm.s32 @!p0 $0x5F0;
	[tilespmem:s1+$0x11200] =	vst.msk vm2, v31;
	(v2sf) =	vpush v13, $0x0  }
0x162: {  	[tilespmem:s6+$0x10600] =	vst.msk vm4, v63  }
0x163: {  	[tilespmem:s6+$0x11200] =	vst.msk vm4, v33  }
0x164: {  	v13 =	vld [tilespmem:s31+$0x10];
	_ =	sdelay $0x1  }
0x165: {  	v14 =	vld [tilespmem:s31+$0x4010]  }
0x166: {  	v15 =	vld [tilespmem:s31+$0x8010]  }
0x167: {  	v18 =	vld [tilespmem:s31+$0xC010]  }
0x168: {  	s24 =	sadd.s32 $0xFFFFBFE0, s0;
	v34 =	vshra.s32 v13, $0x1F  }
0x169: {  	v36 =	vor.u32 s24, v0;
	s9 =	sadd.s32 $0xFFFFFFE0, s0;
	v16 =	vor.u32 $0x80000000, v34;
	s26 =	spop (v2sf)  }
0x16a: {  	v43 =	vor.u32 s9, v0;
	v35 =	vshra.s32 v14, $0x1F;
	v16 =	vxor.u32 v13, v16;
	s2 =	sadd.s32 s4, s26  }
0x16b: {  	v37 =	vshra.s32 v15, $0x1F;
	v17 =	vor.u32 $0x80000000, v35;
	v16 =	vshrl.u32 v16, $0x10;
	s30 =	spop (v2sf);
	p0 =	slt.s32 s2, $0x2F0  }
0x16c: {  	v42 =	vshra.s32 v18, $0x1F;
	v17 =	vxor.u32 v14, v17;
	vm5 =	vge.u32 v16, v12;
	s5 =	sadd.s32 s5, s30;
	s2 =	simm.s32 @!p0 $0x2F0  }
0x16d: {  	v20 =	vor.u32 $0x80000000, v37;
	v38 =	vshrl.u32 v17, $0x10;
	v40 =	vmpcnt.ones.xlane vm5;
	s7 =	spop (v2sf);
	p0 =	slt.s32 s5, $0x5F0;
	[tilespmem:s2+$0x10000] =	vst.msk vm5, v13  }
0x16e: {  	v44 =	vor.u32 $0x80000000, v42;
	v39 =	vxor.u32 v15, v20;
	vm6 =	vge.u32 v38, v12;
	s4 =	sadd.s32 s1, s7;
	s5 =	simm.s32 @!p0 $0x5F0;
	[tilespmem:s2+$0x10C00] =	vst.msk vm5, v36  }
0x16f: {  	v41 =	vmpcnt.ones.xlane vm6;
	v13 =	vshrl.u32 v39, $0x10;
	(v2sf) =	vpush v40, $0x0;
	p0 =	slt.s32 s4, $0x2F0;
	s10 =	spop (v2sf);
	[tilespmem:s5+$0x10000] =	vst.msk vm6, v14  }
0x170: {  	vm7 =	vge.u32 v13, v11;
	v13 =	vxor.u32 v18, v44;
	s4 =	simm.s32 @!p0 $0x2F0;
	s1 =	sadd.s32 s6, s10;
	[tilespmem:s5+$0x10C00] =	vst.msk vm6, v43  }
0x171: {  	(v2sf) =	vpush v41, $0x0;
	v14 =	vmpcnt.ones.xlane vm7;
	v13 =	vshrl.u32 v13, $0x10;
	p0 =	slt.s32 s1, $0x5F0;
	[tilespmem:s4+$0x10600] =	vst.msk vm7, v15  }
0x172: {  	vm8 =	vge.u32 v13, v11;
	s1 =	simm.s32 @!p0 $0x5F0;
	[tilespmem:s4+$0x11200] =	vst.msk vm7, v36  }
0x173: {  	(v2sf) =	vpush v14, $0x0;
	v13 =	vmpcnt.ones.xlane vm8;
	[tilespmem:s1+$0x10600] =	vst.msk vm8, v18  }
0x174: {  	[tilespmem:s1+$0x11200] =	vst.msk vm8, v43  }
0x175: {  	(v2sf) =	vpush v13, $0x0;
	v13 =	vld [tilespmem:s31+$0x20];
	_ =	sdelay $0x1  }
0x176: {  	v14 =	vld [tilespmem:s31+$0x4020]  }
0x177: {  	v15 =	vld [tilespmem:s31+$0x8020];
	_ =	sdelay $0x1  }
0x178: {  	v45 =	vshra.s32 v13, $0x1F  }
0x179: {  	v46 =	vld [tilespmem:s31+$0xC020];
	v16 =	vor.u32 $0x80000000, v45  }
0x17a: {  	v47 =	vshra.s32 v14, $0x1F;
	v16 =	vxor.u32 v13, v16  }
0x17b: {  	v48 =	vshra.s32 v15, $0x1F;
	v18 =	vor.u32 $0x80000000, v47;
	v16 =	vshrl.u32 v16, $0x10  }
0x17c: {  	v50 =	vor.u32 $0x80000000, v48;
	s21 =	spop (v2sf);
	v49 =	vxor.u32 v14, v18;
	vm9 =	vge.u32 v16, v12  }
0x17d: {  	v18 =	vxor.u32 v15, v50;
	s2 =	sadd.s32 s2, s21;
	v16 =	vshrl.u32 v49, $0x10;
	v51 =	vmpcnt.ones.xlane vm9  }
0x17e: {  	v53 =	vshra.s32 v46, $0x1F;
	s22 =	spop (v2sf);
	v52 =	vshrl.u32 v18, $0x10;
	p0 =	slt.s32 s2, $0x2F0;
	vm10 =	vge.u32 v16, v12  }
0x17f: {  	s23 =	sadd.s32 $0xFFFFBFF0, s0;
	v18 =	vor.u32 $0x80000000, v53;
	s5 =	sadd.s32 s5, s22;
	s2 =	simm.s32 @!p0 $0x2F0;
	v54 =	vmpcnt.ones.xlane vm10;
	(v2sf) =	vpush v51, $0x0  }
0x180: {  	v55 =	vor.u32 s23, v0;
	vm11 =	vge.u32 v52, v11;
	p0 =	slt.s32 s5, $0x5F0;
	[tilespmem:s2+$0x10000] =	vst.msk vm9, v13;
	s24 =	spop (v2sf);
	v13 =	vxor.u32 v46, v18  }
0x181: {  	s26 =	sadd.s32 $0xFFFFFFF0, s0;
	v16 =	vmpcnt.ones.xlane vm11;
	s5 =	simm.s32 @!p0 $0x5F0;
	s4 =	sadd.s32 s4, s24;
	[tilespmem:s2+$0x10C00] =	vst.msk vm9, v55;
	v13 =	vshrl.u32 v13, $0x10;
	(v2sf) =	vpush v54, $0x0  }
0x182: {  	v56 =	vor.u32 s26, v0;
	p0 =	slt.s32 s4, $0x2F0;
	[tilespmem:s5+$0x10000] =	vst.msk vm10, v14;
	s30 =	spop (v2sf);
	vm12 =	vge.u32 v13, v11  }
0x183: {  	s4 =	simm.s32 @!p0 $0x2F0;
	[tilespmem:s5+$0x10C00] =	vst.msk vm10, v56;
	s1 =	sadd.s32 s1, s30;
	(v2sf) =	vpush v16, $0x0;
	v13 =	vmpcnt.ones.xlane vm12  }
0x184: {  	[tilespmem:s4+$0x10600] =	vst.msk vm11, v15;
	p0 =	slt.s32 s1, $0x5F0  }
0x185: {  	[tilespmem:s4+$0x11200] =	vst.msk vm11, v55;
	s1 =	simm.s32 @!p0 $0x5F0;
	(v2sf) =	vpush v13, $0x0  }
0x186: {  	[tilespmem:s1+$0x10600] =	vst.msk vm12, v46  }
0x187: {  	[tilespmem:s1+$0x11200] =	vst.msk vm12, v56  }
0x188: {  	v13 =	vld [tilespmem:s31+$0x30];
	_ =	sdelay $0x1  }
0x189: {  	v14 =	vld [tilespmem:s31+$0x4030];
	_ =	sdelay $0x1  }
0x18a: {  	v15 =	vld [tilespmem:s31+$0x8030]  }
0x18b: {  	v57 =	vshra.s32 v13, $0x1F  }
0x18c: {  	v17 =	vld [tilespmem:s31+$0xC030];
	v16 =	vor.u32 $0x80000000, v57;
	s31 =	spop (v2sf)  }
0x18d: {  	v58 =	vshra.s32 v14, $0x1F;
	v16 =	vxor.u32 v13, v16;
	s2 =	sadd.s32 s2, s31  }
0x18e: {  	v18 =	vor.u32 $0x80000000, v58;
	v16 =	vshrl.u32 v16, $0x10;
	s7 =	spop (v2sf);
	p0 =	slt.s32 s2, $0x2F0  }
0x18f: {  	s9 =	sadd.s32 $0xFFFFC000, s0;
	v59 =	vshra.s32 v15, $0x1F;
	v60 =	vxor.u32 v14, v18;
	vm13 =	vge.u32 v16, v12;
	s5 =	sadd.s32 s5, s7;
	s2 =	simm.s32 @!p0 $0x2F0  }
0x190: {  	v62 =	vor.u32 s9, v0;
	v61 =	vor.u32 $0x80000000, v59;
	v16 =	vshrl.u32 v60, $0x10;
	s10 =	spop (v2sf);
	p0 =	slt.s32 s5, $0x5F0;
	[tilespmem:s2+$0x10000] =	vst.msk vm13, v13  }
0x191: {  	vm14 =	vge.u32 v16, v12;
	v12 =	vshra.s32 v17, $0x1F;
	s4 =	sadd.s32 s4, s10;
	v13 =	vxor.u32 v15, v61;
	s5 =	simm.s32 @!p0 $0x5F0;
	[tilespmem:s2+$0x10C00] =	vst.msk vm13, v62  }
0x192: {  	v63 =	vor.u32 s0, v0;
	v12 =	vor.u32 $0x80000000, v12;
	p0 =	slt.s32 s4, $0x2F0;
	s21 =	spop (v2sf);
	v13 =	vshrl.u32 v13, $0x10;
	[tilespmem:s5+$0x10000] =	vst.msk vm14, v14  }
0x193: {  	v12 =	vxor.u32 v17, v12;
	s4 =	simm.s32 @!p0 $0x2F0;
	s1 =	sadd.s32 s1, s21;
	vm15 =	vge.u32 v13, v11;
	[tilespmem:s5+$0x10C00] =	vst.msk vm14, v63  }
0x194: {  	v12 =	vshrl.u32 v12, $0x10;
	p0 =	slt.s32 s1, $0x5F0;
	[tilespmem:s4+$0x10600] =	vst.msk vm15, v15  }
0x195: {  	vm3 =	vge.u32 v12, v11;
	s1 =	simm.s32 @!p0 $0x5F0;
	[tilespmem:s4+$0x11200] =	vst.msk vm15, v62  }
0x196: {  	[tilespmem:s1+$0x10600] =	vst.msk vm3, v17  }
0x197: {  	s0 =	simm.s32 $0x10020;
	[tilespmem:s1+$0x11200] =	vst.msk vm3, v63  }
0x198: {  	s4 =	simm.s32 $0x10620;
	v11 =	vld [tilespmem:s0+$0xFFFFFFE0]  }
0x199: {  	v12 =	vld [tilespmem:s4+$0xFFFFFFE0];
	_ =	sdelay $0x3  }
0x19a: {  	(xrf0) =	vmax.scan.msk.f32 $0xffff, v11  }
0x19b: {  	v11 =	vmov s29;
	(xrf0) =	vmax.scan.msk.f32 $0xffff, v12  }
0x19c: {  	v11 =	vand.u32 $0xFFFFFFFC, v11  }
0x19d: {  	v11 =	vbroadcast v11, $0x0;
	_ =	sdelay $0x2  }
0x19e: {  	v12, _, _ =	vpop (xrf0)  }
0x19f: {  	v12 =	vbroadcast v12, $0xF;
	v13, _, _ =	vpop (xrf0)  }
0x1a0: {  	v13 =	vbroadcast v13, $0xF  }
0x1a1: {  	[tilespmem:v11+s13+$0x0] =	vst.idx.msk $0x1, v12  }
0x1a2: {  	[tilespmem:v11+s14+$0x0] =	vst.idx.msk $0x1, v13  }
0x1a3: {  	v11 =	vld [tilespmem:s0+$0xFFFFFFF0]  }
0x1a4: {  	v12 =	vld [tilespmem:s4+$0xFFFFFFF0];
	_ =	sdelay $0x3  }
0x1a5: {  	s22 =	simm.s32 $0x1;
	(xrf0) =	vmax.scan.msk.f32 $0xffff, v11  }
0x1a6: {  	v11 =	vmov s22;
	(xrf0) =	vmax.scan.msk.f32 $0xffff, v12  }
0x1a7: {  	v11 =	vand.u32 $0xFFFFFFFD, v11  }
0x1a8: {  	v11 =	vbroadcast v11, $0x0;
	_ =	sdelay $0x2  }
0x1a9: {  	v12, _, _ =	vpop (xrf0)  }
0x1aa: {  	v12 =	vbroadcast v12, $0xF;
	v13, _, _ =	vpop (xrf0)  }
0x1ab: {  	v13 =	vbroadcast v13, $0xF  }
0x1ac: {  	[tilespmem:v11+s13+$0x0] =	vst.idx.msk $0x1, v12  }
0x1ad: {  	[tilespmem:v11+s14+$0x0] =	vst.idx.msk $0x1, v13  }
0x1ae: {  	v11 =	vld [tilespmem:s0+$0x0]  }
0x1af: {  	v12 =	vld [tilespmem:s4+$0x0];
	_ =	sdelay $0x3  }
0x1b0: {  	s23 =	simm.s32 $0x2;
	(xrf0) =	vmax.scan.msk.f32 $0xffff, v11  }
0x1b1: {  	v11 =	vmov s23;
	(xrf0) =	vmax.scan.msk.f32 $0xffff, v12  }
0x1b2: {  	v11 =	vand.u32 $0xFFFFFFFE, v11  }
0x1b3: {  	v11 =	vbroadcast v11, $0x0  }
0x1b4: {  	v12 =	vmpcnt.ones.xlane vm13  }
0x1b5: {  	v13 =	vmpcnt.ones.xlane vm14  }
0x1b6: {  	(v2sf) =	vpush v12, $0x0;
	v12 =	vmpcnt.ones.xlane vm15;
	v14, _, _ =	vpop (xrf0)  }
0x1b7: {  	(v2sf) =	vpush v13, $0x0;
	v14 =	vbroadcast v14, $0xF;
	v15, _, _ =	vpop (xrf0)  }
0x1b8: {  	v13 =	vmpcnt.ones.xlane vm3;
	(v2sf) =	vpush v12, $0x0;
	v12 =	vbroadcast v15, $0xF  }
0x1b9: {  	[tilespmem:v11+s13+$0x0] =	vst.idx.msk $0x1, v14  }
0x1ba: {  	(v2sf) =	vpush v13, $0x0;
	[tilespmem:v11+s14+$0x0] =	vst.idx.msk $0x1, v12  }
0x1bb: {  	v11 =	vld [tilespmem:s0+$0x10]  }
0x1bc: {  	v12 =	vld [tilespmem:s4+$0x10];
	_ =	sdelay $0x3  }
0x1bd: {  	(xrf0) =	vmax.scan.msk.f32 $0xffff, v11  }
0x1be: {  	(xrf0) =	vmax.scan.msk.f32 $0xffff, v12;
	_ =	sdelay $0x1  }
0x1bf: {  	s24 =	simm.s32 $0x3  }
0x1c0: {  	v11 =	vmov s24;
	_ =	sdelay $0x1  }
0x1c1: {  	s26 =	spop (v2sf);
	v12, _, _ =	vpop (xrf0)  }
0x1c2: {  	s29 =	spop (v2sf);
	v13 =	vbroadcast v12, $0xF;
	v12, _, _ =	vpop (xrf0)  }
0x1c3: {  	s7 =	simm.s32 $0x8040;
	s30 =	spop (v2sf);
	v12 =	vbroadcast v12, $0xF  }
0x1c4: {  	s2 =	simm.s32 $0x4;
	s1 =	simm.s32 $0x40;
	s31 =	spop (v2sf);
	[tilespmem:v11+s13+$0x0] =	vst.idx.msk $0x1, v13  }
.LBB2_12:
0x1c5: {  	p1 =	slt.u32 s2, $0x5C;
	[tilespmem:v11+s14+$0x0] =	vst.idx.msk $0x1, v12;
	s4 =	sadd.s32 $0x40, s4;
	s0 =	sadd.s32 $0x40, s0  }
0x1c6: {  	s6 =	smov.u32 s2;
	s2 =	sadd.s32 $0x4, s2;
	v11 =	vld [tilespmem:s0+$0xFFFFFFE0]  }
0x1c7: {  	v12 =	vld [tilespmem:s4+$0xFFFFFFE0];
	_ =	sdelay $0x3  }
0x1c8: {  	(xrf0) =	vmax.scan.msk.f32 $0xffff, v11  }
0x1c9: {  	v11 =	vmov s6;
	(xrf0) =	vmax.scan.msk.f32 $0xffff, v12  }
0x1ca: {  	v11 =	vand.u32 $0xFFFFFFFC, v11  }
0x1cb: {  	v11 =	vbroadcast v11, $0x0;
	_ =	sdelay $0x2  }
0x1cc: {  	v12, _, _ =	vpop (xrf0)  }
0x1cd: {  	v12 =	vbroadcast v12, $0xF;
	v13, _, _ =	vpop (xrf0)  }
0x1ce: {  	v13 =	vbroadcast v13, $0xF  }
0x1cf: {  	[tilespmem:v11+s13+$0x0] =	vst.idx.msk $0x1, v12  }
0x1d0: {  	[tilespmem:v11+s14+$0x0] =	vst.idx.msk $0x1, v13  }
0x1d1: {  	v11 =	vld [tilespmem:s0+$0xFFFFFFF0]  }
0x1d2: {  	v12 =	vld [tilespmem:s4+$0xFFFFFFF0];
	_ =	sdelay $0x3  }
0x1d3: {  	s5 =	sadd.s32 $0x1, s6;
	(xrf0) =	vmax.scan.msk.f32 $0xffff, v11  }
0x1d4: {  	v11 =	vmov s5;
	(xrf0) =	vmax.scan.msk.f32 $0xffff, v12  }
0x1d5: {  	v11 =	vand.u32 $0xFFFFFFFD, v11  }
0x1d6: {  	v11 =	vbroadcast v11, $0x0;
	_ =	sdelay $0x2  }
0x1d7: {  	v12, _, _ =	vpop (xrf0)  }
0x1d8: {  	v12 =	vbroadcast v12, $0xF;
	v13, _, _ =	vpop (xrf0)  }
0x1d9: {  	v13 =	vbroadcast v13, $0xF  }
0x1da: {  	[tilespmem:v11+s13+$0x0] =	vst.idx.msk $0x1, v12  }
0x1db: {  	[tilespmem:v11+s14+$0x0] =	vst.idx.msk $0x1, v13  }
0x1dc: {  	v11 =	vld [tilespmem:s0+$0x0]  }
0x1dd: {  	v12 =	vld [tilespmem:s4+$0x0];
	_ =	sdelay $0x3  }
0x1de: {  	s5 =	sadd.s32 $0x2, s6;
	(xrf0) =	vmax.scan.msk.f32 $0xffff, v11  }
0x1df: {  	v11 =	vmov s5;
	(xrf0) =	vmax.scan.msk.f32 $0xffff, v12  }
0x1e0: {  	v11 =	vand.u32 $0xFFFFFFFE, v11  }
0x1e1: {  	v11 =	vbroadcast v11, $0x0;
	_ =	sdelay $0x2  }
0x1e2: {  	v12, _, _ =	vpop (xrf0)  }
0x1e3: {  	v12 =	vbroadcast v12, $0xF;
	v13, _, _ =	vpop (xrf0)  }
0x1e4: {  	v13 =	vbroadcast v13, $0xF  }
0x1e5: {  	[tilespmem:v11+s13+$0x0] =	vst.idx.msk $0x1, v12  }
0x1e6: {  	[tilespmem:v11+s14+$0x0] =	vst.idx.msk $0x1, v13  }
0x1e7: {  	v11 =	vld [tilespmem:s0+$0x10]  }
0x1e8: {  	v12 =	vld [tilespmem:s4+$0x10];
	_ =	sdelay $0x3  }
0x1e9: {  	(xrf0) =	vmax.scan.msk.f32 $0xffff, v11  }
0x1ea: {  	(xrf0) =	vmax.scan.msk.f32 $0xffff, v12;
	_ =	sdelay $0x1  }
0x1eb: {  	s5 =	sadd.s32 $0x3, s6  }
0x1ec: {  	v11 =	vmov s5  }
.Ltmp5:
0x1ed: {  	(pc) =	sbr.rel @p1 .LBB2_12-.Ltmp5, $4  }
0x1ee: {  	v12, _, _ =	vpop (xrf0)  }
0x1ef: {  	v13 =	vbroadcast v12, $0xF;
	v12, _, _ =	vpop (xrf0)  }
0x1f0: {  	v12 =	vbroadcast v12, $0xF  }
0x1f1: {  	[tilespmem:v11+s13+$0x0] =	vst.idx.msk $0x1, v13  }
0x1f2: {  	_ =	sdelay $0x3  }
0x1f3: {  	[tilespmem:v11+s14+$0x0] =	vst.idx.msk $0x1, v12  }
0x1f4: {  	[tilespmem:s1+$0xFFFFFFC0] =	vst v6  }
0x1f5: {  	[tilespmem:s7+$0xFFFFFFC0] =	vst v6  }
0x1f6: {  	[tilespmem:s1+$0xFFFFFFD0] =	vst v6  }
0x1f7: {  	[tilespmem:s7+$0xFFFFFFD0] =	vst v6  }
0x1f8: {  	[tilespmem:s1+$0xFFFFFFE0] =	vst v6  }
0x1f9: {  	[tilespmem:s7+$0xFFFFFFE0] =	vst v6  }
0x1fa: {  	[tilespmem:s1+$0xFFFFFFF0] =	vst v6  }
0x1fb: {  	[tilespmem:s7+$0xFFFFFFF0] =	vst v6  }
0x1fc: {  	[tilespmem:s1+$0x0] =	vst v6  }
0x1fd: {  	[tilespmem:s7+$0x0] =	vst v6  }
0x1fe: {  	[tilespmem:s1+$0x10] =	vst v6  }
0x1ff: {  	[tilespmem:s7+$0x10] =	vst v6  }
0x200: {  	[tilespmem:s1+$0x20] =	vst v6  }
0x201: {  	[tilespmem:s7+$0x20] =	vst v6  }
0x202: {  	[tilespmem:s1+$0x30] =	vst v6  }
0x203: {  	s2 =	simm.s32 $0xC0;
	s1 =	simm.s32 $0x0;
	[tilespmem:s7+$0x30] =	vst v6  }
.LBB2_14:
0x204: {  	[tilespmem:s2+$0xFFFFFFC0] =	vst v6;
	s7 =	sadd.s32 $0x80, s7  }
0x205: {  	[tilespmem:s7+$0xFFFFFFC0] =	vst v6  }
0x206: {  	[tilespmem:s2+$0xFFFFFFD0] =	vst v6  }
0x207: {  	[tilespmem:s7+$0xFFFFFFD0] =	vst v6  }
0x208: {  	[tilespmem:s2+$0xFFFFFFE0] =	vst v6  }
0x209: {  	[tilespmem:s7+$0xFFFFFFE0] =	vst v6  }
0x20a: {  	[tilespmem:s2+$0xFFFFFFF0] =	vst v6  }
0x20b: {  	[tilespmem:s7+$0xFFFFFFF0] =	vst v6  }
0x20c: {  	[tilespmem:s2+$0x0] =	vst v6  }
0x20d: {  	s1 =	sadd.s32 $0x8, s1;
	[tilespmem:s7+$0x0] =	vst v6  }
0x20e: {  	p0 =	slt.u32 s1, $0x7F8;
	[tilespmem:s2+$0x10] =	vst v6  }
.Ltmp6:
0x20f: {  	[tilespmem:s7+$0x10] =	vst v6;
	(pc) =	sbr.rel @p0 .LBB2_14-.Ltmp6, $4  }
0x210: {  	[tilespmem:s2+$0x20] =	vst v6  }
0x211: {  	[tilespmem:s7+$0x20] =	vst v6  }
0x212: {  	[tilespmem:s2+$0x30] =	vst v6  }
0x213: {  	s0 =	simm.s32 $0x0;
	s2 =	sadd.s32 $0x80, s2;
	[tilespmem:s7+$0x30] =	vst v6  }
0x214: {  	v11 =	vld [tilespmem:$0x19800]  }
0x215: {  	v12 =	vld [tilespmem:$0x19810]  }
0x216: {  	v13 =	vld [tilespmem:$0x19820]  }
0x217: {  	v14 =	vld [tilespmem:$0x19830]  }
0x218: {  	v15 =	vld [tilespmem:$0x19840]  }
0x219: {  	v16 =	vld [tilespmem:$0x19850]  }
0x21a: {  	v17 =	vmax.f32 v11, v12  }
0x21b: {  	v17 =	vmax.f32 v17, v13  }
0x21c: {  	v17 =	vmax.f32 v17, v14  }
0x21d: {  	v17 =	vmax.f32 v17, v15  }
0x21e: {  	v17 =	vmax.f32 v17, v16  }
0x21f: {  	(xrf0) =	vmax.scan.msk.f32 $0xffff, v17;
	_ =	sdelay $0x5  }
0x220: {  	v17, _, _ =	vpop (xrf0)  }
0x221: {  	v17 =	vbroadcast v17, $0xF;
	_ =	sdelay $0x1  }
0x222: {  	vm0 =	veq.f32 v16, v17  }
0x223: {  	vm1 =	veq.f32 v15, v17;
	v15 =	vnsel vm0, $0xC0000000, v1  }
0x224: {  	vm14 =	veq.f32 v14, v17;
	v14 =	vsel vm1, v4, v15  }
0x225: {  	vm15 =	veq.f32 v13, v17;
	v13 =	vsel vm14, v7, v14  }
0x226: {  	vm4 =	veq.f32 v12, v17;
	v12 =	vsel vm15, v8, v13  }
0x227: {  	vm5 =	veq.f32 v11, v17;
	v11 =	vor.u32 $0x80000000, v0;
	v12 =	vsel vm4, v9, v12  }
0x228: {  	v12 =	vsel vm5, v11, v12  }
0x229: {  	(xrf0) =	vmin.scan.msk.u32 $0xffff, v12;
	_ =	sdelay $0x5  }
0x22a: {  	v12, _, _ =	vpop (xrf0)  }
0x22b: {  	(v2sf) =	vpush v12, $0xF;
	_ =	sdelay $0xe  }
0x22c: {  	s1 =	spop (v2sf)  }
0x22d: {  	s2 =	sshll.u32 s1, $0x4  }
0x22e: {  	v12 =	vld [tilespmem:s2+$0x10000];
	_ =	sdelay $0x4  }
0x22f: {  	v13 =	vxor.u32 s2, v11;
	vm6 =	veq.f32 v12, v17  }
0x230: {  	v13 =	vnsel vm6, $0xC0000000, v13  }
0x231: {  	(xrf0) =	vmin.scan.msk.u32 $0xffff, v13;
	_ =	sdelay $0x5  }
0x232: {  	v13, _, _ =	vpop (xrf0)  }
0x233: {  	(v2sf) =	vpush v13, $0xF;
	_ =	sdelay $0xe  }
0x234: {  	s4 =	spop (v2sf)  }
0x235: {  	s4 =	sxor.u32 $0x80000000, s4  }
0x236: {  	s2 =	ssub.s32 s4, s2  }
0x237: {  	v13 =	vmov s4;
	v14 =	vmov s2  }
0x238: {  	vm7 =	veq.s32 v14, v0  }
0x239: {  	v12 =	vsel vm7, $0xFF800000, v12  }
0x23a: {  	(xrf0) =	vmax.scan.msk.f32 $0xffff, v12;
	_ =	sdelay $0x1  }
0x23b: {  	v12 =	vmov s0;
	v14 =	vld.idx.msk [tilespmem:v13+s15+$0x0], $0xffff  }
0x23c: {  	s24 =	sxor.u32 $0x80000000, s1  }
0x23d: {  	v15 =	vmov s24;
	_ =	sdelay $0x1  }
0x23e: {  	v16, _, _ =	vpop (xrf0)  }
0x23f: {  	[tilespmem:v12+s16+$0x0] =	vst.idx.msk $0x1, v14;
	v14 =	vbroadcast v16, $0xF  }
0x240: {  	[tilespmem:v13+s17+$0x0] =	vst.idx.msk $0x1, v5  }
0x241: {  	[tilespmem:v15+s13+$0x0] =	vst.idx.msk $0x1, v14  }
0x242: {  	v13 =	vld [tilespmem:$0x19880]  }
0x243: {  	v14 =	vld [tilespmem:$0x19890]  }
0x244: {  	v15 =	vld [tilespmem:$0x198A0]  }
0x245: {  	v16 =	vld [tilespmem:$0x198B0]  }
0x246: {  	v17 =	vld [tilespmem:$0x198C0]  }
0x247: {  	v18 =	vld [tilespmem:$0x198D0]  }
0x248: {  	v19 =	vmax.f32 v13, v14  }
0x249: {  	v19 =	vmax.f32 v19, v15  }
0x24a: {  	v19 =	vmax.f32 v19, v16  }
0x24b: {  	v19 =	vmax.f32 v19, v17  }
0x24c: {  	v19 =	vmax.f32 v19, v18  }
0x24d: {  	(xrf0) =	vmax.scan.msk.f32 $0xffff, v19;
	_ =	sdelay $0x5  }
0x24e: {  	v19, _, _ =	vpop (xrf0)  }
0x24f: {  	v19 =	vbroadcast v19, $0xF;
	_ =	sdelay $0x1  }
0x250: {  	vm8 =	veq.f32 v18, v19  }
0x251: {  	vm9 =	veq.f32 v17, v19;
	v17 =	vnsel vm8, $0xC0000000, v1  }
0x252: {  	vm10 =	veq.f32 v16, v19;
	v16 =	vsel vm9, v4, v17  }
0x253: {  	vm11 =	veq.f32 v15, v19;
	v15 =	vsel vm10, v7, v16  }
0x254: {  	vm12 =	veq.f32 v14, v19;
	v14 =	vsel vm11, v8, v15  }
0x255: {  	vm13 =	veq.f32 v13, v19;
	v13 =	vsel vm12, v9, v14  }
0x256: {  	v13 =	vsel vm13, v11, v13  }
0x257: {  	(xrf0) =	vmin.scan.msk.u32 $0xffff, v13;
	_ =	sdelay $0x5  }
0x258: {  	v13, _, _ =	vpop (xrf0)  }
0x259: {  	(v2sf) =	vpush v13, $0xF;
	_ =	sdelay $0xe  }
0x25a: {  	s26 =	spop (v2sf)  }
0x25b: {  	s29 =	sshll.u32 s26, $0x4  }
0x25c: {  	v13 =	vld [tilespmem:s29+$0x10600];
	_ =	sdelay $0x4  }
0x25d: {  	v14 =	vxor.u32 s29, v11;
	vm14 =	veq.f32 v13, v19  }
0x25e: {  	v14 =	vnsel vm14, $0xC0000000, v14  }
0x25f: {  	(xrf0) =	vmin.scan.msk.u32 $0xffff, v14;
	_ =	sdelay $0x5  }
0x260: {  	v14, _, _ =	vpop (xrf0)  }
0x261: {  	(v2sf) =	vpush v14, $0xF;
	_ =	sdelay $0xe  }
0x262: {  	s30 =	spop (v2sf)  }
0x263: {  	s2 =	sxor.u32 $0x80000000, s30  }
0x264: {  	s1 =	ssub.s32 s2, s29  }
0x265: {  	v14 =	vmov s1  }
0x266: {  	vm15 =	veq.s32 v14, v0  }
0x267: {  	v13 =	vsel vm15, $0xFF800000, v13  }
0x268: {  	(xrf0) =	vmax.scan.msk.f32 $0xffff, v13;
	v13 =	vmov s2;
	_ =	sdelay $0x4  }
0x269: {  	v15 =	vld.idx.msk [tilespmem:v13+s18+$0x0], $0xffff  }
0x26a: {  	s31 =	sxor.u32 $0x80000000, s26  }
0x26b: {  	v14 =	vmov s31;
	_ =	sdelay $0x1  }
0x26c: {  	s0 =	simm.s32 $0x1;
	v16, _, _ =	vpop (xrf0)  }
.LBB2_16:
0x26d: {  	p1 =	sne.s32 s0, $0xFF;
	[tilespmem:v12+s19+$0x0] =	vst.idx.msk $0x1, v15;
	v12 =	vbroadcast v16, $0xF;
	s1 =	smov.u32 s0;
	s0 =	sadd.s32 $0x1, s0  }
0x26e: {  	[tilespmem:v13+s20+$0x0] =	vst.idx.msk $0x1, v5  }
0x26f: {  	[tilespmem:v14+s14+$0x0] =	vst.idx.msk $0x1, v12  }
0x270: {  	v12 =	vld [tilespmem:$0x19800]  }
0x271: {  	v13 =	vld [tilespmem:$0x19810]  }
0x272: {  	v14 =	vld [tilespmem:$0x19820]  }
0x273: {  	v15 =	vld [tilespmem:$0x19830]  }
0x274: {  	v16 =	vld [tilespmem:$0x19840]  }
0x275: {  	v17 =	vld [tilespmem:$0x19850]  }
0x276: {  	v18 =	vmax.f32 v12, v13  }
0x277: {  	v18 =	vmax.f32 v18, v14  }
0x278: {  	v18 =	vmax.f32 v18, v15  }
0x279: {  	v18 =	vmax.f32 v18, v16  }
0x27a: {  	v18 =	vmax.f32 v18, v17  }
0x27b: {  	(xrf0) =	vmax.scan.msk.f32 $0xffff, v18;
	_ =	sdelay $0x5  }
0x27c: {  	v18, _, _ =	vpop (xrf0)  }
0x27d: {  	v18 =	vbroadcast v18, $0xF;
	_ =	sdelay $0x1  }
0x27e: {  	vm0 =	veq.f32 v13, v18;
	vm1 =	veq.f32 v14, v18;
	vm2 =	veq.f32 v17, v18  }
0x27f: {  	vm3 =	veq.f32 v12, v18;
	vm4 =	veq.f32 v16, v18;
	v12 =	vnsel vm2, $0xC0000000, v1  }
0x280: {  	vm2 =	veq.f32 v15, v18;
	v12 =	vsel vm4, v4, v12  }
0x281: {  	v12 =	vsel vm2, v7, v12  }
0x282: {  	v12 =	vsel vm1, v8, v12  }
0x283: {  	v12 =	vsel vm0, v9, v12  }
0x284: {  	v12 =	vsel vm3, v11, v12  }
0x285: {  	(xrf0) =	vmin.scan.msk.u32 $0xffff, v12;
	_ =	sdelay $0x5  }
0x286: {  	v12, _, _ =	vpop (xrf0)  }
0x287: {  	(v2sf) =	vpush v12, $0xF;
	_ =	sdelay $0xe  }
0x288: {  	s2 =	spop (v2sf)  }
0x289: {  	s4 =	sxor.u32 $0x80000000, s2;
	s2 =	sshll.u32 s2, $0x4  }
0x28a: {  	v12 =	vld [tilespmem:s2+$0x10000];
	_ =	sdelay $0x4  }
0x28b: {  	v13 =	vxor.u32 s2, v11;
	vm0 =	veq.f32 v12, v18  }
0x28c: {  	v13 =	vnsel vm0, $0xC0000000, v13  }
0x28d: {  	(xrf0) =	vmin.scan.msk.u32 $0xffff, v13;
	_ =	sdelay $0x5  }
0x28e: {  	v13, _, _ =	vpop (xrf0)  }
0x28f: {  	(v2sf) =	vpush v13, $0xF;
	_ =	sdelay $0xe  }
0x290: {  	s5 =	spop (v2sf)  }
0x291: {  	s5 =	sxor.u32 $0x80000000, s5  }
0x292: {  	v13 =	vmov s5;
	s2 =	ssub.s32 s5, s2  }
0x293: {  	v14 =	vmov s2  }
0x294: {  	vm0 =	veq.s32 v14, v0  }
0x295: {  	v12 =	vsel vm0, $0xFF800000, v12  }
0x296: {  	(xrf0) =	vmax.scan.msk.f32 $0xffff, v12  }
0x297: {  	v14 =	vld.idx.msk [tilespmem:v13+s15+$0x0], $0xffff  }
0x298: {  	v12 =	vmov s1;
	_ =	sdelay $0x1  }
0x299: {  	v15 =	vmov s4;
	_ =	sdelay $0x1  }
0x29a: {  	v16, _, _ =	vpop (xrf0)  }
0x29b: {  	[tilespmem:v12+s16+$0x0] =	vst.idx.msk $0x1, v14;
	v14 =	vbroadcast v16, $0xF  }
0x29c: {  	[tilespmem:v13+s17+$0x0] =	vst.idx.msk $0x1, v5  }
0x29d: {  	[tilespmem:v15+s13+$0x0] =	vst.idx.msk $0x1, v14  }
0x29e: {  	v13 =	vld [tilespmem:$0x198A0]  }
0x29f: {  	v14 =	vld [tilespmem:$0x19880]  }
0x2a0: {  	v15 =	vld [tilespmem:$0x19890]  }
0x2a1: {  	v16 =	vld [tilespmem:$0x198B0]  }
0x2a2: {  	v17 =	vld [tilespmem:$0x198C0]  }
0x2a3: {  	v18 =	vld [tilespmem:$0x198D0];
	_ =	sdelay $0x1  }
0x2a4: {  	v19 =	vmax.f32 v14, v15  }
0x2a5: {  	v19 =	vmax.f32 v19, v13  }
0x2a6: {  	v19 =	vmax.f32 v19, v16  }
0x2a7: {  	v19 =	vmax.f32 v19, v17  }
0x2a8: {  	v19 =	vmax.f32 v19, v18  }
0x2a9: {  	(xrf0) =	vmax.scan.msk.f32 $0xffff, v19;
	_ =	sdelay $0x5  }
0x2aa: {  	v19, _, _ =	vpop (xrf0)  }
0x2ab: {  	v19 =	vbroadcast v19, $0xF;
	_ =	sdelay $0x1  }
0x2ac: {  	vm0 =	veq.f32 v13, v19;
	vm1 =	veq.f32 v17, v19;
	vm2 =	veq.f32 v18, v19  }
0x2ad: {  	vm3 =	veq.f32 v15, v19;
	vm4 =	veq.f32 v16, v19;
	v13 =	vnsel vm2, $0xC0000000, v1  }
0x2ae: {  	vm2 =	veq.f32 v14, v19;
	v13 =	vsel vm1, v4, v13  }
0x2af: {  	v13 =	vsel vm4, v7, v13  }
0x2b0: {  	v13 =	vsel vm0, v8, v13  }
0x2b1: {  	v13 =	vsel vm3, v9, v13  }
0x2b2: {  	v13 =	vsel vm2, v11, v13  }
0x2b3: {  	(xrf0) =	vmin.scan.msk.u32 $0xffff, v13;
	_ =	sdelay $0x5  }
0x2b4: {  	v13, _, _ =	vpop (xrf0)  }
0x2b5: {  	(v2sf) =	vpush v13, $0xF;
	_ =	sdelay $0xe  }
0x2b6: {  	s1 =	spop (v2sf)  }
0x2b7: {  	s2 =	sxor.u32 $0x80000000, s1;
	s1 =	sshll.u32 s1, $0x4  }
0x2b8: {  	v14 =	vld [tilespmem:s1+$0x10600];
	_ =	sdelay $0x3  }
0x2b9: {  	v13 =	vxor.u32 s1, v11  }
0x2ba: {  	vm0 =	veq.f32 v14, v19  }
0x2bb: {  	v13 =	vnsel vm0, $0xC0000000, v13  }
0x2bc: {  	(xrf0) =	vmin.scan.msk.u32 $0xffff, v13;
	_ =	sdelay $0x5  }
0x2bd: {  	v13, _, _ =	vpop (xrf0)  }
0x2be: {  	(v2sf) =	vpush v13, $0xF;
	_ =	sdelay $0xe  }
0x2bf: {  	s4 =	spop (v2sf)  }
0x2c0: {  	s4 =	sxor.u32 $0x80000000, s4  }
0x2c1: {  	v13 =	vmov s4;
	s1 =	ssub.s32 s4, s1  }
0x2c2: {  	v15 =	vmov s1  }
0x2c3: {  	vm0 =	veq.s32 v15, v0  }
0x2c4: {  	v14 =	vsel vm0, $0xFF800000, v14  }
0x2c5: {  	(xrf0) =	vmax.scan.msk.f32 $0xffff, v14  }
0x2c6: {  	v15 =	vld.idx.msk [tilespmem:v13+s18+$0x0], $0xffff  }
.Ltmp7:
0x2c7: {  	(pc) =	sbr.rel @p1 .LBB2_16-.Ltmp7, $2  }
0x2c8: {  	v14 =	vmov s2;
	_ =	sdelay $0x2  }
0x2c9: {  	v16, _, _ =	vpop (xrf0)  }
0x2ca: {  	_ =	sdelay $0x3  }
0x2cb: {  	[tilespmem:v12+s19+$0x0] =	vst.idx.msk $0x1, v15;
	v11 =	vbroadcast v16, $0xF  }
0x2cc: {  	[tilespmem:v13+s20+$0x0] =	vst.idx.msk $0x1, v5  }
0x2cd: {  	[tilespmem:v14+s14+$0x0] =	vst.idx.msk $0x1, v11  }
0x2ce: {  	v11 =	vld [tilespmem:$0x19900];
	_ =	sdelay $0x7  }
0x2cf: {  	[tilespmem:v11+s3+$0x0] =	vst.idx.msk $0xffff, v10  }
0x2d0: {  	v11 =	vld [tilespmem:$0x19A00];
	_ =	sdelay $0x7  }
0x2d1: {  	[tilespmem:v11+s8+$0x0] =	vst.idx.msk $0xffff, v10  }
0x2d2: {  	v11 =	vld [tilespmem:$0x19910];
	_ =	sdelay $0x7  }
0x2d3: {  	[tilespmem:v11+s3+$0x0] =	vst.idx.msk $0xffff, v10  }
0x2d4: {  	v11 =	vld [tilespmem:$0x19A10];
	_ =	sdelay $0x7  }
0x2d5: {  	[tilespmem:v11+s8+$0x0] =	vst.idx.msk $0xffff, v10  }
0x2d6: {  	v11 =	vld [tilespmem:$0x19920];
	_ =	sdelay $0x7  }
0x2d7: {  	[tilespmem:v11+s3+$0x0] =	vst.idx.msk $0xffff, v10  }
0x2d8: {  	v11 =	vld [tilespmem:$0x19A20];
	_ =	sdelay $0x7  }
0x2d9: {  	[tilespmem:v11+s8+$0x0] =	vst.idx.msk $0xffff, v10  }
0x2da: {  	v11 =	vld [tilespmem:$0x19930];
	_ =	sdelay $0x7  }
0x2db: {  	[tilespmem:v11+s3+$0x0] =	vst.idx.msk $0xffff, v10  }
0x2dc: {  	v11 =	vld [tilespmem:$0x19A30];
	_ =	sdelay $0x7  }
0x2dd: {  	[tilespmem:v11+s8+$0x0] =	vst.idx.msk $0xffff, v10  }
0x2de: {  	v11 =	vld [tilespmem:$0x19940];
	_ =	sdelay $0x7  }
0x2df: {  	[tilespmem:v11+s3+$0x0] =	vst.idx.msk $0xffff, v10  }
0x2e0: {  	v11 =	vld [tilespmem:$0x19A40];
	_ =	sdelay $0x7  }
0x2e1: {  	[tilespmem:v11+s8+$0x0] =	vst.idx.msk $0xffff, v10  }
0x2e2: {  	v11 =	vld [tilespmem:$0x19950];
	_ =	sdelay $0x7  }
0x2e3: {  	[tilespmem:v11+s3+$0x0] =	vst.idx.msk $0xffff, v10  }
0x2e4: {  	v11 =	vld [tilespmem:$0x19A50];
	_ =	sdelay $0x7  }
0x2e5: {  	[tilespmem:v11+s8+$0x0] =	vst.idx.msk $0xffff, v10  }
0x2e6: {  	v11 =	vld [tilespmem:$0x19960];
	_ =	sdelay $0x7  }
0x2e7: {  	[tilespmem:v11+s3+$0x0] =	vst.idx.msk $0xffff, v10  }
0x2e8: {  	v11 =	vld [tilespmem:$0x19A60];
	_ =	sdelay $0x7  }
0x2e9: {  	[tilespmem:v11+s8+$0x0] =	vst.idx.msk $0xffff, v10  }
0x2ea: {  	v11 =	vld [tilespmem:$0x19970];
	_ =	sdelay $0x7  }
0x2eb: {  	[tilespmem:v11+s3+$0x0] =	vst.idx.msk $0xffff, v10  }
0x2ec: {  	v11 =	vld [tilespmem:$0x19A70];
	_ =	sdelay $0x7  }
0x2ed: {  	[tilespmem:v11+s8+$0x0] =	vst.idx.msk $0xffff, v10  }
0x2ee: {  	v11 =	vld [tilespmem:$0x19980];
	_ =	sdelay $0x7  }
0x2ef: {  	[tilespmem:v11+s3+$0x0] =	vst.idx.msk $0xffff, v10  }
0x2f0: {  	v11 =	vld [tilespmem:$0x19A80];
	_ =	sdelay $0x7  }
0x2f1: {  	[tilespmem:v11+s8+$0x0] =	vst.idx.msk $0xffff, v10  }
0x2f2: {  	v11 =	vld [tilespmem:$0x19990];
	_ =	sdelay $0x7  }
0x2f3: {  	[tilespmem:v11+s3+$0x0] =	vst.idx.msk $0xffff, v10  }
0x2f4: {  	v11 =	vld [tilespmem:$0x19A90];
	_ =	sdelay $0x7  }
0x2f5: {  	[tilespmem:v11+s8+$0x0] =	vst.idx.msk $0xffff, v10  }
0x2f6: {  	v11 =	vld [tilespmem:$0x199A0];
	_ =	sdelay $0x7  }
0x2f7: {  	[tilespmem:v11+s3+$0x0] =	vst.idx.msk $0xffff, v10  }
0x2f8: {  	v11 =	vld [tilespmem:$0x19AA0];
	_ =	sdelay $0x7  }
0x2f9: {  	[tilespmem:v11+s8+$0x0] =	vst.idx.msk $0xffff, v10  }
0x2fa: {  	v11 =	vld [tilespmem:$0x199B0];
	_ =	sdelay $0x7  }
0x2fb: {  	[tilespmem:v11+s3+$0x0] =	vst.idx.msk $0xffff, v10  }
0x2fc: {  	v11 =	vld [tilespmem:$0x19AB0];
	_ =	sdelay $0x7  }
0x2fd: {  	[tilespmem:v11+s8+$0x0] =	vst.idx.msk $0xffff, v10  }
0x2fe: {  	v11 =	vld [tilespmem:$0x199C0];
	_ =	sdelay $0x7  }
0x2ff: {  	[tilespmem:v11+s3+$0x0] =	vst.idx.msk $0xffff, v10  }
0x300: {  	v11 =	vld [tilespmem:$0x19AC0];
	_ =	sdelay $0x7  }
0x301: {  	[tilespmem:v11+s8+$0x0] =	vst.idx.msk $0xffff, v10  }
0x302: {  	v11 =	vld [tilespmem:$0x199D0];
	_ =	sdelay $0x7  }
0x303: {  	[tilespmem:v11+s3+$0x0] =	vst.idx.msk $0xffff, v10  }
0x304: {  	v11 =	vld [tilespmem:$0x19AD0];
	_ =	sdelay $0x7  }
0x305: {  	[tilespmem:v11+s8+$0x0] =	vst.idx.msk $0xffff, v10  }
0x306: {  	v11 =	vld [tilespmem:$0x199E0];
	_ =	sdelay $0x7  }
0x307: {  	[tilespmem:v11+s3+$0x0] =	vst.idx.msk $0xffff, v10  }
0x308: {  	v11 =	vld [tilespmem:$0x19AE0];
	_ =	sdelay $0x7  }
0x309: {  	[tilespmem:v11+s8+$0x0] =	vst.idx.msk $0xffff, v10  }
0x30a: {  	v11 =	vld [tilespmem:$0x199F0];
	_ =	sdelay $0x7  }
0x30b: {  	[tilespmem:v11+s3+$0x0] =	vst.idx.msk $0xffff, v10  }
0x30c: {  	v11 =	vld [tilespmem:$0x19AF0];
	_ =	sdelay $0x5  }
0x30d: {  	s1 =	rddreg [dreg:$0x4]  }
0x30e: {  	s0 =	rddreg [dreg:$0x9]  }
0x30f: {  	s0 =	sadd.s32 s1, s0;
	[tilespmem:v11+s8+$0x0] =	vst.idx.msk $0xffff, v10  }
0x310: {  	[hbm4b:s0+s3] =	stream.linear.scatter [tilespmem:s3], [sflag:$0x1], $0x8000, $0x38;
	[tilespmem:$0x19B00] =	vst v63  }
0x311: {  	s25 =	sshll.u32 s25, $0x5;
	s26 =	rddreg [dreg:$0x2];
	s24 =	sadd.s32 s1, s28  }
0x312: {  	[hbm4b:s24+s3] =	stream.linear.scatter [tilespmem:s8], [sflag:$0x2], $0x8000, $0x38;
	[tilespmem:$0x19B00] =	vst v63  }
0x313: {  	s28 =	rddreg [dreg:$0x8];
	s0 =	sadd.s32 s26, s25  }
0x314: {  	[hbm4b:s0+s3] =	stream.linear.scatter [tilespmem:s16], [sflag:$0x3], $0x100, $0x38;
	[tilespmem:$0x19B00] =	vst v63  }
0x315: {  	s0 =	sshll.u32 s28, $0x5  }
0x316: {  	s0 =	sand.u32 $0x1FFFFFE0, s0  }
0x317: {  	s2 =	simm.s32 $0x1;
	s0 =	sadd.s32 s26, s0  }
0x318: {  	[hbm4b:s0+s3] =	stream.linear.scatter [tilespmem:s19], [sflag:$0x4], $0x100, $0x38;
	[tilespmem:$0x19B00] =	vst v63  }
0x319: {  	_ =	swait.ge [sflag:s2], $0x8000  }
0x31a: {  	[sflag:s2] =	ssyncset.done $0x0  }
0x31b: {  	s0 =	simm.s32 $0x2;
	[sflag:s2] =	ssyncadd.s32 $0xFFFF8000  }
0x31c: {  	_ =	swait.ge [sflag:s0], $0x8000  }
0x31d: {  	[sflag:s0] =	ssyncset.done $0x0  }
0x31e: {  	s29 =	simm.s32 $0x3;
	[sflag:s0] =	ssyncadd.s32 $0xFFFF8000  }
0x31f: {  	_ =	swait.ge [sflag:s29], $0x100  }
0x320: {  	[sflag:s29] =	ssyncset.done $0x0  }
0x321: {  	s30 =	simm.s32 $0x4;
	[sflag:s29] =	ssyncadd.s32 $0xFFFFFF00  }
0x322: {  	_ =	swait.ge [sflag:s30], $0x100  }
0x323: {  	s31 =	sld [smem:$0x7FD];
	_ =	sdelay $0x2  }
0x324: {  	p0 =	seq.s32 s31, $0x1  }
.Ltmp8:
0x325: {  	_ = 	snop;
	(pc) =	sbr.rel @p0 .LBB2_2-.Ltmp8, $3  }
0x326: {  	_ =	sdelay $0x1  }
0x327: {  	[sflag:s30] =	ssyncset.done $0x0  }
0x328: {  	p1 =	por $0x0, $0x0;
	[sflag:s30] =	ssyncadd.s32 $0xFFFFFF00  }
0x329: {  	s1 =	rddreg [dreg:$0x7]  }
0x32a: {  	s0 =	rddreg [dreg:$0x6];
	s1 =	sadd.s32 $0x1, s1  }
0x32b: {  	p0 =	sne.s32 s1, s0  }
.Ltmp9:
0x32c: {  	_ = 	snop;
	(pc) =	sbr.rel @p0 .LBB2_1-.Ltmp9, $1  }
0x32d: {  	_ =	sdelay $0x3  }
0x32e: {  	_ =	sfence.sel $0x180000  }
0x32f: {  	[bflag:$0x0] =	sbarrier.arrive $0xFFFF  }
0x330: {  	_ =	strace $0x90000047  }
0x331: {  	s0 =	stileid.u32;
	[bflag:$0x2] =	sbarrier.arrive $0xFFFF  }
0x332: {  	p0 =	sne.s32 s0, $0x0;
	s0 =	rddreg [dreg:$0x3]  }
0x333: {  	s0 =	sadd.s32 @!p0 $0x100000, s0  }
0x334: {  	[sflag:s0] =	ssyncadd.tile.s32 @!p0 $0x1;
	_ =	shalt  }
.Lfunc_end2:
_tile_overlayer_lowered:
.L_overlay_start_2:
0x335: {  	(tag) =	ssettag $0x2  }
0x336: {  	s0 =	rddreg [dreg:$0x0];
	s2 =	stileid.u32  }
0x337: {  	s1 =	rddreg [dreg:$0x1];
	p0 =	sne.s32 s2, $0x0  }
0x338: {  	s3 =	rddreg [dreg:$0x2];
	[bflag:$0x3] =	sbarrier.arrive $0xFFFF;
	s2 =	simm.s32 @!p0 $0x1C05  }
0x339: {  	[timem:s3], [sflag:s2] =	dma.local @!p0 [hbm:s0], s1  }
0x33a: {  	s0 =	simm.s32 @!p0 $0x5  }
0x33b: {  	_ =	swait.ge @!p0 [sflag:s0], s1  }
0x33c: {  	s1 =	ssub.s32 @!p0 $0x0, s1;
	[sflag:s0] =	ssyncset.done @!p0 $0x0  }
0x33d: {  	[sflag:s0] =	ssyncadd.s32 @!p0 s1  }
0x33e: {  	[bflag:$0x3] =	sbarrier.arrive $0xFFFF  }
0x33f: {  	_ =	shalt  }

</sc_bundles>
